<compile_context>
chip_gen: v7x
topology: tpu7x:2x2x1
jax: 0.10.2.dev20260603
libtpu: 0.0.44.dev20260713+nightly
codegen_flags: <defaults>
</compile_context>

<pallas_src>
import functools

import jax
import jax.numpy as jnp
from jax import lax
from jax.experimental import pallas as pl
from jax.experimental.pallas import tpu as pltpu
from jax.experimental.pallas import tpu_sc as plsc

NC = 2
NS = 16
NW = NC * NS

BATCH = 16384
FIELDS = 26
EMBED_DIM = 32
VOCAB = 1000000

PACK = 128 // EMBED_DIM
PROWS = VOCAB // PACK
NFC = VOCAB // 128
TAIL = VOCAB - NFC * 128
NBLK = NFC // 4
BLK_PER_W = (NBLK + NW - 1) // NW

CHUNK = 128
NCHW = (FIELDS * BATCH) // (CHUNK * NW)

_mesh = plsc.VectorSubcoreMesh(core_axis_name="c", subcore_axis_name="s")
_params = pltpu.CompilerParams(use_tc_tiling_on_sc=True,
                               needs_layout_passes=False)


def _wid():
    return lax.axis_index("s") * NC + lax.axis_index("c")


@functools.partial(
    pl.kernel,
    mesh=_mesh,
    out_type=jax.ShapeDtypeStruct((PROWS, 128), jnp.float32),
    scratch_types=[
        pltpu.VMEM((EMBED_DIM, 512), jnp.float32),
        pltpu.VMEM((EMBED_DIM, 512), jnp.float32),
        pltpu.VMEM((128, 128), jnp.float32),
        pltpu.VMEM((128, 128), jnp.float32),
    ]
    + [pltpu.SemaphoreType.DMA] * 4,
    compiler_params=_params,
)
def _pack_kernel(pt_hbm, tail_hbm, packed_hbm,
                 tbuf0, tbuf1, pbuf0, pbuf1,
                 isem0, isem1, osem0, osem1):
    wid = _wid()
    nt = jnp.where(wid < NBLK - (BLK_PER_W - 1) * NW, BLK_PER_W, BLK_PER_W - 1)
    iota16 = lax.iota(jnp.int32, 16)
    tbufs, pbufs = (tbuf0, tbuf1), (pbuf0, pbuf1)
    isem, osem = (isem0, isem1), (osem0, osem1)

    def in_slice(t):
        return pt_hbm.at[:, pl.ds((wid + NW * t) * 512, 512)]

    def out_slice(t):
        return packed_hbm.at[pl.ds((wid + NW * t) * 128, 128)]

    def transpose_block(tb, pb):
        evecs = (iota16, iota16 + 16)

        def x0_group(xg, carry):
            for dx in range(4):
                x0 = 4 * xg + dx
                for r in range(2):
                    ev = evecs[r]
                    x = lax.bitwise_and(x0 + ev, 511)
                    vals = plsc.load_gather(tb, [ev, x])
                    pr = lax.shift_right_logical(x, 2)
                    pc = lax.shift_left(lax.bitwise_and(x, 3), 5) + ev
                    plsc.store_scatter(pb, [pr, pc], vals)
            return carry

        lax.fori_loop(0, 128, x0_group, 0)

    def step(t, s):
        @pl.when(t < nt)
        def _():
            @pl.when(t >= 2)
            def _():
                pltpu.make_async_copy(pbufs[s], out_slice(t), osem[s]).wait()

            @pl.when(t + 1 < nt)
            def _():
                pltpu.async_copy(in_slice(t + 1), tbufs[1 - s], isem[1 - s])

            pltpu.make_async_copy(in_slice(t), tbufs[s], isem[s]).wait()
            transpose_block(tbufs[s], pbufs[s])
            pltpu.async_copy(pbufs[s], out_slice(t), osem[s])

    pltpu.async_copy(in_slice(0), tbuf0, isem0)

    def loop_body(u, carry):
        step(2 * u, 0)
        step(2 * u + 1, 1)
        return carry

    lax.fori_loop(0, (BLK_PER_W + 2) // 2, loop_body, 0)
    for s in range(2):
        pltpu.make_async_copy(pbufs[s], out_slice(0), osem[s]).wait()

    @pl.when(wid == 0)
    def _():
        pltpu.sync_copy(tail_hbm, pbuf0.at[pl.ds(0, TAIL // PACK)])
        pltpu.sync_copy(pbuf0.at[pl.ds(0, TAIL // PACK)],
                        packed_hbm.at[pl.ds(NFC * 32, TAIL // PACK)])


@functools.partial(
    pl.kernel,
    mesh=_mesh,
    out_type=jax.ShapeDtypeStruct((FIELDS, EMBED_DIM, BATCH), jnp.float32),
    scratch_types=[pltpu.VMEM((1, 128), jnp.int32)] * 8
    + [pltpu.VMEM((CHUNK, 128), jnp.float32)] * 4
    + [pltpu.VMEM((EMBED_DIM, CHUNK), jnp.float32)] * 2
    + [pltpu.SemaphoreType.DMA] * 10,
    compiler_params=_params,
)
def _gather_kernel(q_hbm, o_hbm, packed_hbm, out_hbm, *scr):
    qbufs, obufs = scr[0:4], scr[4:8]
    gbufs, oblks = scr[8:12], scr[12:14]
    ssem, gsem, osem = scr[14:18], scr[18:22], scr[22:24]
    wid = _wid()
    iota16 = lax.iota(jnp.int32, 16)
    bbs = [iota16 + 16 * g for g in range(8)]

    def stage(t, s):
        pltpu.async_copy(q_hbm.at[wid, pl.ds(t, 1)], qbufs[s], ssem[s])
        pltpu.async_copy(o_hbm.at[wid, pl.ds(t, 1)], obufs[s], ssem[s])

    def wait_stage(s):
        pltpu.make_async_copy(q_hbm.at[wid, pl.ds(0, 1)], qbufs[s],
                              ssem[s]).wait()
        pltpu.make_async_copy(o_hbm.at[wid, pl.ds(0, 1)], obufs[s],
                              ssem[s]).wait()

    def fire(s):
        pltpu.async_copy(packed_hbm.at[qbufs[s].at[0]], gbufs[s], gsem[s])

    def out_slab(t):
        p = wid * NCHW + t
        f = p // (BATCH // CHUNK)
        bg = lax.rem(p, BATCH // CHUNK)
        return out_hbm.at[f, :, pl.ds(bg * CHUNK, CHUNK)]

    def step(t, s4, s2):
        @pl.when(t + 3 < NCHW)
        def _():
            stage(t + 3, (s4 + 3) % 4)

        @pl.when(t + 2 < NCHW)
        def _():
            wait_stage((s4 + 2) % 4)
            fire((s4 + 2) % 4)

        @pl.when(t >= 2)
        def _():
            pltpu.make_async_copy(oblks[s2], out_slab(t), osem[s2]).wait()

        pltpu.make_async_copy(packed_hbm.at[pl.ds(0, CHUNK)], gbufs[s4],
                              gsem[s4]).wait()
        offs = [obufs[s4][0, pl.ds(16 * g, 16)] for g in range(8)]

        def e_group(e0, carry):
            ev = lax.bitwise_and(e0 + iota16, 31)
            for g in range(8):
                vals = plsc.load_gather(gbufs[s4], [bbs[g], offs[g] + ev])
                plsc.store_scatter(oblks[s2], [ev, bbs[g]], vals)
            return carry

        lax.fori_loop(0, 32, e_group, 0)
        pltpu.async_copy(oblks[s2], out_slab(t), osem[s2])

    stage(0, 0)
    stage(1, 1)
    stage(2, 2)
    wait_stage(0)
    fire(0)
    wait_stage(1)
    fire(1)

    def loop_body(u, carry):
        for k in range(4):
            step(4 * u + k, k, k % 2)
        return carry

    lax.fori_loop(0, NCHW // 4, loop_body, 0)
    for s in range(2):
        pltpu.make_async_copy(oblks[s], out_slab(0), osem[s]).wait()


def kernel(inputs, params):
    idxt = inputs.astype(jnp.int32).T.reshape(NW, NCHW, 128)
    qarr = jnp.right_shift(idxt, 2)
    oarr = jnp.bitwise_and(idxt, 3) * EMBED_DIM
    tail = params[NFC * 128:].reshape(TAIL // PACK, 128)
    packed = _pack_kernel(params.T, tail)
    out_t = _gather_kernel(qarr, oarr, packed)
    return out_t.transpose(2, 0, 1)

# --- scband reference (transcript-rebuilt; emitter-appended) ---
"""Pipeline reference for scband-custom-embedding-1511828488774 (READ-ONLY COPY).

The authoritative reference and input builder live on the scoring server;
editing this copy changes nothing except your own understanding.
"""

import jax, jax.numpy as jnp
import numpy as np

VOCAB = 1000000
EMBED_DIM = 32
BATCH = 16384
FIELDS = 26

def setup_inputs(seed: int = 0) -> dict:
    key = jax.random.key(seed)
    k1, k2 = jax.random.split(key)
    inputs = jax.random.randint(k1, (BATCH, FIELDS), 0, VOCAB, dtype=jnp.int64 if jax.config.jax_enable_x64 else jnp.int32)
    params = jax.random.normal(k2, (VOCAB, EMBED_DIM), dtype=jnp.float32) * 0.05
    return {"inputs": inputs, "params": params}

def reference(inputs, params):
    # tf.gather(params, indices, axis=None) == gather along axis 0
    return jnp.take(params, inputs, axis=0)

if __name__ == "__main__":
    import jax
    _d = setup_inputs()
    print(jax.jit(kernel)(*tuple(_d.values())))

</pallas_src>

<mosaic_0001>
#map = affine_map<(d0, d1) -> (0, 0, 0)>
#map1 = affine_map<(d0, d1) -> (0, 0)>
module attributes {stable_mosaic.version = 14 : i64} {
  func.func @_gather_kernel(%arg0: i32, %arg1: i32, %arg2: memref<32x104x128xi32, #tpu.memory_space<hbm>>, %arg3: memref<32x104x128xi32, #tpu.memory_space<hbm>>, %arg4: memref<250000x128xf32, #tpu.memory_space<hbm>>, %arg5: memref<26x32x16384xf32, #tpu.memory_space<hbm>>, %arg6: memref<1x128xi32, #tpu.memory_space<vmem>>, %arg7: memref<1x128xi32, #tpu.memory_space<vmem>>, %arg8: memref<1x128xi32, #tpu.memory_space<vmem>>, %arg9: memref<1x128xi32, #tpu.memory_space<vmem>>, %arg10: memref<1x128xi32, #tpu.memory_space<vmem>>, %arg11: memref<1x128xi32, #tpu.memory_space<vmem>>, %arg12: memref<1x128xi32, #tpu.memory_space<vmem>>, %arg13: memref<1x128xi32, #tpu.memory_space<vmem>>, %arg14: memref<128x128xf32, #tpu.memory_space<vmem>>, %arg15: memref<128x128xf32, #tpu.memory_space<vmem>>, %arg16: memref<128x128xf32, #tpu.memory_space<vmem>>, %arg17: memref<128x128xf32, #tpu.memory_space<vmem>>, %arg18: memref<32x128xf32, #tpu.memory_space<vmem>>, %arg19: memref<32x128xf32, #tpu.memory_space<vmem>>, %arg20: memref<!tpu.dma_semaphore, #tpu.memory_space<semaphore_mem>>, %arg21: memref<!tpu.dma_semaphore, #tpu.memory_space<semaphore_mem>>, %arg22: memref<!tpu.dma_semaphore, #tpu.memory_space<semaphore_mem>>, %arg23: memref<!tpu.dma_semaphore, #tpu.memory_space<semaphore_mem>>, %arg24: memref<!tpu.dma_semaphore, #tpu.memory_space<semaphore_mem>>, %arg25: memref<!tpu.dma_semaphore, #tpu.memory_space<semaphore_mem>>, %arg26: memref<!tpu.dma_semaphore, #tpu.memory_space<semaphore_mem>>, %arg27: memref<!tpu.dma_semaphore, #tpu.memory_space<semaphore_mem>>, %arg28: memref<!tpu.dma_semaphore, #tpu.memory_space<semaphore_mem>>, %arg29: memref<!tpu.dma_semaphore, #tpu.memory_space<semaphore_mem>>) attributes {dimension_semantics = [#tpu.dimension_semantics<core_parallel>, #tpu.dimension_semantics<subcore_parallel>], iteration_bounds = array<i64: 2, 16>, scalar_prefetch = 0 : i64, scratch_operands = 24 : i64, tpu.core_type = #tpu.core_type<sc_vector_subcore>, window_params = [{transform_indices = #map}, {transform_indices = #map}, {transform_indices = #map1}, {transform_indices = #map}]} {
    %mul3A = arith.constant 2 : i32
    %mul3A_0 = arith.muli %arg1, %mul3A : i32
    %add3A = arith.addi %mul3A_0, %arg0 : i32
    %iota3A = tpu.iota {dimensions = array<i32: 0>} : vector<16xi32>
    %add3A_1 = arith.constant 0 : i32
    %add3A_2 = vector.broadcast %add3A_1 : i32 to vector<16xi32>
    %add3A_3 = arith.addi %iota3A, %add3A_2 : vector<16xi32>
    %add3A_4 = arith.constant 16 : i32
    %add3A_5 = vector.broadcast %add3A_4 : i32 to vector<16xi32>
    %add3A_6 = arith.addi %iota3A, %add3A_5 : vector<16xi32>
    %add3A_7 = arith.constant 32 : i32
    %add3A_8 = vector.broadcast %add3A_7 : i32 to vector<16xi32>
    %add3A_9 = arith.addi %iota3A, %add3A_8 : vector<16xi32>
    %add3A_10 = arith.constant 48 : i32
    %add3A_11 = vector.broadcast %add3A_10 : i32 to vector<16xi32>
    %add3A_12 = arith.addi %iota3A, %add3A_11 : vector<16xi32>
    %add3A_13 = arith.constant 64 : i32
    %add3A_14 = vector.broadcast %add3A_13 : i32 to vector<16xi32>
    %add3A_15 = arith.addi %iota3A, %add3A_14 : vector<16xi32>
    %add3A_16 = arith.constant 80 : i32
    %add3A_17 = vector.broadcast %add3A_16 : i32 to vector<16xi32>
    %add3A_18 = arith.addi %iota3A, %add3A_17 : vector<16xi32>
    %add3A_19 = arith.constant 96 : i32
    %add3A_20 = vector.broadcast %add3A_19 : i32 to vector<16xi32>
    %add3A_21 = arith.addi %iota3A, %add3A_20 : vector<16xi32>
    %add3A_22 = arith.constant 112 : i32
    %add3A_23 = vector.broadcast %add3A_22 : i32 to vector<16xi32>
    %add3A_24 = arith.addi %iota3A, %add3A_23 : vector<16xi32>
    %dma_start3A = arith.constant 0 : i32
    %dma_start3A_25 = arith.constant 0 : i32
    %dma_start3A_26 = tpu.memref_slice %arg2[%add3A, %dma_start3A, %dma_start3A_25] : memref<32x104x128xi32, #tpu.memory_space<hbm>> -> memref<1x1x128xi32, #tpu.memory_space<hbm>>
    %dma_start3A_27 = tpu.memref_squeeze %dma_start3A_26 : memref<1x1x128xi32, #tpu.memory_space<hbm>> -> memref<1x128xi32, #tpu.memory_space<hbm>>
    %dma_start3A_28 = arith.constant 0 : i32
    %dma_start3A_29 = arith.constant 0 : i32
    %dma_start3A_30 = tpu.memref_slice %arg2[%add3A, %dma_start3A_28, %dma_start3A_29] : memref<32x104x128xi32, #tpu.memory_space<hbm>> -> memref<1x1x128xi32, #tpu.memory_space<hbm>>
    %dma_start3A_31 = tpu.memref_squeeze %dma_start3A_30 : memref<1x1x128xi32, #tpu.memory_space<hbm>> -> memref<1x128xi32, #tpu.memory_space<hbm>>
    tpu.enqueue_dma source(%dma_start3A_31 : memref<1x128xi32, #tpu.memory_space<hbm>>) target(%arg6 : memref<1x128xi32, #tpu.memory_space<vmem>>) target_semaphore(%arg20 : memref<!tpu.dma_semaphore, #tpu.memory_space<semaphore_mem>>)
    %dma_start3A_32 = arith.constant 0 : i32
    %dma_start3A_33 = arith.constant 0 : i32
    %dma_start3A_34 = tpu.memref_slice %arg3[%add3A, %dma_start3A_32, %dma_start3A_33] : memref<32x104x128xi32, #tpu.memory_space<hbm>> -> memref<1x1x128xi32, #tpu.memory_space<hbm>>
    %dma_start3A_35 = tpu.memref_squeeze %dma_start3A_34 : memref<1x1x128xi32, #tpu.memory_space<hbm>> -> memref<1x128xi32, #tpu.memory_space<hbm>>
    %dma_start3A_36 = arith.constant 0 : i32
    %dma_start3A_37 = arith.constant 0 : i32
    %dma_start3A_38 = tpu.memref_slice %arg3[%add3A, %dma_start3A_36, %dma_start3A_37] : memref<32x104x128xi32, #tpu.memory_space<hbm>> -> memref<1x1x128xi32, #tpu.memory_space<hbm>>
    %dma_start3A_39 = tpu.memref_squeeze %dma_start3A_38 : memref<1x1x128xi32, #tpu.memory_space<hbm>> -> memref<1x128xi32, #tpu.memory_space<hbm>>
    tpu.enqueue_dma source(%dma_start3A_39 : memref<1x128xi32, #tpu.memory_space<hbm>>) target(%arg10 : memref<1x128xi32, #tpu.memory_space<vmem>>) target_semaphore(%arg20 : memref<!tpu.dma_semaphore, #tpu.memory_space<semaphore_mem>>)
    %dma_start3A_40 = arith.constant 1 : i32
    %dma_start3A_41 = arith.constant 0 : i32
    %dma_start3A_42 = tpu.memref_slice %arg2[%add3A, %dma_start3A_40, %dma_start3A_41] : memref<32x104x128xi32, #tpu.memory_space<hbm>> -> memref<1x1x128xi32, #tpu.memory_space<hbm>>
    %dma_start3A_43 = tpu.memref_squeeze %dma_start3A_42 : memref<1x1x128xi32, #tpu.memory_space<hbm>> -> memref<1x128xi32, #tpu.memory_space<hbm>>
    %dma_start3A_44 = arith.constant 1 : i32
    %dma_start3A_45 = arith.constant 0 : i32
    %dma_start3A_46 = tpu.memref_slice %arg2[%add3A, %dma_start3A_44, %dma_start3A_45] : memref<32x104x128xi32, #tpu.memory_space<hbm>> -> memref<1x1x128xi32, #tpu.memory_space<hbm>>
    %dma_start3A_47 = tpu.memref_squeeze %dma_start3A_46 : memref<1x1x128xi32, #tpu.memory_space<hbm>> -> memref<1x128xi32, #tpu.memory_space<hbm>>
    tpu.enqueue_dma source(%dma_start3A_47 : memref<1x128xi32, #tpu.memory_space<hbm>>) target(%arg7 : memref<1x128xi32, #tpu.memory_space<vmem>>) target_semaphore(%arg21 : memref<!tpu.dma_semaphore, #tpu.memory_space<semaphore_mem>>)
    %dma_start3A_48 = arith.constant 1 : i32
    %dma_start3A_49 = arith.constant 0 : i32
    %dma_start3A_50 = tpu.memref_slice %arg3[%add3A, %dma_start3A_48, %dma_start3A_49] : memref<32x104x128xi32, #tpu.memory_space<hbm>> -> memref<1x1x128xi32, #tpu.memory_space<hbm>>
    %dma_start3A_51 = tpu.memref_squeeze %dma_start3A_50 : memref<1x1x128xi32, #tpu.memory_space<hbm>> -> memref<1x128xi32, #tpu.memory_space<hbm>>
    %dma_start3A_52 = arith.constant 1 : i32
    %dma_start3A_53 = arith.constant 0 : i32
    %dma_start3A_54 = tpu.memref_slice %arg3[%add3A, %dma_start3A_52, %dma_start3A_53] : memref<32x104x128xi32, #tpu.memory_space<hbm>> -> memref<1x1x128xi32, #tpu.memory_space<hbm>>
    %dma_start3A_55 = tpu.memref_squeeze %dma_start3A_54 : memref<1x1x128xi32, #tpu.memory_space<hbm>> -> memref<1x128xi32, #tpu.memory_space<hbm>>
    tpu.enqueue_dma source(%dma_start3A_55 : memref<1x128xi32, #tpu.memory_space<hbm>>) target(%arg11 : memref<1x128xi32, #tpu.memory_space<vmem>>) target_semaphore(%arg21 : memref<!tpu.dma_semaphore, #tpu.memory_space<semaphore_mem>>)
    %dma_start3A_56 = arith.constant 2 : i32
    %dma_start3A_57 = arith.constant 0 : i32
    %dma_start3A_58 = tpu.memref_slice %arg2[%add3A, %dma_start3A_56, %dma_start3A_57] : memref<32x104x128xi32, #tpu.memory_space<hbm>> -> memref<1x1x128xi32, #tpu.memory_space<hbm>>
    %dma_start3A_59 = tpu.memref_squeeze %dma_start3A_58 : memref<1x1x128xi32, #tpu.memory_space<hbm>> -> memref<1x128xi32, #tpu.memory_space<hbm>>
    %dma_start3A_60 = arith.constant 2 : i32
    %dma_start3A_61 = arith.constant 0 : i32
    %dma_start3A_62 = tpu.memref_slice %arg2[%add3A, %dma_start3A_60, %dma_start3A_61] : memref<32x104x128xi32, #tpu.memory_space<hbm>> -> memref<1x1x128xi32, #tpu.memory_space<hbm>>
    %dma_start3A_63 = tpu.memref_squeeze %dma_start3A_62 : memref<1x1x128xi32, #tpu.memory_space<hbm>> -> memref<1x128xi32, #tpu.memory_space<hbm>>
    tpu.enqueue_dma source(%dma_start3A_63 : memref<1x128xi32, #tpu.memory_space<hbm>>) target(%arg8 : memref<1x128xi32, #tpu.memory_space<vmem>>) target_semaphore(%arg22 : memref<!tpu.dma_semaphore, #tpu.memory_space<semaphore_mem>>)
    %dma_start3A_64 = arith.constant 2 : i32
    %dma_start3A_65 = arith.constant 0 : i32
    %dma_start3A_66 = tpu.memref_slice %arg3[%add3A, %dma_start3A_64, %dma_start3A_65] : memref<32x104x128xi32, #tpu.memory_space<hbm>> -> memref<1x1x128xi32, #tpu.memory_space<hbm>>
    %dma_start3A_67 = tpu.memref_squeeze %dma_start3A_66 : memref<1x1x128xi32, #tpu.memory_space<hbm>> -> memref<1x128xi32, #tpu.memory_space<hbm>>
    %dma_start3A_68 = arith.constant 2 : i32
    %dma_start3A_69 = arith.constant 0 : i32
    %dma_start3A_70 = tpu.memref_slice %arg3[%add3A, %dma_start3A_68, %dma_start3A_69] : memref<32x104x128xi32, #tpu.memory_space<hbm>> -> memref<1x1x128xi32, #tpu.memory_space<hbm>>
    %dma_start3A_71 = tpu.memref_squeeze %dma_start3A_70 : memref<1x1x128xi32, #tpu.memory_space<hbm>> -> memref<1x128xi32, #tpu.memory_space<hbm>>
    tpu.enqueue_dma source(%dma_start3A_71 : memref<1x128xi32, #tpu.memory_space<hbm>>) target(%arg12 : memref<1x128xi32, #tpu.memory_space<vmem>>) target_semaphore(%arg22 : memref<!tpu.dma_semaphore, #tpu.memory_space<semaphore_mem>>)
    %dma_wait3A = arith.constant 0 : i32
    %dma_wait3A_72 = arith.constant 0 : i32
    %dma_wait3A_73 = tpu.memref_slice %arg2[%add3A, %dma_wait3A, %dma_wait3A_72] : memref<32x104x128xi32, #tpu.memory_space<hbm>> -> memref<1x1x128xi32, #tpu.memory_space<hbm>>
    %dma_wait3A_74 = tpu.memref_squeeze %dma_wait3A_73 : memref<1x1x128xi32, #tpu.memory_space<hbm>> -> memref<1x128xi32, #tpu.memory_space<hbm>>
    %dma_wait3A_75 = arith.constant 0 : i32
    %dma_wait3A_76 = arith.constant 0 : i32
    %dma_wait3A_77 = tpu.memref_slice %arg2[%add3A, %dma_wait3A_75, %dma_wait3A_76] : memref<32x104x128xi32, #tpu.memory_space<hbm>> -> memref<1x1x128xi32, #tpu.memory_space<hbm>>
    %dma_wait3A_78 = tpu.memref_squeeze %dma_wait3A_77 : memref<1x1x128xi32, #tpu.memory_space<hbm>> -> memref<1x128xi32, #tpu.memory_space<hbm>>
    tpu.wait_dma2 semaphore(%arg20 : memref<!tpu.dma_semaphore, #tpu.memory_space<semaphore_mem>>) src(%dma_wait3A_78 : memref<1x128xi32, #tpu.memory_space<hbm>>) dst(%arg6 : memref<1x128xi32, #tpu.memory_space<vmem>>)
    %dma_wait3A_79 = arith.constant 0 : i32
    %dma_wait3A_80 = arith.constant 0 : i32
    %dma_wait3A_81 = tpu.memref_slice %arg3[%add3A, %dma_wait3A_79, %dma_wait3A_80] : memref<32x104x128xi32, #tpu.memory_space<hbm>> -> memref<1x1x128xi32, #tpu.memory_space<hbm>>
    %dma_wait3A_82 = tpu.memref_squeeze %dma_wait3A_81 : memref<1x1x128xi32, #tpu.memory_space<hbm>> -> memref<1x128xi32, #tpu.memory_space<hbm>>
    %dma_wait3A_83 = arith.constant 0 : i32
    %dma_wait3A_84 = arith.constant 0 : i32
    %dma_wait3A_85 = tpu.memref_slice %arg3[%add3A, %dma_wait3A_83, %dma_wait3A_84] : memref<32x104x128xi32, #tpu.memory_space<hbm>> -> memref<1x1x128xi32, #tpu.memory_space<hbm>>
    %dma_wait3A_86 = tpu.memref_squeeze %dma_wait3A_85 : memref<1x1x128xi32, #tpu.memory_space<hbm>> -> memref<1x128xi32, #tpu.memory_space<hbm>>
    tpu.wait_dma2 semaphore(%arg20 : memref<!tpu.dma_semaphore, #tpu.memory_space<semaphore_mem>>) src(%dma_wait3A_86 : memref<1x128xi32, #tpu.memory_space<hbm>>) dst(%arg10 : memref<1x128xi32, #tpu.memory_space<vmem>>)
    %dma_start3A_87 = arith.constant 0 : i32
    %dma_start3A_88 = arith.constant 0 : i32
    %dma_start3A_89 = tpu.memref_slice %arg6[%dma_start3A_87, %dma_start3A_88] : memref<1x128xi32, #tpu.memory_space<vmem>> -> memref<1x128xi32, #tpu.memory_space<vmem>>
    %dma_start3A_90 = tpu.memref_squeeze %dma_start3A_89 : memref<1x128xi32, #tpu.memory_space<vmem>> -> memref<128xi32, #tpu.memory_space<vmem>>
    %dma_start3A_91 = arith.constant 0 : i32
    %dma_start3A_92 = arith.constant 0 : i32
    %dma_start3A_93 = tpu.memref_slice %arg4[%dma_start3A_91, %dma_start3A_92] : memref<250000x128xf32, #tpu.memory_space<hbm>> -> memref<250000x128xf32, #tpu.memory_space<hbm>>
    tpu.enqueue_indirect_dma source(%dma_start3A_93 : memref<250000x128xf32, #tpu.memory_space<hbm>>) target(%arg14 : memref<128x128xf32, #tpu.memory_space<vmem>>) offsets(%dma_start3A_90 : memref<128xi32, #tpu.memory_space<vmem>>) semaphore(%arg24 : memref<!tpu.dma_semaphore, #tpu.memory_space<semaphore_mem>>)
    %dma_wait3A_94 = arith.constant 0 : i32
    %dma_wait3A_95 = arith.constant 0 : i32
    %dma_wait3A_96 = tpu.memref_slice %arg2[%add3A, %dma_wait3A_94, %dma_wait3A_95] : memref<32x104x128xi32, #tpu.memory_space<hbm>> -> memref<1x1x128xi32, #tpu.memory_space<hbm>>
    %dma_wait3A_97 = tpu.memref_squeeze %dma_wait3A_96 : memref<1x1x128xi32, #tpu.memory_space<hbm>> -> memref<1x128xi32, #tpu.memory_space<hbm>>
    %dma_wait3A_98 = arith.constant 0 : i32
    %dma_wait3A_99 = arith.constant 0 : i32
    %dma_wait3A_100 = tpu.memref_slice %arg2[%add3A, %dma_wait3A_98, %dma_wait3A_99] : memref<32x104x128xi32, #tpu.memory_space<hbm>> -> memref<1x1x128xi32, #tpu.memory_space<hbm>>
    %dma_wait3A_101 = tpu.memref_squeeze %dma_wait3A_100 : memref<1x1x128xi32, #tpu.memory_space<hbm>> -> memref<1x128xi32, #tpu.memory_space<hbm>>
    tpu.wait_dma2 semaphore(%arg21 : memref<!tpu.dma_semaphore, #tpu.memory_space<semaphore_mem>>) src(%dma_wait3A_101 : memref<1x128xi32, #tpu.memory_space<hbm>>) dst(%arg7 : memref<1x128xi32, #tpu.memory_space<vmem>>)
    %dma_wait3A_102 = arith.constant 0 : i32
    %dma_wait3A_103 = arith.constant 0 : i32
    %dma_wait3A_104 = tpu.memref_slice %arg3[%add3A, %dma_wait3A_102, %dma_wait3A_103] : memref<32x104x128xi32, #tpu.memory_space<hbm>> -> memref<1x1x128xi32, #tpu.memory_space<hbm>>
    %dma_wait3A_105 = tpu.memref_squeeze %dma_wait3A_104 : memref<1x1x128xi32, #tpu.memory_space<hbm>> -> memref<1x128xi32, #tpu.memory_space<hbm>>
    %dma_wait3A_106 = arith.constant 0 : i32
    %dma_wait3A_107 = arith.constant 0 : i32
    %dma_wait3A_108 = tpu.memref_slice %arg3[%add3A, %dma_wait3A_106, %dma_wait3A_107] : memref<32x104x128xi32, #tpu.memory_space<hbm>> -> memref<1x1x128xi32, #tpu.memory_space<hbm>>
    %dma_wait3A_109 = tpu.memref_squeeze %dma_wait3A_108 : memref<1x1x128xi32, #tpu.memory_space<hbm>> -> memref<1x128xi32, #tpu.memory_space<hbm>>
    tpu.wait_dma2 semaphore(%arg21 : memref<!tpu.dma_semaphore, #tpu.memory_space<semaphore_mem>>) src(%dma_wait3A_109 : memref<1x128xi32, #tpu.memory_space<hbm>>) dst(%arg11 : memref<1x128xi32, #tpu.memory_space<vmem>>)
    %dma_start3A_110 = arith.constant 0 : i32
    %dma_start3A_111 = arith.constant 0 : i32
    %dma_start3A_112 = tpu.memref_slice %arg7[%dma_start3A_110, %dma_start3A_111] : memref<1x128xi32, #tpu.memory_space<vmem>> -> memref<1x128xi32, #tpu.memory_space<vmem>>
    %dma_start3A_113 = tpu.memref_squeeze %dma_start3A_112 : memref<1x128xi32, #tpu.memory_space<vmem>> -> memref<128xi32, #tpu.memory_space<vmem>>
    %dma_start3A_114 = arith.constant 0 : i32
    %dma_start3A_115 = arith.constant 0 : i32
    %dma_start3A_116 = tpu.memref_slice %arg4[%dma_start3A_114, %dma_start3A_115] : memref<250000x128xf32, #tpu.memory_space<hbm>> -> memref<250000x128xf32, #tpu.memory_space<hbm>>
    tpu.enqueue_indirect_dma source(%dma_start3A_116 : memref<250000x128xf32, #tpu.memory_space<hbm>>) target(%arg15 : memref<128x128xf32, #tpu.memory_space<vmem>>) offsets(%dma_start3A_113 : memref<128xi32, #tpu.memory_space<vmem>>) semaphore(%arg25 : memref<!tpu.dma_semaphore, #tpu.memory_space<semaphore_mem>>)
    %scan3A = arith.constant 0 : i32
    %scan3A_117 = arith.constant 0 : i32
    %scan3A_118 = arith.constant 26 : i32
    %scan3A_119 = arith.addi %scan3A_117, %scan3A_118 : i32
    %scan3A_120 = arith.constant 1 : i32
    scf.for %scan3A_190 = %scan3A_117 to %scan3A_119 step %scan3A_120  : i32 {
      %mul3A_191 = arith.constant 4 : i32
      %mul3A_192 = arith.muli %mul3A_191, %scan3A_190 : i32
      %add3A_193 = arith.constant 0 : i32
      %add3A_194 = arith.addi %mul3A_192, %add3A_193 : i32
      %add3A_195 = arith.constant 3 : i32
      %add3A_196 = arith.addi %add3A_194, %add3A_195 : i32
      %lt3A = arith.constant 104 : i32
      %lt3A_197 = arith.cmpi slt, %add3A_196, %lt3A : i32
      %convert_element_type3A = arith.extui %lt3A_197 : i1 to i32
      %cond3A = arith.constant 0 : i32
      %cond3A_198 = arith.cmpi ne, %convert_element_type3A, %cond3A : i32
      scf.if %cond3A_198 {
        %add3A_602 = arith.constant 3 : i32
        %add3A_603 = arith.addi %add3A_194, %add3A_602 : i32
        %dma_start3A_604 = arith.constant 0 : i32
        %dma_start3A_605 = tpu.memref_slice %arg2[%add3A, %add3A_603, %dma_start3A_604] : memref<32x104x128xi32, #tpu.memory_space<hbm>> -> memref<1x1x128xi32, #tpu.memory_space<hbm>>
        %dma_start3A_606 = tpu.memref_squeeze %dma_start3A_605 : memref<1x1x128xi32, #tpu.memory_space<hbm>> -> memref<1x128xi32, #tpu.memory_space<hbm>>
        %dma_start3A_607 = arith.constant 0 : i32
        %dma_start3A_608 = tpu.memref_slice %arg2[%add3A, %add3A_603, %dma_start3A_607] : memref<32x104x128xi32, #tpu.memory_space<hbm>> -> memref<1x1x128xi32, #tpu.memory_space<hbm>>
        %dma_start3A_609 = tpu.memref_squeeze %dma_start3A_608 : memref<1x1x128xi32, #tpu.memory_space<hbm>> -> memref<1x128xi32, #tpu.memory_space<hbm>>
        tpu.enqueue_dma source(%dma_start3A_609 : memref<1x128xi32, #tpu.memory_space<hbm>>) target(%arg9 : memref<1x128xi32, #tpu.memory_space<vmem>>) target_semaphore(%arg23 : memref<!tpu.dma_semaphore, #tpu.memory_space<semaphore_mem>>)
        %dma_start3A_610 = arith.constant 0 : i32
        %dma_start3A_611 = tpu.memref_slice %arg3[%add3A, %add3A_603, %dma_start3A_610] : memref<32x104x128xi32, #tpu.memory_space<hbm>> -> memref<1x1x128xi32, #tpu.memory_space<hbm>>
        %dma_start3A_612 = tpu.memref_squeeze %dma_start3A_611 : memref<1x1x128xi32, #tpu.memory_space<hbm>> -> memref<1x128xi32, #tpu.memory_space<hbm>>
        %dma_start3A_613 = arith.constant 0 : i32
        %dma_start3A_614 = tpu.memref_slice %arg3[%add3A, %add3A_603, %dma_start3A_613] : memref<32x104x128xi32, #tpu.memory_space<hbm>> -> memref<1x1x128xi32, #tpu.memory_space<hbm>>
        %dma_start3A_615 = tpu.memref_squeeze %dma_start3A_614 : memref<1x1x128xi32, #tpu.memory_space<hbm>> -> memref<1x128xi32, #tpu.memory_space<hbm>>
        tpu.enqueue_dma source(%dma_start3A_615 : memref<1x128xi32, #tpu.memory_space<hbm>>) target(%arg13 : memref<1x128xi32, #tpu.memory_space<vmem>>) target_semaphore(%arg23 : memref<!tpu.dma_semaphore, #tpu.memory_space<semaphore_mem>>)
      } else {
      }
      %add3A_199 = arith.constant 2 : i32
      %add3A_200 = arith.addi %add3A_194, %add3A_199 : i32
      %lt3A_201 = arith.constant 104 : i32
      %lt3A_202 = arith.cmpi slt, %add3A_200, %lt3A_201 : i32
      %convert_element_type3A_203 = arith.extui %lt3A_202 : i1 to i32
      %cond3A_204 = arith.constant 0 : i32
      %cond3A_205 = arith.cmpi ne, %convert_element_type3A_203, %cond3A_204 : i32
      scf.if %cond3A_205 {
        %dma_wait3A_602 = arith.constant 0 : i32
        %dma_wait3A_603 = arith.constant 0 : i32
        %dma_wait3A_604 = tpu.memref_slice %arg2[%add3A, %dma_wait3A_602, %dma_wait3A_603] : memref<32x104x128xi32, #tpu.memory_space<hbm>> -> memref<1x1x128xi32, #tpu.memory_space<hbm>>
        %dma_wait3A_605 = tpu.memref_squeeze %dma_wait3A_604 : memref<1x1x128xi32, #tpu.memory_space<hbm>> -> memref<1x128xi32, #tpu.memory_space<hbm>>
        %dma_wait3A_606 = arith.constant 0 : i32
        %dma_wait3A_607 = arith.constant 0 : i32
        %dma_wait3A_608 = tpu.memref_slice %arg2[%add3A, %dma_wait3A_606, %dma_wait3A_607] : memref<32x104x128xi32, #tpu.memory_space<hbm>> -> memref<1x1x128xi32, #tpu.memory_space<hbm>>
        %dma_wait3A_609 = tpu.memref_squeeze %dma_wait3A_608 : memref<1x1x128xi32, #tpu.memory_space<hbm>> -> memref<1x128xi32, #tpu.memory_space<hbm>>
        tpu.wait_dma2 semaphore(%arg22 : memref<!tpu.dma_semaphore, #tpu.memory_space<semaphore_mem>>) src(%dma_wait3A_609 : memref<1x128xi32, #tpu.memory_space<hbm>>) dst(%arg8 : memref<1x128xi32, #tpu.memory_space<vmem>>)
        %dma_wait3A_610 = arith.constant 0 : i32
        %dma_wait3A_611 = arith.constant 0 : i32
        %dma_wait3A_612 = tpu.memref_slice %arg3[%add3A, %dma_wait3A_610, %dma_wait3A_611] : memref<32x104x128xi32, #tpu.memory_space<hbm>> -> memref<1x1x128xi32, #tpu.memory_space<hbm>>
        %dma_wait3A_613 = tpu.memref_squeeze %dma_wait3A_612 : memref<1x1x128xi32, #tpu.memory_space<hbm>> -> memref<1x128xi32, #tpu.memory_space<hbm>>
        %dma_wait3A_614 = arith.constant 0 : i32
        %dma_wait3A_615 = arith.constant 0 : i32
        %dma_wait3A_616 = tpu.memref_slice %arg3[%add3A, %dma_wait3A_614, %dma_wait3A_615] : memref<32x104x128xi32, #tpu.memory_space<hbm>> -> memref<1x1x128xi32, #tpu.memory_space<hbm>>
        %dma_wait3A_617 = tpu.memref_squeeze %dma_wait3A_616 : memref<1x1x128xi32, #tpu.memory_space<hbm>> -> memref<1x128xi32, #tpu.memory_space<hbm>>
        tpu.wait_dma2 semaphore(%arg22 : memref<!tpu.dma_semaphore, #tpu.memory_space<semaphore_mem>>) src(%dma_wait3A_617 : memref<1x128xi32, #tpu.memory_space<hbm>>) dst(%arg12 : memref<1x128xi32, #tpu.memory_space<vmem>>)
        %dma_start3A_618 = arith.constant 0 : i32
        %dma_start3A_619 = arith.constant 0 : i32
        %dma_start3A_620 = tpu.memref_slice %arg8[%dma_start3A_618, %dma_start3A_619] : memref<1x128xi32, #tpu.memory_space<vmem>> -> memref<1x128xi32, #tpu.memory_space<vmem>>
        %dma_start3A_621 = tpu.memref_squeeze %dma_start3A_620 : memref<1x128xi32, #tpu.memory_space<vmem>> -> memref<128xi32, #tpu.memory_space<vmem>>
        %dma_start3A_622 = arith.constant 0 : i32
        %dma_start3A_623 = arith.constant 0 : i32
        %dma_start3A_624 = tpu.memref_slice %arg4[%dma_start3A_622, %dma_start3A_623] : memref<250000x128xf32, #tpu.memory_space<hbm>> -> memref<250000x128xf32, #tpu.memory_space<hbm>>
        tpu.enqueue_indirect_dma source(%dma_start3A_624 : memref<250000x128xf32, #tpu.memory_space<hbm>>) target(%arg16 : memref<128x128xf32, #tpu.memory_space<vmem>>) offsets(%dma_start3A_621 : memref<128xi32, #tpu.memory_space<vmem>>) semaphore(%arg26 : memref<!tpu.dma_semaphore, #tpu.memory_space<semaphore_mem>>)
      } else {
      }
      %ge3A = arith.constant 2 : i32
      %ge3A_206 = arith.cmpi sge, %add3A_194, %ge3A : i32
      %convert_element_type3A_207 = arith.extui %ge3A_206 : i1 to i32
      %cond3A_208 = arith.constant 0 : i32
      %cond3A_209 = arith.cmpi ne, %convert_element_type3A_207, %cond3A_208 : i32
      scf.if %cond3A_209 {
        %mul3A_602 = arith.constant 104 : i32
        %mul3A_603 = arith.muli %add3A, %mul3A_602 : i32
        %add3A_604 = arith.addi %mul3A_603, %add3A_194 : i32
        %jit3A_605 = arith.constant 128 : i32
        %div3A_606 = arith.divsi %add3A_604, %jit3A_605 : i32
        %sign3A_607 = arith.constant 0 : i32
        %sign3A_608 = arith.cmpi sgt, %add3A_604, %sign3A_607 : i32
        %sign3A_609 = arith.extui %sign3A_608 : i1 to i32
        %sign3A_610 = arith.constant 0 : i32
        %sign3A_611 = arith.cmpi slt, %add3A_604, %sign3A_610 : i32
        %sign3A_612 = arith.extui %sign3A_611 : i1 to i32
        %sign3A_613 = arith.subi %sign3A_609, %sign3A_612 : i32
        %sign3A_614 = arith.constant 0 : i32
        %sign3A_615 = arith.cmpi sgt, %jit3A_605, %sign3A_614 : i32
        %sign3A_616 = arith.extui %sign3A_615 : i1 to i32
        %sign3A_617 = arith.constant 0 : i32
        %sign3A_618 = arith.cmpi slt, %jit3A_605, %sign3A_617 : i32
        %sign3A_619 = arith.extui %sign3A_618 : i1 to i32
        %sign3A_620 = arith.subi %sign3A_616, %sign3A_619 : i32
        %ne3A_621 = arith.cmpi ne, %sign3A_613, %sign3A_620 : i32
        %rem3A_622 = arith.remsi %add3A_604, %jit3A_605 : i32
        %ne3A_623 = arith.constant 0 : i32
        %ne3A_624 = arith.cmpi ne, %rem3A_622, %ne3A_623 : i32
        %and3A_625 = arith.andi %ne3A_621, %ne3A_624 : i1
        %sub3A_626 = arith.constant 1 : i32
        %sub3A_627 = arith.subi %div3A_606, %sub3A_626 : i32
        %select_n3A_628 = arith.select %and3A_625, %sub3A_627, %div3A_606 : i32
        %rem3A_629 = arith.constant 128 : i32
        %rem3A_630 = arith.remsi %add3A_604, %rem3A_629 : i32
        %mul3A_631 = arith.constant 128 : i32
        %mul3A_632 = arith.muli %rem3A_630, %mul3A_631 : i32
        %dma_wait3A_633 = arith.constant 0 : i32
        %dma_wait3A_634 = tpu.memref_slice %arg5[%select_n3A_628, %dma_wait3A_633, %mul3A_632] : memref<26x32x16384xf32, #tpu.memory_space<hbm>> -> memref<1x32x128xf32, #tpu.memory_space<hbm>>
        %dma_wait3A_635 = tpu.memref_squeeze %dma_wait3A_634 : memref<1x32x128xf32, #tpu.memory_space<hbm>> -> memref<32x128xf32, #tpu.memory_space<hbm>>
        %dma_wait3A_636 = arith.constant 0 : i32
        %dma_wait3A_637 = tpu.memref_slice %arg5[%select_n3A_628, %dma_wait3A_636, %mul3A_632] : memref<26x32x16384xf32, #tpu.memory_space<hbm>> -> memref<1x32x128xf32, #tpu.memory_space<hbm>>
        %dma_wait3A_638 = tpu.memref_squeeze %dma_wait3A_637 : memref<1x32x128xf32, #tpu.memory_space<hbm>> -> memref<32x128xf32, #tpu.memory_space<hbm>>
        tpu.wait_dma2 semaphore(%arg28 : memref<!tpu.dma_semaphore, #tpu.memory_space<semaphore_mem>>) src(%arg18 : memref<32x128xf32, #tpu.memory_space<vmem>>) dst(%dma_wait3A_638 : memref<32x128xf32, #tpu.memory_space<hbm>>)
      } else {
      }
      %dma_wait3A_210 = arith.constant 0 : i32
      %dma_wait3A_211 = arith.constant 0 : i32
      %dma_wait3A_212 = tpu.memref_slice %arg4[%dma_wait3A_210, %dma_wait3A_211] : memref<250000x128xf32, #tpu.memory_space<hbm>> -> memref<128x128xf32, #tpu.memory_space<hbm>>
      %dma_wait3A_213 = arith.constant 0 : i32
      %dma_wait3A_214 = arith.constant 0 : i32
      %dma_wait3A_215 = tpu.memref_slice %arg4[%dma_wait3A_213, %dma_wait3A_214] : memref<250000x128xf32, #tpu.memory_space<hbm>> -> memref<128x128xf32, #tpu.memory_space<hbm>>
      tpu.wait_dma2 semaphore(%arg24 : memref<!tpu.dma_semaphore, #tpu.memory_space<semaphore_mem>>) src(%dma_wait3A_215 : memref<128x128xf32, #tpu.memory_space<hbm>>) dst(%arg14 : memref<128x128xf32, #tpu.memory_space<vmem>>)
      %get3A = arith.constant 0 : i32
      %get3A_216 = arith.index_cast %get3A : i32 to index
      %get3A_217 = arith.constant 0 : index
      %get3A_218 = tpu.vector_load %arg10[%get3A_216, %get3A_217] {strides = array<i32>} : memref<1x128xi32, #tpu.memory_space<vmem>>, vector<16xi32>,
      %get3A_219 = arith.constant 0 : i32
      %get3A_220 = arith.index_cast %get3A_219 : i32 to index
      %get3A_221 = arith.constant 16 : index
      %get3A_222 = tpu.vector_load %arg10[%get3A_220, %get3A_221] {strides = array<i32>} : memref<1x128xi32, #tpu.memory_space<vmem>>, vector<16xi32>,
      %get3A_223 = arith.constant 0 : i32
      %get3A_224 = arith.index_cast %get3A_223 : i32 to index
      %get3A_225 = arith.constant 32 : index
      %get3A_226 = tpu.vector_load %arg10[%get3A_224, %get3A_225] {strides = array<i32>} : memref<1x128xi32, #tpu.memory_space<vmem>>, vector<16xi32>,
      %get3A_227 = arith.constant 0 : i32
      %get3A_228 = arith.index_cast %get3A_227 : i32 to index
      %get3A_229 = arith.constant 48 : index
      %get3A_230 = tpu.vector_load %arg10[%get3A_228, %get3A_229] {strides = array<i32>} : memref<1x128xi32, #tpu.memory_space<vmem>>, vector<16xi32>,
      %get3A_231 = arith.constant 0 : i32
      %get3A_232 = arith.index_cast %get3A_231 : i32 to index
      %get3A_233 = arith.constant 64 : index
      %get3A_234 = tpu.vector_load %arg10[%get3A_232, %get3A_233] {strides = array<i32>} : memref<1x128xi32, #tpu.memory_space<vmem>>, vector<16xi32>,
      %get3A_235 = arith.constant 0 : i32
      %get3A_236 = arith.index_cast %get3A_235 : i32 to index
      %get3A_237 = arith.constant 80 : index
      %get3A_238 = tpu.vector_load %arg10[%get3A_236, %get3A_237] {strides = array<i32>} : memref<1x128xi32, #tpu.memory_space<vmem>>, vector<16xi32>,
      %get3A_239 = arith.constant 0 : i32
      %get3A_240 = arith.index_cast %get3A_239 : i32 to index
      %get3A_241 = arith.constant 96 : index
      %get3A_242 = tpu.vector_load %arg10[%get3A_240, %get3A_241] {strides = array<i32>} : memref<1x128xi32, #tpu.memory_space<vmem>>, vector<16xi32>,
      %get3A_243 = arith.constant 0 : i32
      %get3A_244 = arith.index_cast %get3A_243 : i32 to index
      %get3A_245 = arith.constant 112 : index
      %get3A_246 = tpu.vector_load %arg10[%get3A_244, %get3A_245] {strides = array<i32>} : memref<1x128xi32, #tpu.memory_space<vmem>>, vector<16xi32>,
      %scan3A_247 = arith.constant 0 : i32
      %scan3A_248 = arith.constant 0 : i32
      %scan3A_249 = arith.constant 32 : i32
      %scan3A_250 = arith.addi %scan3A_248, %scan3A_249 : i32
      %scan3A_251 = arith.constant 1 : i32
      scf.for %scan3A_602 = %scan3A_248 to %scan3A_250 step %scan3A_251  : i32 {
        %add3A_603 = vector.broadcast %scan3A_602 : i32 to vector<16xi32>
        %add3A_604 = arith.addi %add3A_603, %iota3A : vector<16xi32>
        %and3A_605 = arith.constant 31 : i32
        %and3A_606 = vector.broadcast %and3A_605 : i32 to vector<16xi32>
        %and3A_607 = arith.andi %add3A_604, %and3A_606 : vector<16xi32>
        %add3A_608 = arith.addi %get3A_218, %and3A_607 : vector<16xi32>
        %gather3A = tpu.vector_load_idx %arg14[%add3A_3, %add3A_608] : memref<128x128xf32, #tpu.memory_space<vmem>>[vector<16xi32>, vector<16xi32>], vector<16xf32>,
        tpu.vector_store_idx %arg18[%and3A_607, %add3A_3], %gather3A : memref<32x128xf32, #tpu.memory_space<vmem>>[vector<16xi32>, vector<16xi32>], vector<16xf32>,
        %add3A_609 = arith.addi %get3A_222, %and3A_607 : vector<16xi32>
        %gather3A_610 = tpu.vector_load_idx %arg14[%add3A_6, %add3A_609] : memref<128x128xf32, #tpu.memory_space<vmem>>[vector<16xi32>, vector<16xi32>], vector<16xf32>,
        tpu.vector_store_idx %arg18[%and3A_607, %add3A_6], %gather3A_610 : memref<32x128xf32, #tpu.memory_space<vmem>>[vector<16xi32>, vector<16xi32>], vector<16xf32>,
        %add3A_611 = arith.addi %get3A_226, %and3A_607 : vector<16xi32>
        %gather3A_612 = tpu.vector_load_idx %arg14[%add3A_9, %add3A_611] : memref<128x128xf32, #tpu.memory_space<vmem>>[vector<16xi32>, vector<16xi32>], vector<16xf32>,
        tpu.vector_store_idx %arg18[%and3A_607, %add3A_9], %gather3A_612 : memref<32x128xf32, #tpu.memory_space<vmem>>[vector<16xi32>, vector<16xi32>], vector<16xf32>,
        %add3A_613 = arith.addi %get3A_230, %and3A_607 : vector<16xi32>
        %gather3A_614 = tpu.vector_load_idx %arg14[%add3A_12, %add3A_613] : memref<128x128xf32, #tpu.memory_space<vmem>>[vector<16xi32>, vector<16xi32>], vector<16xf32>,
        tpu.vector_store_idx %arg18[%and3A_607, %add3A_12], %gather3A_614 : memref<32x128xf32, #tpu.memory_space<vmem>>[vector<16xi32>, vector<16xi32>], vector<16xf32>,
        %add3A_615 = arith.addi %get3A_234, %and3A_607 : vector<16xi32>
        %gather3A_616 = tpu.vector_load_idx %arg14[%add3A_15, %add3A_615] : memref<128x128xf32, #tpu.memory_space<vmem>>[vector<16xi32>, vector<16xi32>], vector<16xf32>,
        tpu.vector_store_idx %arg18[%and3A_607, %add3A_15], %gather3A_616 : memref<32x128xf32, #tpu.memory_space<vmem>>[vector<16xi32>, vector<16xi32>], vector<16xf32>,
        %add3A_617 = arith.addi %get3A_238, %and3A_607 : vector<16xi32>
        %gather3A_618 = tpu.vector_load_idx %arg14[%add3A_18, %add3A_617] : memref<128x128xf32, #tpu.memory_space<vmem>>[vector<16xi32>, vector<16xi32>], vector<16xf32>,
        tpu.vector_store_idx %arg18[%and3A_607, %add3A_18], %gather3A_618 : memref<32x128xf32, #tpu.memory_space<vmem>>[vector<16xi32>, vector<16xi32>], vector<16xf32>,
        %add3A_619 = arith.addi %get3A_242, %and3A_607 : vector<16xi32>
        %gather3A_620 = tpu.vector_load_idx %arg14[%add3A_21, %add3A_619] : memref<128x128xf32, #tpu.memory_space<vmem>>[vector<16xi32>, vector<16xi32>], vector<16xf32>,
        tpu.vector_store_idx %arg18[%and3A_607, %add3A_21], %gather3A_620 : memref<32x128xf32, #tpu.memory_space<vmem>>[vector<16xi32>, vector<16xi32>], vector<16xf32>,
        %add3A_621 = arith.addi %get3A_246, %and3A_607 : vector<16xi32>
        %gather3A_622 = tpu.vector_load_idx %arg14[%add3A_24, %add3A_621] : memref<128x128xf32, #tpu.memory_space<vmem>>[vector<16xi32>, vector<16xi32>], vector<16xf32>,
        tpu.vector_store_idx %arg18[%and3A_607, %add3A_24], %gather3A_622 : memref<32x128xf32, #tpu.memory_space<vmem>>[vector<16xi32>, vector<16xi32>], vector<16xf32>,
      }
      %scan3A_252 = arith.constant 32 : i32
      %mul3A_253 = arith.constant 104 : i32
      %mul3A_254 = arith.muli %add3A, %mul3A_253 : i32
      %add3A_255 = arith.addi %mul3A_254, %add3A_194 : i32
      %jit3A_256 = arith.constant 128 : i32
      %div3A_257 = arith.divsi %add3A_255, %jit3A_256 : i32
      %sign3A_258 = arith.constant 0 : i32
      %sign3A_259 = arith.cmpi sgt, %add3A_255, %sign3A_258 : i32
      %sign3A_260 = arith.extui %sign3A_259 : i1 to i32
      %sign3A_261 = arith.constant 0 : i32
      %sign3A_262 = arith.cmpi slt, %add3A_255, %sign3A_261 : i32
      %sign3A_263 = arith.extui %sign3A_262 : i1 to i32
      %sign3A_264 = arith.subi %sign3A_260, %sign3A_263 : i32
      %sign3A_265 = arith.constant 0 : i32
      %sign3A_266 = arith.cmpi sgt, %jit3A_256, %sign3A_265 : i32
      %sign3A_267 = arith.extui %sign3A_266 : i1 to i32
      %sign3A_268 = arith.constant 0 : i32
      %sign3A_269 = arith.cmpi slt, %jit3A_256, %sign3A_268 : i32
      %sign3A_270 = arith.extui %sign3A_269 : i1 to i32
      %sign3A_271 = arith.subi %sign3A_267, %sign3A_270 : i32
      %ne3A_272 = arith.cmpi ne, %sign3A_264, %sign3A_271 : i32
      %rem3A_273 = arith.remsi %add3A_255, %jit3A_256 : i32
      %ne3A_274 = arith.constant 0 : i32
      %ne3A_275 = arith.cmpi ne, %rem3A_273, %ne3A_274 : i32
      %and3A_276 = arith.andi %ne3A_272, %ne3A_275 : i1
      %sub3A_277 = arith.constant 1 : i32
      %sub3A_278 = arith.subi %div3A_257, %sub3A_277 : i32
      %select_n3A_279 = arith.select %and3A_276, %sub3A_278, %div3A_257 : i32
      %rem3A_280 = arith.constant 128 : i32
      %rem3A_281 = arith.remsi %add3A_255, %rem3A_280 : i32
      %mul3A_282 = arith.constant 128 : i32
      %mul3A_283 = arith.muli %rem3A_281, %mul3A_282 : i32
      %dma_start3A_284 = arith.constant 0 : i32
      %dma_start3A_285 = tpu.memref_slice %arg5[%select_n3A_279, %dma_start3A_284, %mul3A_283] : memref<26x32x16384xf32, #tpu.memory_space<hbm>> -> memref<1x32x128xf32, #tpu.memory_space<hbm>>
      %dma_start3A_286 = tpu.memref_squeeze %dma_start3A_285 : memref<1x32x128xf32, #tpu.memory_space<hbm>> -> memref<32x128xf32, #tpu.memory_space<hbm>>
      %dma_start3A_287 = arith.constant 0 : i32
      %dma_start3A_288 = tpu.memref_slice %arg5[%select_n3A_279, %dma_start3A_287, %mul3A_283] : memref<26x32x16384xf32, #tpu.memory_space<hbm>> -> memref<1x32x128xf32, #tpu.memory_space<hbm>>
      %dma_start3A_289 = tpu.memref_squeeze %dma_start3A_288 : memref<1x32x128xf32, #tpu.memory_space<hbm>> -> memref<32x128xf32, #tpu.memory_space<hbm>>
      tpu.enqueue_dma source(%arg18 : memref<32x128xf32, #tpu.memory_space<vmem>>) target(%dma_start3A_289 : memref<32x128xf32, #tpu.memory_space<hbm>>) target_semaphore(%arg28 : memref<!tpu.dma_semaphore, #tpu.memory_space<semaphore_mem>>)
      %mul3A_290 = arith.constant 4 : i32
      %mul3A_291 = arith.muli %mul3A_290, %scan3A_190 : i32
      %add3A_292 = arith.constant 1 : i32
      %add3A_293 = arith.addi %mul3A_291, %add3A_292 : i32
      %add3A_294 = arith.constant 3 : i32
      %add3A_295 = arith.addi %add3A_293, %add3A_294 : i32
      %lt3A_296 = arith.constant 104 : i32
      %lt3A_297 = arith.cmpi slt, %add3A_295, %lt3A_296 : i32
      %convert_element_type3A_298 = arith.extui %lt3A_297 : i1 to i32
      %cond3A_299 = arith.constant 0 : i32
      %cond3A_300 = arith.cmpi ne, %convert_element_type3A_298, %cond3A_299 : i32
      scf.if %cond3A_300 {
        %add3A_602 = arith.constant 3 : i32
        %add3A_603 = arith.addi %add3A_293, %add3A_602 : i32
        %dma_start3A_604 = arith.constant 0 : i32
        %dma_start3A_605 = tpu.memref_slice %arg2[%add3A, %add3A_603, %dma_start3A_604] : memref<32x104x128xi32, #tpu.memory_space<hbm>> -> memref<1x1x128xi32, #tpu.memory_space<hbm>>
        %dma_start3A_606 = tpu.memref_squeeze %dma_start3A_605 : memref<1x1x128xi32, #tpu.memory_space<hbm>> -> memref<1x128xi32, #tpu.memory_space<hbm>>
        %dma_start3A_607 = arith.constant 0 : i32
        %dma_start3A_608 = tpu.memref_slice %arg2[%add3A, %add3A_603, %dma_start3A_607] : memref<32x104x128xi32, #tpu.memory_space<hbm>> -> memref<1x1x128xi32, #tpu.memory_space<hbm>>
        %dma_start3A_609 = tpu.memref_squeeze %dma_start3A_608 : memref<1x1x128xi32, #tpu.memory_space<hbm>> -> memref<1x128xi32, #tpu.memory_space<hbm>>
        tpu.enqueue_dma source(%dma_start3A_609 : memref<1x128xi32, #tpu.memory_space<hbm>>) target(%arg6 : memref<1x128xi32, #tpu.memory_space<vmem>>) target_semaphore(%arg20 : memref<!tpu.dma_semaphore, #tpu.memory_space<semaphore_mem>>)
        %dma_start3A_610 = arith.constant 0 : i32
        %dma_start3A_611 = tpu.memref_slice %arg3[%add3A, %add3A_603, %dma_start3A_610] : memref<32x104x128xi32, #tpu.memory_space<hbm>> -> memref<1x1x128xi32, #tpu.memory_space<hbm>>
        %dma_start3A_612 = tpu.memref_squeeze %dma_start3A_611 : memref<1x1x128xi32, #tpu.memory_space<hbm>> -> memref<1x128xi32, #tpu.memory_space<hbm>>
        %dma_start3A_613 = arith.constant 0 : i32
        %dma_start3A_614 = tpu.memref_slice %arg3[%add3A, %add3A_603, %dma_start3A_613] : memref<32x104x128xi32, #tpu.memory_space<hbm>> -> memref<1x1x128xi32, #tpu.memory_space<hbm>>
        %dma_start3A_615 = tpu.memref_squeeze %dma_start3A_614 : memref<1x1x128xi32, #tpu.memory_space<hbm>> -> memref<1x128xi32, #tpu.memory_space<hbm>>
        tpu.enqueue_dma source(%dma_start3A_615 : memref<1x128xi32, #tpu.memory_space<hbm>>) target(%arg10 : memref<1x128xi32, #tpu.memory_space<vmem>>) target_semaphore(%arg20 : memref<!tpu.dma_semaphore, #tpu.memory_space<semaphore_mem>>)
      } else {
      }
      %add3A_301 = arith.constant 2 : i32
      %add3A_302 = arith.addi %add3A_293, %add3A_301 : i32
      %lt3A_303 = arith.constant 104 : i32
      %lt3A_304 = arith.cmpi slt, %add3A_302, %lt3A_303 : i32
      %convert_element_type3A_305 = arith.extui %lt3A_304 : i1 to i32
      %cond3A_306 = arith.constant 0 : i32
      %cond3A_307 = arith.cmpi ne, %convert_element_type3A_305, %cond3A_306 : i32
      scf.if %cond3A_307 {
        %dma_wait3A_602 = arith.constant 0 : i32
        %dma_wait3A_603 = arith.constant 0 : i32
        %dma_wait3A_604 = tpu.memref_slice %arg2[%add3A, %dma_wait3A_602, %dma_wait3A_603] : memref<32x104x128xi32, #tpu.memory_space<hbm>> -> memref<1x1x128xi32, #tpu.memory_space<hbm>>
        %dma_wait3A_605 = tpu.memref_squeeze %dma_wait3A_604 : memref<1x1x128xi32, #tpu.memory_space<hbm>> -> memref<1x128xi32, #tpu.memory_space<hbm>>
        %dma_wait3A_606 = arith.constant 0 : i32
        %dma_wait3A_607 = arith.constant 0 : i32
        %dma_wait3A_608 = tpu.memref_slice %arg2[%add3A, %dma_wait3A_606, %dma_wait3A_607] : memref<32x104x128xi32, #tpu.memory_space<hbm>> -> memref<1x1x128xi32, #tpu.memory_space<hbm>>
        %dma_wait3A_609 = tpu.memref_squeeze %dma_wait3A_608 : memref<1x1x128xi32, #tpu.memory_space<hbm>> -> memref<1x128xi32, #tpu.memory_space<hbm>>
        tpu.wait_dma2 semaphore(%arg23 : memref<!tpu.dma_semaphore, #tpu.memory_space<semaphore_mem>>) src(%dma_wait3A_609 : memref<1x128xi32, #tpu.memory_space<hbm>>) dst(%arg9 : memref<1x128xi32, #tpu.memory_space<vmem>>)
        %dma_wait3A_610 = arith.constant 0 : i32
        %dma_wait3A_611 = arith.constant 0 : i32
        %dma_wait3A_612 = tpu.memref_slice %arg3[%add3A, %dma_wait3A_610, %dma_wait3A_611] : memref<32x104x128xi32, #tpu.memory_space<hbm>> -> memref<1x1x128xi32, #tpu.memory_space<hbm>>
        %dma_wait3A_613 = tpu.memref_squeeze %dma_wait3A_612 : memref<1x1x128xi32, #tpu.memory_space<hbm>> -> memref<1x128xi32, #tpu.memory_space<hbm>>
        %dma_wait3A_614 = arith.constant 0 : i32
        %dma_wait3A_615 = arith.constant 0 : i32
        %dma_wait3A_616 = tpu.memref_slice %arg3[%add3A, %dma_wait3A_614, %dma_wait3A_615] : memref<32x104x128xi32, #tpu.memory_space<hbm>> -> memref<1x1x128xi32, #tpu.memory_space<hbm>>
        %dma_wait3A_617 = tpu.memref_squeeze %dma_wait3A_616 : memref<1x1x128xi32, #tpu.memory_space<hbm>> -> memref<1x128xi32, #tpu.memory_space<hbm>>
        tpu.wait_dma2 semaphore(%arg23 : memref<!tpu.dma_semaphore, #tpu.memory_space<semaphore_mem>>) src(%dma_wait3A_617 : memref<1x128xi32, #tpu.memory_space<hbm>>) dst(%arg13 : memref<1x128xi32, #tpu.memory_space<vmem>>)
        %dma_start3A_618 = arith.constant 0 : i32
        %dma_start3A_619 = arith.constant 0 : i32
        %dma_start3A_620 = tpu.memref_slice %arg9[%dma_start3A_618, %dma_start3A_619] : memref<1x128xi32, #tpu.memory_space<vmem>> -> memref<1x128xi32, #tpu.memory_space<vmem>>
        %dma_start3A_621 = tpu.memref_squeeze %dma_start3A_620 : memref<1x128xi32, #tpu.memory_space<vmem>> -> memref<128xi32, #tpu.memory_space<vmem>>
        %dma_start3A_622 = arith.constant 0 : i32
        %dma_start3A_623 = arith.constant 0 : i32
        %dma_start3A_624 = tpu.memref_slice %arg4[%dma_start3A_622, %dma_start3A_623] : memref<250000x128xf32, #tpu.memory_space<hbm>> -> memref<250000x128xf32, #tpu.memory_space<hbm>>
        tpu.enqueue_indirect_dma source(%dma_start3A_624 : memref<250000x128xf32, #tpu.memory_space<hbm>>) target(%arg17 : memref<128x128xf32, #tpu.memory_space<vmem>>) offsets(%dma_start3A_621 : memref<128xi32, #tpu.memory_space<vmem>>) semaphore(%arg27 : memref<!tpu.dma_semaphore, #tpu.memory_space<semaphore_mem>>)
      } else {
      }
      %ge3A_308 = arith.constant 2 : i32
      %ge3A_309 = arith.cmpi sge, %add3A_293, %ge3A_308 : i32
      %convert_element_type3A_310 = arith.extui %ge3A_309 : i1 to i32
      %cond3A_311 = arith.constant 0 : i32
      %cond3A_312 = arith.cmpi ne, %convert_element_type3A_310, %cond3A_311 : i32
      scf.if %cond3A_312 {
        %mul3A_602 = arith.constant 104 : i32
        %mul3A_603 = arith.muli %add3A, %mul3A_602 : i32
        %add3A_604 = arith.addi %mul3A_603, %add3A_293 : i32
        %jit3A_605 = arith.constant 128 : i32
        %div3A_606 = arith.divsi %add3A_604, %jit3A_605 : i32
        %sign3A_607 = arith.constant 0 : i32
        %sign3A_608 = arith.cmpi sgt, %add3A_604, %sign3A_607 : i32
        %sign3A_609 = arith.extui %sign3A_608 : i1 to i32
        %sign3A_610 = arith.constant 0 : i32
        %sign3A_611 = arith.cmpi slt, %add3A_604, %sign3A_610 : i32
        %sign3A_612 = arith.extui %sign3A_611 : i1 to i32
        %sign3A_613 = arith.subi %sign3A_609, %sign3A_612 : i32
        %sign3A_614 = arith.constant 0 : i32
        %sign3A_615 = arith.cmpi sgt, %jit3A_605, %sign3A_614 : i32
        %sign3A_616 = arith.extui %sign3A_615 : i1 to i32
        %sign3A_617 = arith.constant 0 : i32
        %sign3A_618 = arith.cmpi slt, %jit3A_605, %sign3A_617 : i32
        %sign3A_619 = arith.extui %sign3A_618 : i1 to i32
        %sign3A_620 = arith.subi %sign3A_616, %sign3A_619 : i32
        %ne3A_621 = arith.cmpi ne, %sign3A_613, %sign3A_620 : i32
        %rem3A_622 = arith.remsi %add3A_604, %jit3A_605 : i32
        %ne3A_623 = arith.constant 0 : i32
        %ne3A_624 = arith.cmpi ne, %rem3A_622, %ne3A_623 : i32
        %and3A_625 = arith.andi %ne3A_621, %ne3A_624 : i1
        %sub3A_626 = arith.constant 1 : i32
        %sub3A_627 = arith.subi %div3A_606, %sub3A_626 : i32
        %select_n3A_628 = arith.select %and3A_625, %sub3A_627, %div3A_606 : i32
        %rem3A_629 = arith.constant 128 : i32
        %rem3A_630 = arith.remsi %add3A_604, %rem3A_629 : i32
        %mul3A_631 = arith.constant 128 : i32
        %mul3A_632 = arith.muli %rem3A_630, %mul3A_631 : i32
        %dma_wait3A_633 = arith.constant 0 : i32
        %dma_wait3A_634 = tpu.memref_slice %arg5[%select_n3A_628, %dma_wait3A_633, %mul3A_632] : memref<26x32x16384xf32, #tpu.memory_space<hbm>> -> memref<1x32x128xf32, #tpu.memory_space<hbm>>
        %dma_wait3A_635 = tpu.memref_squeeze %dma_wait3A_634 : memref<1x32x128xf32, #tpu.memory_space<hbm>> -> memref<32x128xf32, #tpu.memory_space<hbm>>
        %dma_wait3A_636 = arith.constant 0 : i32
        %dma_wait3A_637 = tpu.memref_slice %arg5[%select_n3A_628, %dma_wait3A_636, %mul3A_632] : memref<26x32x16384xf32, #tpu.memory_space<hbm>> -> memref<1x32x128xf32, #tpu.memory_space<hbm>>
        %dma_wait3A_638 = tpu.memref_squeeze %dma_wait3A_637 : memref<1x32x128xf32, #tpu.memory_space<hbm>> -> memref<32x128xf32, #tpu.memory_space<hbm>>
        tpu.wait_dma2 semaphore(%arg29 : memref<!tpu.dma_semaphore, #tpu.memory_space<semaphore_mem>>) src(%arg19 : memref<32x128xf32, #tpu.memory_space<vmem>>) dst(%dma_wait3A_638 : memref<32x128xf32, #tpu.memory_space<hbm>>)
      } else {
      }
      %dma_wait3A_313 = arith.constant 0 : i32
      %dma_wait3A_314 = arith.constant 0 : i32
      %dma_wait3A_315 = tpu.memref_slice %arg4[%dma_wait3A_313, %dma_wait3A_314] : memref<250000x128xf32, #tpu.memory_space<hbm>> -> memref<128x128xf32, #tpu.memory_space<hbm>>
      %dma_wait3A_316 = arith.constant 0 : i32
      %dma_wait3A_317 = arith.constant 0 : i32
      %dma_wait3A_318 = tpu.memref_slice %arg4[%dma_wait3A_316, %dma_wait3A_317] : memref<250000x128xf32, #tpu.memory_space<hbm>> -> memref<128x128xf32, #tpu.memory_space<hbm>>
      tpu.wait_dma2 semaphore(%arg25 : memref<!tpu.dma_semaphore, #tpu.memory_space<semaphore_mem>>) src(%dma_wait3A_318 : memref<128x128xf32, #tpu.memory_space<hbm>>) dst(%arg15 : memref<128x128xf32, #tpu.memory_space<vmem>>)
      %get3A_319 = arith.constant 0 : i32
      %get3A_320 = arith.index_cast %get3A_319 : i32 to index
      %get3A_321 = arith.constant 0 : index
      %get3A_322 = tpu.vector_load %arg11[%get3A_320, %get3A_321] {strides = array<i32>} : memref<1x128xi32, #tpu.memory_space<vmem>>, vector<16xi32>,
      %get3A_323 = arith.constant 0 : i32
      %get3A_324 = arith.index_cast %get3A_323 : i32 to index
      %get3A_325 = arith.constant 16 : index
      %get3A_326 = tpu.vector_load %arg11[%get3A_324, %get3A_325] {strides = array<i32>} : memref<1x128xi32, #tpu.memory_space<vmem>>, vector<16xi32>,
      %get3A_327 = arith.constant 0 : i32
      %get3A_328 = arith.index_cast %get3A_327 : i32 to index
      %get3A_329 = arith.constant 32 : index
      %get3A_330 = tpu.vector_load %arg11[%get3A_328, %get3A_329] {strides = array<i32>} : memref<1x128xi32, #tpu.memory_space<vmem>>, vector<16xi32>,
      %get3A_331 = arith.constant 0 : i32
      %get3A_332 = arith.index_cast %get3A_331 : i32 to index
      %get3A_333 = arith.constant 48 : index
      %get3A_334 = tpu.vector_load %arg11[%get3A_332, %get3A_333] {strides = array<i32>} : memref<1x128xi32, #tpu.memory_space<vmem>>, vector<16xi32>,
      %get3A_335 = arith.constant 0 : i32
      %get3A_336 = arith.index_cast %get3A_335 : i32 to index
      %get3A_337 = arith.constant 64 : index
      %get3A_338 = tpu.vector_load %arg11[%get3A_336, %get3A_337] {strides = array<i32>} : memref<1x128xi32, #tpu.memory_space<vmem>>, vector<16xi32>,
      %get3A_339 = arith.constant 0 : i32
      %get3A_340 = arith.index_cast %get3A_339 : i32 to index
      %get3A_341 = arith.constant 80 : index
      %get3A_342 = tpu.vector_load %arg11[%get3A_340, %get3A_341] {strides = array<i32>} : memref<1x128xi32, #tpu.memory_space<vmem>>, vector<16xi32>,
      %get3A_343 = arith.constant 0 : i32
      %get3A_344 = arith.index_cast %get3A_343 : i32 to index
      %get3A_345 = arith.constant 96 : index
      %get3A_346 = tpu.vector_load %arg11[%get3A_344, %get3A_345] {strides = array<i32>} : memref<1x128xi32, #tpu.memory_space<vmem>>, vector<16xi32>,
      %get3A_347 = arith.constant 0 : i32
      %get3A_348 = arith.index_cast %get3A_347 : i32 to index
      %get3A_349 = arith.constant 112 : index
      %get3A_350 = tpu.vector_load %arg11[%get3A_348, %get3A_349] {strides = array<i32>} : memref<1x128xi32, #tpu.memory_space<vmem>>, vector<16xi32>,
      %scan3A_351 = arith.constant 0 : i32
      %scan3A_352 = arith.constant 0 : i32
      %scan3A_353 = arith.constant 32 : i32
      %scan3A_354 = arith.addi %scan3A_352, %scan3A_353 : i32
      %scan3A_355 = arith.constant 1 : i32
      scf.for %scan3A_602 = %scan3A_352 to %scan3A_354 step %scan3A_355  : i32 {
        %add3A_603 = vector.broadcast %scan3A_602 : i32 to vector<16xi32>
        %add3A_604 = arith.addi %add3A_603, %iota3A : vector<16xi32>
        %and3A_605 = arith.constant 31 : i32
        %and3A_606 = vector.broadcast %and3A_605 : i32 to vector<16xi32>
        %and3A_607 = arith.andi %add3A_604, %and3A_606 : vector<16xi32>
        %add3A_608 = arith.addi %get3A_322, %and3A_607 : vector<16xi32>
        %gather3A = tpu.vector_load_idx %arg15[%add3A_3, %add3A_608] : memref<128x128xf32, #tpu.memory_space<vmem>>[vector<16xi32>, vector<16xi32>], vector<16xf32>,
        tpu.vector_store_idx %arg19[%and3A_607, %add3A_3], %gather3A : memref<32x128xf32, #tpu.memory_space<vmem>>[vector<16xi32>, vector<16xi32>], vector<16xf32>,
        %add3A_609 = arith.addi %get3A_326, %and3A_607 : vector<16xi32>
        %gather3A_610 = tpu.vector_load_idx %arg15[%add3A_6, %add3A_609] : memref<128x128xf32, #tpu.memory_space<vmem>>[vector<16xi32>, vector<16xi32>], vector<16xf32>,
        tpu.vector_store_idx %arg19[%and3A_607, %add3A_6], %gather3A_610 : memref<32x128xf32, #tpu.memory_space<vmem>>[vector<16xi32>, vector<16xi32>], vector<16xf32>,
        %add3A_611 = arith.addi %get3A_330, %and3A_607 : vector<16xi32>
        %gather3A_612 = tpu.vector_load_idx %arg15[%add3A_9, %add3A_611] : memref<128x128xf32, #tpu.memory_space<vmem>>[vector<16xi32>, vector<16xi32>], vector<16xf32>,
        tpu.vector_store_idx %arg19[%and3A_607, %add3A_9], %gather3A_612 : memref<32x128xf32, #tpu.memory_space<vmem>>[vector<16xi32>, vector<16xi32>], vector<16xf32>,
        %add3A_613 = arith.addi %get3A_334, %and3A_607 : vector<16xi32>
        %gather3A_614 = tpu.vector_load_idx %arg15[%add3A_12, %add3A_613] : memref<128x128xf32, #tpu.memory_space<vmem>>[vector<16xi32>, vector<16xi32>], vector<16xf32>,
        tpu.vector_store_idx %arg19[%and3A_607, %add3A_12], %gather3A_614 : memref<32x128xf32, #tpu.memory_space<vmem>>[vector<16xi32>, vector<16xi32>], vector<16xf32>,
        %add3A_615 = arith.addi %get3A_338, %and3A_607 : vector<16xi32>
        %gather3A_616 = tpu.vector_load_idx %arg15[%add3A_15, %add3A_615] : memref<128x128xf32, #tpu.memory_space<vmem>>[vector<16xi32>, vector<16xi32>], vector<16xf32>,
        tpu.vector_store_idx %arg19[%and3A_607, %add3A_15], %gather3A_616 : memref<32x128xf32, #tpu.memory_space<vmem>>[vector<16xi32>, vector<16xi32>], vector<16xf32>,
        %add3A_617 = arith.addi %get3A_342, %and3A_607 : vector<16xi32>
        %gather3A_618 = tpu.vector_load_idx %arg15[%add3A_18, %add3A_617] : memref<128x128xf32, #tpu.memory_space<vmem>>[vector<16xi32>, vector<16xi32>], vector<16xf32>,
        tpu.vector_store_idx %arg19[%and3A_607, %add3A_18], %gather3A_618 : memref<32x128xf32, #tpu.memory_space<vmem>>[vector<16xi32>, vector<16xi32>], vector<16xf32>,
        %add3A_619 = arith.addi %get3A_346, %and3A_607 : vector<16xi32>
        %gather3A_620 = tpu.vector_load_idx %arg15[%add3A_21, %add3A_619] : memref<128x128xf32, #tpu.memory_space<vmem>>[vector<16xi32>, vector<16xi32>], vector<16xf32>,
        tpu.vector_store_idx %arg19[%and3A_607, %add3A_21], %gather3A_620 : memref<32x128xf32, #tpu.memory_space<vmem>>[vector<16xi32>, vector<16xi32>], vector<16xf32>,
        %add3A_621 = arith.addi %get3A_350, %and3A_607 : vector<16xi32>
        %gather3A_622 = tpu.vector_load_idx %arg15[%add3A_24, %add3A_621] : memref<128x128xf32, #tpu.memory_space<vmem>>[vector<16xi32>, vector<16xi32>], vector<16xf32>,
        tpu.vector_store_idx %arg19[%and3A_607, %add3A_24], %gather3A_622 : memref<32x128xf32, #tpu.memory_space<vmem>>[vector<16xi32>, vector<16xi32>], vector<16xf32>,
      }
      %scan3A_356 = arith.constant 32 : i32
      %mul3A_357 = arith.constant 104 : i32
      %mul3A_358 = arith.muli %add3A, %mul3A_357 : i32
      %add3A_359 = arith.addi %mul3A_358, %add3A_293 : i32
      %jit3A_360 = arith.constant 128 : i32
      %div3A_361 = arith.divsi %add3A_359, %jit3A_360 : i32
      %sign3A_362 = arith.constant 0 : i32
      %sign3A_363 = arith.cmpi sgt, %add3A_359, %sign3A_362 : i32
      %sign3A_364 = arith.extui %sign3A_363 : i1 to i32
      %sign3A_365 = arith.constant 0 : i32
      %sign3A_366 = arith.cmpi slt, %add3A_359, %sign3A_365 : i32
      %sign3A_367 = arith.extui %sign3A_366 : i1 to i32
      %sign3A_368 = arith.subi %sign3A_364, %sign3A_367 : i32
      %sign3A_369 = arith.constant 0 : i32
      %sign3A_370 = arith.cmpi sgt, %jit3A_360, %sign3A_369 : i32
      %sign3A_371 = arith.extui %sign3A_370 : i1 to i32
      %sign3A_372 = arith.constant 0 : i32
      %sign3A_373 = arith.cmpi slt, %jit3A_360, %sign3A_372 : i32
      %sign3A_374 = arith.extui %sign3A_373 : i1 to i32
      %sign3A_375 = arith.subi %sign3A_371, %sign3A_374 : i32
      %ne3A_376 = arith.cmpi ne, %sign3A_368, %sign3A_375 : i32
      %rem3A_377 = arith.remsi %add3A_359, %jit3A_360 : i32
      %ne3A_378 = arith.constant 0 : i32
      %ne3A_379 = arith.cmpi ne, %rem3A_377, %ne3A_378 : i32
      %and3A_380 = arith.andi %ne3A_376, %ne3A_379 : i1
      %sub3A_381 = arith.constant 1 : i32
      %sub3A_382 = arith.subi %div3A_361, %sub3A_381 : i32
      %select_n3A_383 = arith.select %and3A_380, %sub3A_382, %div3A_361 : i32
      %rem3A_384 = arith.constant 128 : i32
      %rem3A_385 = arith.remsi %add3A_359, %rem3A_384 : i32
      %mul3A_386 = arith.constant 128 : i32
      %mul3A_387 = arith.muli %rem3A_385, %mul3A_386 : i32
      %dma_start3A_388 = arith.constant 0 : i32
      %dma_start3A_389 = tpu.memref_slice %arg5[%select_n3A_383, %dma_start3A_388, %mul3A_387] : memref<26x32x16384xf32, #tpu.memory_space<hbm>> -> memref<1x32x128xf32, #tpu.memory_space<hbm>>
      %dma_start3A_390 = tpu.memref_squeeze %dma_start3A_389 : memref<1x32x128xf32, #tpu.memory_space<hbm>> -> memref<32x128xf32, #tpu.memory_space<hbm>>
      %dma_start3A_391 = arith.constant 0 : i32
      %dma_start3A_392 = tpu.memref_slice %arg5[%select_n3A_383, %dma_start3A_391, %mul3A_387] : memref<26x32x16384xf32, #tpu.memory_space<hbm>> -> memref<1x32x128xf32, #tpu.memory_space<hbm>>
      %dma_start3A_393 = tpu.memref_squeeze %dma_start3A_392 : memref<1x32x128xf32, #tpu.memory_space<hbm>> -> memref<32x128xf32, #tpu.memory_space<hbm>>
      tpu.enqueue_dma source(%arg19 : memref<32x128xf32, #tpu.memory_space<vmem>>) target(%dma_start3A_393 : memref<32x128xf32, #tpu.memory_space<hbm>>) target_semaphore(%arg29 : memref<!tpu.dma_semaphore, #tpu.memory_space<semaphore_mem>>)
      %mul3A_394 = arith.constant 4 : i32
      %mul3A_395 = arith.muli %mul3A_394, %scan3A_190 : i32
      %add3A_396 = arith.constant 2 : i32
      %add3A_397 = arith.addi %mul3A_395, %add3A_396 : i32
      %add3A_398 = arith.constant 3 : i32
      %add3A_399 = arith.addi %add3A_397, %add3A_398 : i32
      %lt3A_400 = arith.constant 104 : i32
      %lt3A_401 = arith.cmpi slt, %add3A_399, %lt3A_400 : i32
      %convert_element_type3A_402 = arith.extui %lt3A_401 : i1 to i32
      %cond3A_403 = arith.constant 0 : i32
      %cond3A_404 = arith.cmpi ne, %convert_element_type3A_402, %cond3A_403 : i32
      scf.if %cond3A_404 {
        %add3A_602 = arith.constant 3 : i32
        %add3A_603 = arith.addi %add3A_397, %add3A_602 : i32
        %dma_start3A_604 = arith.constant 0 : i32
        %dma_start3A_605 = tpu.memref_slice %arg2[%add3A, %add3A_603, %dma_start3A_604] : memref<32x104x128xi32, #tpu.memory_space<hbm>> -> memref<1x1x128xi32, #tpu.memory_space<hbm>>
        %dma_start3A_606 = tpu.memref_squeeze %dma_start3A_605 : memref<1x1x128xi32, #tpu.memory_space<hbm>> -> memref<1x128xi32, #tpu.memory_space<hbm>>
        %dma_start3A_607 = arith.constant 0 : i32
        %dma_start3A_608 = tpu.memref_slice %arg2[%add3A, %add3A_603, %dma_start3A_607] : memref<32x104x128xi32, #tpu.memory_space<hbm>> -> memref<1x1x128xi32, #tpu.memory_space<hbm>>
        %dma_start3A_609 = tpu.memref_squeeze %dma_start3A_608 : memref<1x1x128xi32, #tpu.memory_space<hbm>> -> memref<1x128xi32, #tpu.memory_space<hbm>>
        tpu.enqueue_dma source(%dma_start3A_609 : memref<1x128xi32, #tpu.memory_space<hbm>>) target(%arg7 : memref<1x128xi32, #tpu.memory_space<vmem>>) target_semaphore(%arg21 : memref<!tpu.dma_semaphore, #tpu.memory_space<semaphore_mem>>)
        %dma_start3A_610 = arith.constant 0 : i32
        %dma_start3A_611 = tpu.memref_slice %arg3[%add3A, %add3A_603, %dma_start3A_610] : memref<32x104x128xi32, #tpu.memory_space<hbm>> -> memref<1x1x128xi32, #tpu.memory_space<hbm>>
        %dma_start3A_612 = tpu.memref_squeeze %dma_start3A_611 : memref<1x1x128xi32, #tpu.memory_space<hbm>> -> memref<1x128xi32, #tpu.memory_space<hbm>>
        %dma_start3A_613 = arith.constant 0 : i32
        %dma_start3A_614 = tpu.memref_slice %arg3[%add3A, %add3A_603, %dma_start3A_613] : memref<32x104x128xi32, #tpu.memory_space<hbm>> -> memref<1x1x128xi32, #tpu.memory_space<hbm>>
        %dma_start3A_615 = tpu.memref_squeeze %dma_start3A_614 : memref<1x1x128xi32, #tpu.memory_space<hbm>> -> memref<1x128xi32, #tpu.memory_space<hbm>>
        tpu.enqueue_dma source(%dma_start3A_615 : memref<1x128xi32, #tpu.memory_space<hbm>>) target(%arg11 : memref<1x128xi32, #tpu.memory_space<vmem>>) target_semaphore(%arg21 : memref<!tpu.dma_semaphore, #tpu.memory_space<semaphore_mem>>)
      } else {
      }
      %add3A_405 = arith.constant 2 : i32
      %add3A_406 = arith.addi %add3A_397, %add3A_405 : i32
      %lt3A_407 = arith.constant 104 : i32
      %lt3A_408 = arith.cmpi slt, %add3A_406, %lt3A_407 : i32
      %convert_element_type3A_409 = arith.extui %lt3A_408 : i1 to i32
      %cond3A_410 = arith.constant 0 : i32
      %cond3A_411 = arith.cmpi ne, %convert_element_type3A_409, %cond3A_410 : i32
      scf.if %cond3A_411 {
        %dma_wait3A_602 = arith.constant 0 : i32
        %dma_wait3A_603 = arith.constant 0 : i32
        %dma_wait3A_604 = tpu.memref_slice %arg2[%add3A, %dma_wait3A_602, %dma_wait3A_603] : memref<32x104x128xi32, #tpu.memory_space<hbm>> -> memref<1x1x128xi32, #tpu.memory_space<hbm>>
        %dma_wait3A_605 = tpu.memref_squeeze %dma_wait3A_604 : memref<1x1x128xi32, #tpu.memory_space<hbm>> -> memref<1x128xi32, #tpu.memory_space<hbm>>
        %dma_wait3A_606 = arith.constant 0 : i32
        %dma_wait3A_607 = arith.constant 0 : i32
        %dma_wait3A_608 = tpu.memref_slice %arg2[%add3A, %dma_wait3A_606, %dma_wait3A_607] : memref<32x104x128xi32, #tpu.memory_space<hbm>> -> memref<1x1x128xi32, #tpu.memory_space<hbm>>
        %dma_wait3A_609 = tpu.memref_squeeze %dma_wait3A_608 : memref<1x1x128xi32, #tpu.memory_space<hbm>> -> memref<1x128xi32, #tpu.memory_space<hbm>>
        tpu.wait_dma2 semaphore(%arg20 : memref<!tpu.dma_semaphore, #tpu.memory_space<semaphore_mem>>) src(%dma_wait3A_609 : memref<1x128xi32, #tpu.memory_space<hbm>>) dst(%arg6 : memref<1x128xi32, #tpu.memory_space<vmem>>)
        %dma_wait3A_610 = arith.constant 0 : i32
        %dma_wait3A_611 = arith.constant 0 : i32
        %dma_wait3A_612 = tpu.memref_slice %arg3[%add3A, %dma_wait3A_610, %dma_wait3A_611] : memref<32x104x128xi32, #tpu.memory_space<hbm>> -> memref<1x1x128xi32, #tpu.memory_space<hbm>>
        %dma_wait3A_613 = tpu.memref_squeeze %dma_wait3A_612 : memref<1x1x128xi32, #tpu.memory_space<hbm>> -> memref<1x128xi32, #tpu.memory_space<hbm>>
        %dma_wait3A_614 = arith.constant 0 : i32
        %dma_wait3A_615 = arith.constant 0 : i32
        %dma_wait3A_616 = tpu.memref_slice %arg3[%add3A, %dma_wait3A_614, %dma_wait3A_615] : memref<32x104x128xi32, #tpu.memory_space<hbm>> -> memref<1x1x128xi32, #tpu.memory_space<hbm>>
        %dma_wait3A_617 = tpu.memref_squeeze %dma_wait3A_616 : memref<1x1x128xi32, #tpu.memory_space<hbm>> -> memref<1x128xi32, #tpu.memory_space<hbm>>
        tpu.wait_dma2 semaphore(%arg20 : memref<!tpu.dma_semaphore, #tpu.memory_space<semaphore_mem>>) src(%dma_wait3A_617 : memref<1x128xi32, #tpu.memory_space<hbm>>) dst(%arg10 : memref<1x128xi32, #tpu.memory_space<vmem>>)
        %dma_start3A_618 = arith.constant 0 : i32
        %dma_start3A_619 = arith.constant 0 : i32
        %dma_start3A_620 = tpu.memref_slice %arg6[%dma_start3A_618, %dma_start3A_619] : memref<1x128xi32, #tpu.memory_space<vmem>> -> memref<1x128xi32, #tpu.memory_space<vmem>>
        %dma_start3A_621 = tpu.memref_squeeze %dma_start3A_620 : memref<1x128xi32, #tpu.memory_space<vmem>> -> memref<128xi32, #tpu.memory_space<vmem>>
        %dma_start3A_622 = arith.constant 0 : i32
        %dma_start3A_623 = arith.constant 0 : i32
        %dma_start3A_624 = tpu.memref_slice %arg4[%dma_start3A_622, %dma_start3A_623] : memref<250000x128xf32, #tpu.memory_space<hbm>> -> memref<250000x128xf32, #tpu.memory_space<hbm>>
        tpu.enqueue_indirect_dma source(%dma_start3A_624 : memref<250000x128xf32, #tpu.memory_space<hbm>>) target(%arg14 : memref<128x128xf32, #tpu.memory_space<vmem>>) offsets(%dma_start3A_621 : memref<128xi32, #tpu.memory_space<vmem>>) semaphore(%arg24 : memref<!tpu.dma_semaphore, #tpu.memory_space<semaphore_mem>>)
      } else {
      }
      %ge3A_412 = arith.constant 2 : i32
      %ge3A_413 = arith.cmpi sge, %add3A_397, %ge3A_412 : i32
      %convert_element_type3A_414 = arith.extui %ge3A_413 : i1 to i32
      %cond3A_415 = arith.constant 0 : i32
      %cond3A_416 = arith.cmpi ne, %convert_element_type3A_414, %cond3A_415 : i32
      scf.if %cond3A_416 {
        %mul3A_602 = arith.constant 104 : i32
        %mul3A_603 = arith.muli %add3A, %mul3A_602 : i32
        %add3A_604 = arith.addi %mul3A_603, %add3A_397 : i32
        %jit3A_605 = arith.constant 128 : i32
        %div3A_606 = arith.divsi %add3A_604, %jit3A_605 : i32
        %sign3A_607 = arith.constant 0 : i32
        %sign3A_608 = arith.cmpi sgt, %add3A_604, %sign3A_607 : i32
        %sign3A_609 = arith.extui %sign3A_608 : i1 to i32
        %sign3A_610 = arith.constant 0 : i32
        %sign3A_611 = arith.cmpi slt, %add3A_604, %sign3A_610 : i32
        %sign3A_612 = arith.extui %sign3A_611 : i1 to i32
        %sign3A_613 = arith.subi %sign3A_609, %sign3A_612 : i32
        %sign3A_614 = arith.constant 0 : i32
        %sign3A_615 = arith.cmpi sgt, %jit3A_605, %sign3A_614 : i32
        %sign3A_616 = arith.extui %sign3A_615 : i1 to i32
        %sign3A_617 = arith.constant 0 : i32
        %sign3A_618 = arith.cmpi slt, %jit3A_605, %sign3A_617 : i32
        %sign3A_619 = arith.extui %sign3A_618 : i1 to i32
        %sign3A_620 = arith.subi %sign3A_616, %sign3A_619 : i32
        %ne3A_621 = arith.cmpi ne, %sign3A_613, %sign3A_620 : i32
        %rem3A_622 = arith.remsi %add3A_604, %jit3A_605 : i32
        %ne3A_623 = arith.constant 0 : i32
        %ne3A_624 = arith.cmpi ne, %rem3A_622, %ne3A_623 : i32
        %and3A_625 = arith.andi %ne3A_621, %ne3A_624 : i1
        %sub3A_626 = arith.constant 1 : i32
        %sub3A_627 = arith.subi %div3A_606, %sub3A_626 : i32
        %select_n3A_628 = arith.select %and3A_625, %sub3A_627, %div3A_606 : i32
        %rem3A_629 = arith.constant 128 : i32
        %rem3A_630 = arith.remsi %add3A_604, %rem3A_629 : i32
        %mul3A_631 = arith.constant 128 : i32
        %mul3A_632 = arith.muli %rem3A_630, %mul3A_631 : i32
        %dma_wait3A_633 = arith.constant 0 : i32
        %dma_wait3A_634 = tpu.memref_slice %arg5[%select_n3A_628, %dma_wait3A_633, %mul3A_632] : memref<26x32x16384xf32, #tpu.memory_space<hbm>> -> memref<1x32x128xf32, #tpu.memory_space<hbm>>
        %dma_wait3A_635 = tpu.memref_squeeze %dma_wait3A_634 : memref<1x32x128xf32, #tpu.memory_space<hbm>> -> memref<32x128xf32, #tpu.memory_space<hbm>>
        %dma_wait3A_636 = arith.constant 0 : i32
        %dma_wait3A_637 = tpu.memref_slice %arg5[%select_n3A_628, %dma_wait3A_636, %mul3A_632] : memref<26x32x16384xf32, #tpu.memory_space<hbm>> -> memref<1x32x128xf32, #tpu.memory_space<hbm>>
        %dma_wait3A_638 = tpu.memref_squeeze %dma_wait3A_637 : memref<1x32x128xf32, #tpu.memory_space<hbm>> -> memref<32x128xf32, #tpu.memory_space<hbm>>
        tpu.wait_dma2 semaphore(%arg28 : memref<!tpu.dma_semaphore, #tpu.memory_space<semaphore_mem>>) src(%arg18 : memref<32x128xf32, #tpu.memory_space<vmem>>) dst(%dma_wait3A_638 : memref<32x128xf32, #tpu.memory_space<hbm>>)
      } else {
      }
      %dma_wait3A_417 = arith.constant 0 : i32
      %dma_wait3A_418 = arith.constant 0 : i32
      %dma_wait3A_419 = tpu.memref_slice %arg4[%dma_wait3A_417, %dma_wait3A_418] : memref<250000x128xf32, #tpu.memory_space<hbm>> -> memref<128x128xf32, #tpu.memory_space<hbm>>
      %dma_wait3A_420 = arith.constant 0 : i32
      %dma_wait3A_421 = arith.constant 0 : i32
      %dma_wait3A_422 = tpu.memref_slice %arg4[%dma_wait3A_420, %dma_wait3A_421] : memref<250000x128xf32, #tpu.memory_space<hbm>> -> memref<128x128xf32, #tpu.memory_space<hbm>>
      tpu.wait_dma2 semaphore(%arg26 : memref<!tpu.dma_semaphore, #tpu.memory_space<semaphore_mem>>) src(%dma_wait3A_422 : memref<128x128xf32, #tpu.memory_space<hbm>>) dst(%arg16 : memref<128x128xf32, #tpu.memory_space<vmem>>)
      %get3A_423 = arith.constant 0 : i32
      %get3A_424 = arith.index_cast %get3A_423 : i32 to index
      %get3A_425 = arith.constant 0 : index
      %get3A_426 = tpu.vector_load %arg12[%get3A_424, %get3A_425] {strides = array<i32>} : memref<1x128xi32, #tpu.memory_space<vmem>>, vector<16xi32>,
      %get3A_427 = arith.constant 0 : i32
      %get3A_428 = arith.index_cast %get3A_427 : i32 to index
      %get3A_429 = arith.constant 16 : index
      %get3A_430 = tpu.vector_load %arg12[%get3A_428, %get3A_429] {strides = array<i32>} : memref<1x128xi32, #tpu.memory_space<vmem>>, vector<16xi32>,
      %get3A_431 = arith.constant 0 : i32
      %get3A_432 = arith.index_cast %get3A_431 : i32 to index
      %get3A_433 = arith.constant 32 : index
      %get3A_434 = tpu.vector_load %arg12[%get3A_432, %get3A_433] {strides = array<i32>} : memref<1x128xi32, #tpu.memory_space<vmem>>, vector<16xi32>,
      %get3A_435 = arith.constant 0 : i32
      %get3A_436 = arith.index_cast %get3A_435 : i32 to index
      %get3A_437 = arith.constant 48 : index
      %get3A_438 = tpu.vector_load %arg12[%get3A_436, %get3A_437] {strides = array<i32>} : memref<1x128xi32, #tpu.memory_space<vmem>>, vector<16xi32>,
      %get3A_439 = arith.constant 0 : i32
      %get3A_440 = arith.index_cast %get3A_439 : i32 to index
      %get3A_441 = arith.constant 64 : index
      %get3A_442 = tpu.vector_load %arg12[%get3A_440, %get3A_441] {strides = array<i32>} : memref<1x128xi32, #tpu.memory_space<vmem>>, vector<16xi32>,
      %get3A_443 = arith.constant 0 : i32
      %get3A_444 = arith.index_cast %get3A_443 : i32 to index
      %get3A_445 = arith.constant 80 : index
      %get3A_446 = tpu.vector_load %arg12[%get3A_444, %get3A_445] {strides = array<i32>} : memref<1x128xi32, #tpu.memory_space<vmem>>, vector<16xi32>,
      %get3A_447 = arith.constant 0 : i32
      %get3A_448 = arith.index_cast %get3A_447 : i32 to index
      %get3A_449 = arith.constant 96 : index
      %get3A_450 = tpu.vector_load %arg12[%get3A_448, %get3A_449] {strides = array<i32>} : memref<1x128xi32, #tpu.memory_space<vmem>>, vector<16xi32>,
      %get3A_451 = arith.constant 0 : i32
      %get3A_452 = arith.index_cast %get3A_451 : i32 to index
      %get3A_453 = arith.constant 112 : index
      %get3A_454 = tpu.vector_load %arg12[%get3A_452, %get3A_453] {strides = array<i32>} : memref<1x128xi32, #tpu.memory_space<vmem>>, vector<16xi32>,
      %scan3A_455 = arith.constant 0 : i32
      %scan3A_456 = arith.constant 0 : i32
      %scan3A_457 = arith.constant 32 : i32
      %scan3A_458 = arith.addi %scan3A_456, %scan3A_457 : i32
      %scan3A_459 = arith.constant 1 : i32
      scf.for %scan3A_602 = %scan3A_456 to %scan3A_458 step %scan3A_459  : i32 {
        %add3A_603 = vector.broadcast %scan3A_602 : i32 to vector<16xi32>
        %add3A_604 = arith.addi %add3A_603, %iota3A : vector<16xi32>
        %and3A_605 = arith.constant 31 : i32
        %and3A_606 = vector.broadcast %and3A_605 : i32 to vector<16xi32>
        %and3A_607 = arith.andi %add3A_604, %and3A_606 : vector<16xi32>
        %add3A_608 = arith.addi %get3A_426, %and3A_607 : vector<16xi32>
        %gather3A = tpu.vector_load_idx %arg16[%add3A_3, %add3A_608] : memref<128x128xf32, #tpu.memory_space<vmem>>[vector<16xi32>, vector<16xi32>], vector<16xf32>,
        tpu.vector_store_idx %arg18[%and3A_607, %add3A_3], %gather3A : memref<32x128xf32, #tpu.memory_space<vmem>>[vector<16xi32>, vector<16xi32>], vector<16xf32>,
        %add3A_609 = arith.addi %get3A_430, %and3A_607 : vector<16xi32>
        %gather3A_610 = tpu.vector_load_idx %arg16[%add3A_6, %add3A_609] : memref<128x128xf32, #tpu.memory_space<vmem>>[vector<16xi32>, vector<16xi32>], vector<16xf32>,
        tpu.vector_store_idx %arg18[%and3A_607, %add3A_6], %gather3A_610 : memref<32x128xf32, #tpu.memory_space<vmem>>[vector<16xi32>, vector<16xi32>], vector<16xf32>,
        %add3A_611 = arith.addi %get3A_434, %and3A_607 : vector<16xi32>
        %gather3A_612 = tpu.vector_load_idx %arg16[%add3A_9, %add3A_611] : memref<128x128xf32, #tpu.memory_space<vmem>>[vector<16xi32>, vector<16xi32>], vector<16xf32>,
        tpu.vector_store_idx %arg18[%and3A_607, %add3A_9], %gather3A_612 : memref<32x128xf32, #tpu.memory_space<vmem>>[vector<16xi32>, vector<16xi32>], vector<16xf32>,
        %add3A_613 = arith.addi %get3A_438, %and3A_607 : vector<16xi32>
        %gather3A_614 = tpu.vector_load_idx %arg16[%add3A_12, %add3A_613] : memref<128x128xf32, #tpu.memory_space<vmem>>[vector<16xi32>, vector<16xi32>], vector<16xf32>,
        tpu.vector_store_idx %arg18[%and3A_607, %add3A_12], %gather3A_614 : memref<32x128xf32, #tpu.memory_space<vmem>>[vector<16xi32>, vector<16xi32>], vector<16xf32>,
        %add3A_615 = arith.addi %get3A_442, %and3A_607 : vector<16xi32>
        %gather3A_616 = tpu.vector_load_idx %arg16[%add3A_15, %add3A_615] : memref<128x128xf32, #tpu.memory_space<vmem>>[vector<16xi32>, vector<16xi32>], vector<16xf32>,
        tpu.vector_store_idx %arg18[%and3A_607, %add3A_15], %gather3A_616 : memref<32x128xf32, #tpu.memory_space<vmem>>[vector<16xi32>, vector<16xi32>], vector<16xf32>,
        %add3A_617 = arith.addi %get3A_446, %and3A_607 : vector<16xi32>
        %gather3A_618 = tpu.vector_load_idx %arg16[%add3A_18, %add3A_617] : memref<128x128xf32, #tpu.memory_space<vmem>>[vector<16xi32>, vector<16xi32>], vector<16xf32>,
        tpu.vector_store_idx %arg18[%and3A_607, %add3A_18], %gather3A_618 : memref<32x128xf32, #tpu.memory_space<vmem>>[vector<16xi32>, vector<16xi32>], vector<16xf32>,
        %add3A_619 = arith.addi %get3A_450, %and3A_607 : vector<16xi32>
        %gather3A_620 = tpu.vector_load_idx %arg16[%add3A_21, %add3A_619] : memref<128x128xf32, #tpu.memory_space<vmem>>[vector<16xi32>, vector<16xi32>], vector<16xf32>,
        tpu.vector_store_idx %arg18[%and3A_607, %add3A_21], %gather3A_620 : memref<32x128xf32, #tpu.memory_space<vmem>>[vector<16xi32>, vector<16xi32>], vector<16xf32>,
        %add3A_621 = arith.addi %get3A_454, %and3A_607 : vector<16xi32>
        %gather3A_622 = tpu.vector_load_idx %arg16[%add3A_24, %add3A_621] : memref<128x128xf32, #tpu.memory_space<vmem>>[vector<16xi32>, vector<16xi32>], vector<16xf32>,
        tpu.vector_store_idx %arg18[%and3A_607, %add3A_24], %gather3A_622 : memref<32x128xf32, #tpu.memory_space<vmem>>[vector<16xi32>, vector<16xi32>], vector<16xf32>,
      }
      %scan3A_460 = arith.constant 32 : i32
      %mul3A_461 = arith.constant 104 : i32
      %mul3A_462 = arith.muli %add3A, %mul3A_461 : i32
      %add3A_463 = arith.addi %mul3A_462, %add3A_397 : i32
      %jit3A_464 = arith.constant 128 : i32
      %div3A_465 = arith.divsi %add3A_463, %jit3A_464 : i32
      %sign3A_466 = arith.constant 0 : i32
      %sign3A_467 = arith.cmpi sgt, %add3A_463, %sign3A_466 : i32
      %sign3A_468 = arith.extui %sign3A_467 : i1 to i32
      %sign3A_469 = arith.constant 0 : i32
      %sign3A_470 = arith.cmpi slt, %add3A_463, %sign3A_469 : i32
      %sign3A_471 = arith.extui %sign3A_470 : i1 to i32
      %sign3A_472 = arith.subi %sign3A_468, %sign3A_471 : i32
      %sign3A_473 = arith.constant 0 : i32
      %sign3A_474 = arith.cmpi sgt, %jit3A_464, %sign3A_473 : i32
      %sign3A_475 = arith.extui %sign3A_474 : i1 to i32
      %sign3A_476 = arith.constant 0 : i32
      %sign3A_477 = arith.cmpi slt, %jit3A_464, %sign3A_476 : i32
      %sign3A_478 = arith.extui %sign3A_477 : i1 to i32
      %sign3A_479 = arith.subi %sign3A_475, %sign3A_478 : i32
      %ne3A_480 = arith.cmpi ne, %sign3A_472, %sign3A_479 : i32
      %rem3A_481 = arith.remsi %add3A_463, %jit3A_464 : i32
      %ne3A_482 = arith.constant 0 : i32
      %ne3A_483 = arith.cmpi ne, %rem3A_481, %ne3A_482 : i32
      %and3A_484 = arith.andi %ne3A_480, %ne3A_483 : i1
      %sub3A_485 = arith.constant 1 : i32
      %sub3A_486 = arith.subi %div3A_465, %sub3A_485 : i32
      %select_n3A_487 = arith.select %and3A_484, %sub3A_486, %div3A_465 : i32
      %rem3A_488 = arith.constant 128 : i32
      %rem3A_489 = arith.remsi %add3A_463, %rem3A_488 : i32
      %mul3A_490 = arith.constant 128 : i32
      %mul3A_491 = arith.muli %rem3A_489, %mul3A_490 : i32
      %dma_start3A_492 = arith.constant 0 : i32
      %dma_start3A_493 = tpu.memref_slice %arg5[%select_n3A_487, %dma_start3A_492, %mul3A_491] : memref<26x32x16384xf32, #tpu.memory_space<hbm>> -> memref<1x32x128xf32, #tpu.memory_space<hbm>>
      %dma_start3A_494 = tpu.memref_squeeze %dma_start3A_493 : memref<1x32x128xf32, #tpu.memory_space<hbm>> -> memref<32x128xf32, #tpu.memory_space<hbm>>
      %dma_start3A_495 = arith.constant 0 : i32
      %dma_start3A_496 = tpu.memref_slice %arg5[%select_n3A_487, %dma_start3A_495, %mul3A_491] : memref<26x32x16384xf32, #tpu.memory_space<hbm>> -> memref<1x32x128xf32, #tpu.memory_space<hbm>>
      %dma_start3A_497 = tpu.memref_squeeze %dma_start3A_496 : memref<1x32x128xf32, #tpu.memory_space<hbm>> -> memref<32x128xf32, #tpu.memory_space<hbm>>
      tpu.enqueue_dma source(%arg18 : memref<32x128xf32, #tpu.memory_space<vmem>>) target(%dma_start3A_497 : memref<32x128xf32, #tpu.memory_space<hbm>>) target_semaphore(%arg28 : memref<!tpu.dma_semaphore, #tpu.memory_space<semaphore_mem>>)
      %mul3A_498 = arith.constant 4 : i32
      %mul3A_499 = arith.muli %mul3A_498, %scan3A_190 : i32
      %add3A_500 = arith.constant 3 : i32
      %add3A_501 = arith.addi %mul3A_499, %add3A_500 : i32
      %add3A_502 = arith.constant 3 : i32
      %add3A_503 = arith.addi %add3A_501, %add3A_502 : i32
      %lt3A_504 = arith.constant 104 : i32
      %lt3A_505 = arith.cmpi slt, %add3A_503, %lt3A_504 : i32
      %convert_element_type3A_506 = arith.extui %lt3A_505 : i1 to i32
      %cond3A_507 = arith.constant 0 : i32
      %cond3A_508 = arith.cmpi ne, %convert_element_type3A_506, %cond3A_507 : i32
      scf.if %cond3A_508 {
        %add3A_602 = arith.constant 3 : i32
        %add3A_603 = arith.addi %add3A_501, %add3A_602 : i32
        %dma_start3A_604 = arith.constant 0 : i32
        %dma_start3A_605 = tpu.memref_slice %arg2[%add3A, %add3A_603, %dma_start3A_604] : memref<32x104x128xi32, #tpu.memory_space<hbm>> -> memref<1x1x128xi32, #tpu.memory_space<hbm>>
        %dma_start3A_606 = tpu.memref_squeeze %dma_start3A_605 : memref<1x1x128xi32, #tpu.memory_space<hbm>> -> memref<1x128xi32, #tpu.memory_space<hbm>>
        %dma_start3A_607 = arith.constant 0 : i32
        %dma_start3A_608 = tpu.memref_slice %arg2[%add3A, %add3A_603, %dma_start3A_607] : memref<32x104x128xi32, #tpu.memory_space<hbm>> -> memref<1x1x128xi32, #tpu.memory_space<hbm>>
        %dma_start3A_609 = tpu.memref_squeeze %dma_start3A_608 : memref<1x1x128xi32, #tpu.memory_space<hbm>> -> memref<1x128xi32, #tpu.memory_space<hbm>>
        tpu.enqueue_dma source(%dma_start3A_609 : memref<1x128xi32, #tpu.memory_space<hbm>>) target(%arg8 : memref<1x128xi32, #tpu.memory_space<vmem>>) target_semaphore(%arg22 : memref<!tpu.dma_semaphore, #tpu.memory_space<semaphore_mem>>)
        %dma_start3A_610 = arith.constant 0 : i32
        %dma_start3A_611 = tpu.memref_slice %arg3[%add3A, %add3A_603, %dma_start3A_610] : memref<32x104x128xi32, #tpu.memory_space<hbm>> -> memref<1x1x128xi32, #tpu.memory_space<hbm>>
        %dma_start3A_612 = tpu.memref_squeeze %dma_start3A_611 : memref<1x1x128xi32, #tpu.memory_space<hbm>> -> memref<1x128xi32, #tpu.memory_space<hbm>>
        %dma_start3A_613 = arith.constant 0 : i32
        %dma_start3A_614 = tpu.memref_slice %arg3[%add3A, %add3A_603, %dma_start3A_613] : memref<32x104x128xi32, #tpu.memory_space<hbm>> -> memref<1x1x128xi32, #tpu.memory_space<hbm>>
        %dma_start3A_615 = tpu.memref_squeeze %dma_start3A_614 : memref<1x1x128xi32, #tpu.memory_space<hbm>> -> memref<1x128xi32, #tpu.memory_space<hbm>>
        tpu.enqueue_dma source(%dma_start3A_615 : memref<1x128xi32, #tpu.memory_space<hbm>>) target(%arg12 : memref<1x128xi32, #tpu.memory_space<vmem>>) target_semaphore(%arg22 : memref<!tpu.dma_semaphore, #tpu.memory_space<semaphore_mem>>)
      } else {
      }
      %add3A_509 = arith.constant 2 : i32
      %add3A_510 = arith.addi %add3A_501, %add3A_509 : i32
      %lt3A_511 = arith.constant 104 : i32
      %lt3A_512 = arith.cmpi slt, %add3A_510, %lt3A_511 : i32
      %convert_element_type3A_513 = arith.extui %lt3A_512 : i1 to i32
      %cond3A_514 = arith.constant 0 : i32
      %cond3A_515 = arith.cmpi ne, %convert_element_type3A_513, %cond3A_514 : i32
      scf.if %cond3A_515 {
        %dma_wait3A_602 = arith.constant 0 : i32
        %dma_wait3A_603 = arith.constant 0 : i32
        %dma_wait3A_604 = tpu.memref_slice %arg2[%add3A, %dma_wait3A_602, %dma_wait3A_603] : memref<32x104x128xi32, #tpu.memory_space<hbm>> -> memref<1x1x128xi32, #tpu.memory_space<hbm>>
        %dma_wait3A_605 = tpu.memref_squeeze %dma_wait3A_604 : memref<1x1x128xi32, #tpu.memory_space<hbm>> -> memref<1x128xi32, #tpu.memory_space<hbm>>
        %dma_wait3A_606 = arith.constant 0 : i32
        %dma_wait3A_607 = arith.constant 0 : i32
        %dma_wait3A_608 = tpu.memref_slice %arg2[%add3A, %dma_wait3A_606, %dma_wait3A_607] : memref<32x104x128xi32, #tpu.memory_space<hbm>> -> memref<1x1x128xi32, #tpu.memory_space<hbm>>
        %dma_wait3A_609 = tpu.memref_squeeze %dma_wait3A_608 : memref<1x1x128xi32, #tpu.memory_space<hbm>> -> memref<1x128xi32, #tpu.memory_space<hbm>>
        tpu.wait_dma2 semaphore(%arg21 : memref<!tpu.dma_semaphore, #tpu.memory_space<semaphore_mem>>) src(%dma_wait3A_609 : memref<1x128xi32, #tpu.memory_space<hbm>>) dst(%arg7 : memref<1x128xi32, #tpu.memory_space<vmem>>)
        %dma_wait3A_610 = arith.constant 0 : i32
        %dma_wait3A_611 = arith.constant 0 : i32
        %dma_wait3A_612 = tpu.memref_slice %arg3[%add3A, %dma_wait3A_610, %dma_wait3A_611] : memref<32x104x128xi32, #tpu.memory_space<hbm>> -> memref<1x1x128xi32, #tpu.memory_space<hbm>>
        %dma_wait3A_613 = tpu.memref_squeeze %dma_wait3A_612 : memref<1x1x128xi32, #tpu.memory_space<hbm>> -> memref<1x128xi32, #tpu.memory_space<hbm>>
        %dma_wait3A_614 = arith.constant 0 : i32
        %dma_wait3A_615 = arith.constant 0 : i32
        %dma_wait3A_616 = tpu.memref_slice %arg3[%add3A, %dma_wait3A_614, %dma_wait3A_615] : memref<32x104x128xi32, #tpu.memory_space<hbm>> -> memref<1x1x128xi32, #tpu.memory_space<hbm>>
        %dma_wait3A_617 = tpu.memref_squeeze %dma_wait3A_616 : memref<1x1x128xi32, #tpu.memory_space<hbm>> -> memref<1x128xi32, #tpu.memory_space<hbm>>
        tpu.wait_dma2 semaphore(%arg21 : memref<!tpu.dma_semaphore, #tpu.memory_space<semaphore_mem>>) src(%dma_wait3A_617 : memref<1x128xi32, #tpu.memory_space<hbm>>) dst(%arg11 : memref<1x128xi32, #tpu.memory_space<vmem>>)
        %dma_start3A_618 = arith.constant 0 : i32
        %dma_start3A_619 = arith.constant 0 : i32
        %dma_start3A_620 = tpu.memref_slice %arg7[%dma_start3A_618, %dma_start3A_619] : memref<1x128xi32, #tpu.memory_space<vmem>> -> memref<1x128xi32, #tpu.memory_space<vmem>>
        %dma_start3A_621 = tpu.memref_squeeze %dma_start3A_620 : memref<1x128xi32, #tpu.memory_space<vmem>> -> memref<128xi32, #tpu.memory_space<vmem>>
        %dma_start3A_622 = arith.constant 0 : i32
        %dma_start3A_623 = arith.constant 0 : i32
        %dma_start3A_624 = tpu.memref_slice %arg4[%dma_start3A_622, %dma_start3A_623] : memref<250000x128xf32, #tpu.memory_space<hbm>> -> memref<250000x128xf32, #tpu.memory_space<hbm>>
        tpu.enqueue_indirect_dma source(%dma_start3A_624 : memref<250000x128xf32, #tpu.memory_space<hbm>>) target(%arg15 : memref<128x128xf32, #tpu.memory_space<vmem>>) offsets(%dma_start3A_621 : memref<128xi32, #tpu.memory_space<vmem>>) semaphore(%arg25 : memref<!tpu.dma_semaphore, #tpu.memory_space<semaphore_mem>>)
      } else {
      }
      %ge3A_516 = arith.constant 2 : i32
      %ge3A_517 = arith.cmpi sge, %add3A_501, %ge3A_516 : i32
      %convert_element_type3A_518 = arith.extui %ge3A_517 : i1 to i32
      %cond3A_519 = arith.constant 0 : i32
      %cond3A_520 = arith.cmpi ne, %convert_element_type3A_518, %cond3A_519 : i32
      scf.if %cond3A_520 {
        %mul3A_602 = arith.constant 104 : i32
        %mul3A_603 = arith.muli %add3A, %mul3A_602 : i32
        %add3A_604 = arith.addi %mul3A_603, %add3A_501 : i32
        %jit3A_605 = arith.constant 128 : i32
        %div3A_606 = arith.divsi %add3A_604, %jit3A_605 : i32
        %sign3A_607 = arith.constant 0 : i32
        %sign3A_608 = arith.cmpi sgt, %add3A_604, %sign3A_607 : i32
        %sign3A_609 = arith.extui %sign3A_608 : i1 to i32
        %sign3A_610 = arith.constant 0 : i32
        %sign3A_611 = arith.cmpi slt, %add3A_604, %sign3A_610 : i32
        %sign3A_612 = arith.extui %sign3A_611 : i1 to i32
        %sign3A_613 = arith.subi %sign3A_609, %sign3A_612 : i32
        %sign3A_614 = arith.constant 0 : i32
        %sign3A_615 = arith.cmpi sgt, %jit3A_605, %sign3A_614 : i32
        %sign3A_616 = arith.extui %sign3A_615 : i1 to i32
        %sign3A_617 = arith.constant 0 : i32
        %sign3A_618 = arith.cmpi slt, %jit3A_605, %sign3A_617 : i32
        %sign3A_619 = arith.extui %sign3A_618 : i1 to i32
        %sign3A_620 = arith.subi %sign3A_616, %sign3A_619 : i32
        %ne3A_621 = arith.cmpi ne, %sign3A_613, %sign3A_620 : i32
        %rem3A_622 = arith.remsi %add3A_604, %jit3A_605 : i32
        %ne3A_623 = arith.constant 0 : i32
        %ne3A_624 = arith.cmpi ne, %rem3A_622, %ne3A_623 : i32
        %and3A_625 = arith.andi %ne3A_621, %ne3A_624 : i1
        %sub3A_626 = arith.constant 1 : i32
        %sub3A_627 = arith.subi %div3A_606, %sub3A_626 : i32
        %select_n3A_628 = arith.select %and3A_625, %sub3A_627, %div3A_606 : i32
        %rem3A_629 = arith.constant 128 : i32
        %rem3A_630 = arith.remsi %add3A_604, %rem3A_629 : i32
        %mul3A_631 = arith.constant 128 : i32
        %mul3A_632 = arith.muli %rem3A_630, %mul3A_631 : i32
        %dma_wait3A_633 = arith.constant 0 : i32
        %dma_wait3A_634 = tpu.memref_slice %arg5[%select_n3A_628, %dma_wait3A_633, %mul3A_632] : memref<26x32x16384xf32, #tpu.memory_space<hbm>> -> memref<1x32x128xf32, #tpu.memory_space<hbm>>
        %dma_wait3A_635 = tpu.memref_squeeze %dma_wait3A_634 : memref<1x32x128xf32, #tpu.memory_space<hbm>> -> memref<32x128xf32, #tpu.memory_space<hbm>>
        %dma_wait3A_636 = arith.constant 0 : i32
        %dma_wait3A_637 = tpu.memref_slice %arg5[%select_n3A_628, %dma_wait3A_636, %mul3A_632] : memref<26x32x16384xf32, #tpu.memory_space<hbm>> -> memref<1x32x128xf32, #tpu.memory_space<hbm>>
        %dma_wait3A_638 = tpu.memref_squeeze %dma_wait3A_637 : memref<1x32x128xf32, #tpu.memory_space<hbm>> -> memref<32x128xf32, #tpu.memory_space<hbm>>
        tpu.wait_dma2 semaphore(%arg29 : memref<!tpu.dma_semaphore, #tpu.memory_space<semaphore_mem>>) src(%arg19 : memref<32x128xf32, #tpu.memory_space<vmem>>) dst(%dma_wait3A_638 : memref<32x128xf32, #tpu.memory_space<hbm>>)
      } else {
      }
      %dma_wait3A_521 = arith.constant 0 : i32
      %dma_wait3A_522 = arith.constant 0 : i32
      %dma_wait3A_523 = tpu.memref_slice %arg4[%dma_wait3A_521, %dma_wait3A_522] : memref<250000x128xf32, #tpu.memory_space<hbm>> -> memref<128x128xf32, #tpu.memory_space<hbm>>
      %dma_wait3A_524 = arith.constant 0 : i32
      %dma_wait3A_525 = arith.constant 0 : i32
      %dma_wait3A_526 = tpu.memref_slice %arg4[%dma_wait3A_524, %dma_wait3A_525] : memref<250000x128xf32, #tpu.memory_space<hbm>> -> memref<128x128xf32, #tpu.memory_space<hbm>>
      tpu.wait_dma2 semaphore(%arg27 : memref<!tpu.dma_semaphore, #tpu.memory_space<semaphore_mem>>) src(%dma_wait3A_526 : memref<128x128xf32, #tpu.memory_space<hbm>>) dst(%arg17 : memref<128x128xf32, #tpu.memory_space<vmem>>)
      %get3A_527 = arith.constant 0 : i32
      %get3A_528 = arith.index_cast %get3A_527 : i32 to index
      %get3A_529 = arith.constant 0 : index
      %get3A_530 = tpu.vector_load %arg13[%get3A_528, %get3A_529] {strides = array<i32>} : memref<1x128xi32, #tpu.memory_space<vmem>>, vector<16xi32>,
      %get3A_531 = arith.constant 0 : i32
      %get3A_532 = arith.index_cast %get3A_531 : i32 to index
      %get3A_533 = arith.constant 16 : index
      %get3A_534 = tpu.vector_load %arg13[%get3A_532, %get3A_533] {strides = array<i32>} : memref<1x128xi32, #tpu.memory_space<vmem>>, vector<16xi32>,
      %get3A_535 = arith.constant 0 : i32
      %get3A_536 = arith.index_cast %get3A_535 : i32 to index
      %get3A_537 = arith.constant 32 : index
      %get3A_538 = tpu.vector_load %arg13[%get3A_536, %get3A_537] {strides = array<i32>} : memref<1x128xi32, #tpu.memory_space<vmem>>, vector<16xi32>,
      %get3A_539 = arith.constant 0 : i32
      %get3A_540 = arith.index_cast %get3A_539 : i32 to index
      %get3A_541 = arith.constant 48 : index
      %get3A_542 = tpu.vector_load %arg13[%get3A_540, %get3A_541] {strides = array<i32>} : memref<1x128xi32, #tpu.memory_space<vmem>>, vector<16xi32>,
      %get3A_543 = arith.constant 0 : i32
      %get3A_544 = arith.index_cast %get3A_543 : i32 to index
      %get3A_545 = arith.constant 64 : index
      %get3A_546 = tpu.vector_load %arg13[%get3A_544, %get3A_545] {strides = array<i32>} : memref<1x128xi32, #tpu.memory_space<vmem>>, vector<16xi32>,
      %get3A_547 = arith.constant 0 : i32
      %get3A_548 = arith.index_cast %get3A_547 : i32 to index
      %get3A_549 = arith.constant 80 : index
      %get3A_550 = tpu.vector_load %arg13[%get3A_548, %get3A_549] {strides = array<i32>} : memref<1x128xi32, #tpu.memory_space<vmem>>, vector<16xi32>,
      %get3A_551 = arith.constant 0 : i32
      %get3A_552 = arith.index_cast %get3A_551 : i32 to index
      %get3A_553 = arith.constant 96 : index
      %get3A_554 = tpu.vector_load %arg13[%get3A_552, %get3A_553] {strides = array<i32>} : memref<1x128xi32, #tpu.memory_space<vmem>>, vector<16xi32>,
      %get3A_555 = arith.constant 0 : i32
      %get3A_556 = arith.index_cast %get3A_555 : i32 to index
      %get3A_557 = arith.constant 112 : index
      %get3A_558 = tpu.vector_load %arg13[%get3A_556, %get3A_557] {strides = array<i32>} : memref<1x128xi32, #tpu.memory_space<vmem>>, vector<16xi32>,
      %scan3A_559 = arith.constant 0 : i32
      %scan3A_560 = arith.constant 0 : i32
      %scan3A_561 = arith.constant 32 : i32
      %scan3A_562 = arith.addi %scan3A_560, %scan3A_561 : i32
      %scan3A_563 = arith.constant 1 : i32
      scf.for %scan3A_602 = %scan3A_560 to %scan3A_562 step %scan3A_563  : i32 {
        %add3A_603 = vector.broadcast %scan3A_602 : i32 to vector<16xi32>
        %add3A_604 = arith.addi %add3A_603, %iota3A : vector<16xi32>
        %and3A_605 = arith.constant 31 : i32
        %and3A_606 = vector.broadcast %and3A_605 : i32 to vector<16xi32>
        %and3A_607 = arith.andi %add3A_604, %and3A_606 : vector<16xi32>
        %add3A_608 = arith.addi %get3A_530, %and3A_607 : vector<16xi32>
        %gather3A = tpu.vector_load_idx %arg17[%add3A_3, %add3A_608] : memref<128x128xf32, #tpu.memory_space<vmem>>[vector<16xi32>, vector<16xi32>], vector<16xf32>,
        tpu.vector_store_idx %arg19[%and3A_607, %add3A_3], %gather3A : memref<32x128xf32, #tpu.memory_space<vmem>>[vector<16xi32>, vector<16xi32>], vector<16xf32>,
        %add3A_609 = arith.addi %get3A_534, %and3A_607 : vector<16xi32>
        %gather3A_610 = tpu.vector_load_idx %arg17[%add3A_6, %add3A_609] : memref<128x128xf32, #tpu.memory_space<vmem>>[vector<16xi32>, vector<16xi32>], vector<16xf32>,
        tpu.vector_store_idx %arg19[%and3A_607, %add3A_6], %gather3A_610 : memref<32x128xf32, #tpu.memory_space<vmem>>[vector<16xi32>, vector<16xi32>], vector<16xf32>,
        %add3A_611 = arith.addi %get3A_538, %and3A_607 : vector<16xi32>
        %gather3A_612 = tpu.vector_load_idx %arg17[%add3A_9, %add3A_611] : memref<128x128xf32, #tpu.memory_space<vmem>>[vector<16xi32>, vector<16xi32>], vector<16xf32>,
        tpu.vector_store_idx %arg19[%and3A_607, %add3A_9], %gather3A_612 : memref<32x128xf32, #tpu.memory_space<vmem>>[vector<16xi32>, vector<16xi32>], vector<16xf32>,
        %add3A_613 = arith.addi %get3A_542, %and3A_607 : vector<16xi32>
        %gather3A_614 = tpu.vector_load_idx %arg17[%add3A_12, %add3A_613] : memref<128x128xf32, #tpu.memory_space<vmem>>[vector<16xi32>, vector<16xi32>], vector<16xf32>,
        tpu.vector_store_idx %arg19[%and3A_607, %add3A_12], %gather3A_614 : memref<32x128xf32, #tpu.memory_space<vmem>>[vector<16xi32>, vector<16xi32>], vector<16xf32>,
        %add3A_615 = arith.addi %get3A_546, %and3A_607 : vector<16xi32>
        %gather3A_616 = tpu.vector_load_idx %arg17[%add3A_15, %add3A_615] : memref<128x128xf32, #tpu.memory_space<vmem>>[vector<16xi32>, vector<16xi32>], vector<16xf32>,
        tpu.vector_store_idx %arg19[%and3A_607, %add3A_15], %gather3A_616 : memref<32x128xf32, #tpu.memory_space<vmem>>[vector<16xi32>, vector<16xi32>], vector<16xf32>,
        %add3A_617 = arith.addi %get3A_550, %and3A_607 : vector<16xi32>
        %gather3A_618 = tpu.vector_load_idx %arg17[%add3A_18, %add3A_617] : memref<128x128xf32, #tpu.memory_space<vmem>>[vector<16xi32>, vector<16xi32>], vector<16xf32>,
        tpu.vector_store_idx %arg19[%and3A_607, %add3A_18], %gather3A_618 : memref<32x128xf32, #tpu.memory_space<vmem>>[vector<16xi32>, vector<16xi32>], vector<16xf32>,
        %add3A_619 = arith.addi %get3A_554, %and3A_607 : vector<16xi32>
        %gather3A_620 = tpu.vector_load_idx %arg17[%add3A_21, %add3A_619] : memref<128x128xf32, #tpu.memory_space<vmem>>[vector<16xi32>, vector<16xi32>], vector<16xf32>,
        tpu.vector_store_idx %arg19[%and3A_607, %add3A_21], %gather3A_620 : memref<32x128xf32, #tpu.memory_space<vmem>>[vector<16xi32>, vector<16xi32>], vector<16xf32>,
        %add3A_621 = arith.addi %get3A_558, %and3A_607 : vector<16xi32>
        %gather3A_622 = tpu.vector_load_idx %arg17[%add3A_24, %add3A_621] : memref<128x128xf32, #tpu.memory_space<vmem>>[vector<16xi32>, vector<16xi32>], vector<16xf32>,
        tpu.vector_store_idx %arg19[%and3A_607, %add3A_24], %gather3A_622 : memref<32x128xf32, #tpu.memory_space<vmem>>[vector<16xi32>, vector<16xi32>], vector<16xf32>,
      }
      %scan3A_564 = arith.constant 32 : i32
      %mul3A_565 = arith.constant 104 : i32
      %mul3A_566 = arith.muli %add3A, %mul3A_565 : i32
      %add3A_567 = arith.addi %mul3A_566, %add3A_501 : i32
      %jit3A_568 = arith.constant 128 : i32
      %div3A_569 = arith.divsi %add3A_567, %jit3A_568 : i32
      %sign3A_570 = arith.constant 0 : i32
      %sign3A_571 = arith.cmpi sgt, %add3A_567, %sign3A_570 : i32
      %sign3A_572 = arith.extui %sign3A_571 : i1 to i32
      %sign3A_573 = arith.constant 0 : i32
      %sign3A_574 = arith.cmpi slt, %add3A_567, %sign3A_573 : i32
      %sign3A_575 = arith.extui %sign3A_574 : i1 to i32
      %sign3A_576 = arith.subi %sign3A_572, %sign3A_575 : i32
      %sign3A_577 = arith.constant 0 : i32
      %sign3A_578 = arith.cmpi sgt, %jit3A_568, %sign3A_577 : i32
      %sign3A_579 = arith.extui %sign3A_578 : i1 to i32
      %sign3A_580 = arith.constant 0 : i32
      %sign3A_581 = arith.cmpi slt, %jit3A_568, %sign3A_580 : i32
      %sign3A_582 = arith.extui %sign3A_581 : i1 to i32
      %sign3A_583 = arith.subi %sign3A_579, %sign3A_582 : i32
      %ne3A_584 = arith.cmpi ne, %sign3A_576, %sign3A_583 : i32
      %rem3A_585 = arith.remsi %add3A_567, %jit3A_568 : i32
      %ne3A_586 = arith.constant 0 : i32
      %ne3A_587 = arith.cmpi ne, %rem3A_585, %ne3A_586 : i32
      %and3A_588 = arith.andi %ne3A_584, %ne3A_587 : i1
      %sub3A_589 = arith.constant 1 : i32
      %sub3A_590 = arith.subi %div3A_569, %sub3A_589 : i32
      %select_n3A_591 = arith.select %and3A_588, %sub3A_590, %div3A_569 : i32
      %rem3A_592 = arith.constant 128 : i32
      %rem3A_593 = arith.remsi %add3A_567, %rem3A_592 : i32
      %mul3A_594 = arith.constant 128 : i32
      %mul3A_595 = arith.muli %rem3A_593, %mul3A_594 : i32
      %dma_start3A_596 = arith.constant 0 : i32
      %dma_start3A_597 = tpu.memref_slice %arg5[%select_n3A_591, %dma_start3A_596, %mul3A_595] : memref<26x32x16384xf32, #tpu.memory_space<hbm>> -> memref<1x32x128xf32, #tpu.memory_space<hbm>>
      %dma_start3A_598 = tpu.memref_squeeze %dma_start3A_597 : memref<1x32x128xf32, #tpu.memory_space<hbm>> -> memref<32x128xf32, #tpu.memory_space<hbm>>
      %dma_start3A_599 = arith.constant 0 : i32
      %dma_start3A_600 = tpu.memref_slice %arg5[%select_n3A_591, %dma_start3A_599, %mul3A_595] : memref<26x32x16384xf32, #tpu.memory_space<hbm>> -> memref<1x32x128xf32, #tpu.memory_space<hbm>>
      %dma_start3A_601 = tpu.memref_squeeze %dma_start3A_600 : memref<1x32x128xf32, #tpu.memory_space<hbm>> -> memref<32x128xf32, #tpu.memory_space<hbm>>
      tpu.enqueue_dma source(%arg19 : memref<32x128xf32, #tpu.memory_space<vmem>>) target(%dma_start3A_601 : memref<32x128xf32, #tpu.memory_space<hbm>>) target_semaphore(%arg29 : memref<!tpu.dma_semaphore, #tpu.memory_space<semaphore_mem>>)
    }
    %scan3A_121 = arith.constant 26 : i32
    %mul3A_122 = arith.constant 104 : i32
    %mul3A_123 = arith.muli %add3A, %mul3A_122 : i32
    %add3A_124 = arith.constant 0 : i32
    %add3A_125 = arith.addi %mul3A_123, %add3A_124 : i32
    %jit3A = arith.constant 128 : i32
    %div3A = arith.divsi %add3A_125, %jit3A : i32
    %sign3A = arith.constant 0 : i32
    %sign3A_126 = arith.cmpi sgt, %add3A_125, %sign3A : i32
    %sign3A_127 = arith.extui %sign3A_126 : i1 to i32
    %sign3A_128 = arith.constant 0 : i32
    %sign3A_129 = arith.cmpi slt, %add3A_125, %sign3A_128 : i32
    %sign3A_130 = arith.extui %sign3A_129 : i1 to i32
    %sign3A_131 = arith.subi %sign3A_127, %sign3A_130 : i32
    %sign3A_132 = arith.constant 0 : i32
    %sign3A_133 = arith.cmpi sgt, %jit3A, %sign3A_132 : i32
    %sign3A_134 = arith.extui %sign3A_133 : i1 to i32
    %sign3A_135 = arith.constant 0 : i32
    %sign3A_136 = arith.cmpi slt, %jit3A, %sign3A_135 : i32
    %sign3A_137 = arith.extui %sign3A_136 : i1 to i32
    %sign3A_138 = arith.subi %sign3A_134, %sign3A_137 : i32
    %ne3A = arith.cmpi ne, %sign3A_131, %sign3A_138 : i32
    %rem3A = arith.remsi %add3A_125, %jit3A : i32
    %ne3A_139 = arith.constant 0 : i32
    %ne3A_140 = arith.cmpi ne, %rem3A, %ne3A_139 : i32
    %and3A = arith.andi %ne3A, %ne3A_140 : i1
    %sub3A = arith.constant 1 : i32
    %sub3A_141 = arith.subi %div3A, %sub3A : i32
    %select_n3A = arith.select %and3A, %sub3A_141, %div3A : i32
    %rem3A_142 = arith.constant 128 : i32
    %rem3A_143 = arith.remsi %add3A_125, %rem3A_142 : i32
    %mul3A_144 = arith.constant 128 : i32
    %mul3A_145 = arith.muli %rem3A_143, %mul3A_144 : i32
    %dma_wait3A_146 = arith.constant 0 : i32
    %dma_wait3A_147 = tpu.memref_slice %arg5[%select_n3A, %dma_wait3A_146, %mul3A_145] : memref<26x32x16384xf32, #tpu.memory_space<hbm>> -> memref<1x32x128xf32, #tpu.memory_space<hbm>>
    %dma_wait3A_148 = tpu.memref_squeeze %dma_wait3A_147 : memref<1x32x128xf32, #tpu.memory_space<hbm>> -> memref<32x128xf32, #tpu.memory_space<hbm>>
    %dma_wait3A_149 = arith.constant 0 : i32
    %dma_wait3A_150 = tpu.memref_slice %arg5[%select_n3A, %dma_wait3A_149, %mul3A_145] : memref<26x32x16384xf32, #tpu.memory_space<hbm>> -> memref<1x32x128xf32, #tpu.memory_space<hbm>>
    %dma_wait3A_151 = tpu.memref_squeeze %dma_wait3A_150 : memref<1x32x128xf32, #tpu.memory_space<hbm>> -> memref<32x128xf32, #tpu.memory_space<hbm>>
    tpu.wait_dma2 semaphore(%arg28 : memref<!tpu.dma_semaphore, #tpu.memory_space<semaphore_mem>>) src(%arg18 : memref<32x128xf32, #tpu.memory_space<vmem>>) dst(%dma_wait3A_151 : memref<32x128xf32, #tpu.memory_space<hbm>>)
    %mul3A_152 = arith.constant 104 : i32
    %mul3A_153 = arith.muli %add3A, %mul3A_152 : i32
    %add3A_154 = arith.constant 0 : i32
    %add3A_155 = arith.addi %mul3A_153, %add3A_154 : i32
    %jit3A_156 = arith.constant 128 : i32
    %div3A_157 = arith.divsi %add3A_155, %jit3A_156 : i32
    %sign3A_158 = arith.constant 0 : i32
    %sign3A_159 = arith.cmpi sgt, %add3A_155, %sign3A_158 : i32
    %sign3A_160 = arith.extui %sign3A_159 : i1 to i32
    %sign3A_161 = arith.constant 0 : i32
    %sign3A_162 = arith.cmpi slt, %add3A_155, %sign3A_161 : i32
    %sign3A_163 = arith.extui %sign3A_162 : i1 to i32
    %sign3A_164 = arith.subi %sign3A_160, %sign3A_163 : i32
    %sign3A_165 = arith.constant 0 : i32
    %sign3A_166 = arith.cmpi sgt, %jit3A_156, %sign3A_165 : i32
    %sign3A_167 = arith.extui %sign3A_166 : i1 to i32
    %sign3A_168 = arith.constant 0 : i32
    %sign3A_169 = arith.cmpi slt, %jit3A_156, %sign3A_168 : i32
    %sign3A_170 = arith.extui %sign3A_169 : i1 to i32
    %sign3A_171 = arith.subi %sign3A_167, %sign3A_170 : i32
    %ne3A_172 = arith.cmpi ne, %sign3A_164, %sign3A_171 : i32
    %rem3A_173 = arith.remsi %add3A_155, %jit3A_156 : i32
    %ne3A_174 = arith.constant 0 : i32
    %ne3A_175 = arith.cmpi ne, %rem3A_173, %ne3A_174 : i32
    %and3A_176 = arith.andi %ne3A_172, %ne3A_175 : i1
    %sub3A_177 = arith.constant 1 : i32
    %sub3A_178 = arith.subi %div3A_157, %sub3A_177 : i32
    %select_n3A_179 = arith.select %and3A_176, %sub3A_178, %div3A_157 : i32
    %rem3A_180 = arith.constant 128 : i32
    %rem3A_181 = arith.remsi %add3A_155, %rem3A_180 : i32
    %mul3A_182 = arith.constant 128 : i32
    %mul3A_183 = arith.muli %rem3A_181, %mul3A_182 : i32
    %dma_wait3A_184 = arith.constant 0 : i32
    %dma_wait3A_185 = tpu.memref_slice %arg5[%select_n3A_179, %dma_wait3A_184, %mul3A_183] : memref<26x32x16384xf32, #tpu.memory_space<hbm>> -> memref<1x32x128xf32, #tpu.memory_space<hbm>>
    %dma_wait3A_186 = tpu.memref_squeeze %dma_wait3A_185 : memref<1x32x128xf32, #tpu.memory_space<hbm>> -> memref<32x128xf32, #tpu.memory_space<hbm>>
    %dma_wait3A_187 = arith.constant 0 : i32
    %dma_wait3A_188 = tpu.memref_slice %arg5[%select_n3A_179, %dma_wait3A_187, %mul3A_183] : memref<26x32x16384xf32, #tpu.memory_space<hbm>> -> memref<1x32x128xf32, #tpu.memory_space<hbm>>
    %dma_wait3A_189 = tpu.memref_squeeze %dma_wait3A_188 : memref<1x32x128xf32, #tpu.memory_space<hbm>> -> memref<32x128xf32, #tpu.memory_space<hbm>>
    tpu.wait_dma2 semaphore(%arg29 : memref<!tpu.dma_semaphore, #tpu.memory_space<semaphore_mem>>) src(%arg19 : memref<32x128xf32, #tpu.memory_space<vmem>>) dst(%dma_wait3A_189 : memref<32x128xf32, #tpu.memory_space<hbm>>)
    return
  }
}

#map = affine_map<(d0, d1) -> (0, 0)>
module attributes {stable_mosaic.version = 14 : i64} {
  func.func @_pack_kernel(%arg0: i32, %arg1: i32, %arg2: memref<32x1000000xf32, #tpu.memory_space<hbm>>, %arg3: memref<16x128xf32, #tpu.memory_space<hbm>>, %arg4: memref<250000x128xf32, #tpu.memory_space<hbm>>, %arg5: memref<32x512xf32, #tpu.memory_space<vmem>>, %arg6: memref<32x512xf32, #tpu.memory_space<vmem>>, %arg7: memref<128x128xf32, #tpu.memory_space<vmem>>, %arg8: memref<128x128xf32, #tpu.memory_space<vmem>>, %arg9: memref<!tpu.dma_semaphore, #tpu.memory_space<semaphore_mem>>, %arg10: memref<!tpu.dma_semaphore, #tpu.memory_space<semaphore_mem>>, %arg11: memref<!tpu.dma_semaphore, #tpu.memory_space<semaphore_mem>>, %arg12: memref<!tpu.dma_semaphore, #tpu.memory_space<semaphore_mem>>) attributes {dimension_semantics = [#tpu.dimension_semantics<core_parallel>, #tpu.dimension_semantics<subcore_parallel>], iteration_bounds = array<i64: 2, 16>, scalar_prefetch = 0 : i64, scratch_operands = 8 : i64, tpu.core_type = #tpu.core_type<sc_vector_subcore>, window_params = [{transform_indices = #map}, {transform_indices = #map}, {transform_indices = #map}]} {
    %mul3A = arith.constant 2 : i32
    %mul3A_0 = arith.muli %arg1, %mul3A : i32
    %add3A = arith.addi %mul3A_0, %arg0 : i32
    %lt3A = arith.constant 1 : i32
    %lt3A_1 = arith.cmpi slt, %add3A, %lt3A : i32
    %jit3A = arith.constant 62 : i32
    %jit3A_2 = arith.constant 61 : i32
    %select_n3A = arith.select %lt3A_1, %jit3A, %jit3A_2 : i32
    %iota3A = tpu.iota {dimensions = array<i32: 0>} : vector<16xi32>
    %add3A_3 = arith.constant 0 : i32
    %add3A_4 = arith.addi %add3A, %add3A_3 : i32
    %mul3A_5 = arith.constant 512 : i32
    %mul3A_6 = arith.muli %add3A_4, %mul3A_5 : i32
    %dma_start3A = arith.constant 0 : i32
    %dma_start3A_7 = tpu.memref_slice %arg2[%dma_start3A, %mul3A_6] : memref<32x1000000xf32, #tpu.memory_space<hbm>> -> memref<32x512xf32, #tpu.memory_space<hbm>>
    %dma_start3A_8 = arith.constant 0 : i32
    %dma_start3A_9 = tpu.memref_slice %arg2[%dma_start3A_8, %mul3A_6] : memref<32x1000000xf32, #tpu.memory_space<hbm>> -> memref<32x512xf32, #tpu.memory_space<hbm>>
    tpu.enqueue_dma source(%dma_start3A_9 : memref<32x512xf32, #tpu.memory_space<hbm>>) target(%arg5 : memref<32x512xf32, #tpu.memory_space<vmem>>) target_semaphore(%arg9 : memref<!tpu.dma_semaphore, #tpu.memory_space<semaphore_mem>>)
    %scan3A = arith.constant 0 : i32
    %scan3A_10 = arith.constant 0 : i32
    %scan3A_11 = arith.constant 32 : i32
    %scan3A_12 = arith.addi %scan3A_10, %scan3A_11 : i32
    %scan3A_13 = arith.constant 1 : i32
    scf.for %scan3A_32 = %scan3A_10 to %scan3A_12 step %scan3A_13  : i32 {
      %mul3A_33 = arith.constant 2 : i32
      %mul3A_34 = arith.muli %mul3A_33, %scan3A_32 : i32
      %lt3A_35 = arith.cmpi slt, %mul3A_34, %select_n3A : i32
      %convert_element_type3A_36 = arith.extui %lt3A_35 : i1 to i32
      %cond3A_37 = arith.constant 0 : i32
      %cond3A_38 = arith.cmpi ne, %convert_element_type3A_36, %cond3A_37 : i32
      scf.if %cond3A_38 {
        %ge3A = arith.constant 2 : i32
        %ge3A_47 = arith.cmpi sge, %mul3A_34, %ge3A : i32
        %convert_element_type3A_48 = arith.extui %ge3A_47 : i1 to i32
        %cond3A_49 = arith.constant 0 : i32
        %cond3A_50 = arith.cmpi ne, %convert_element_type3A_48, %cond3A_49 : i32
        scf.if %cond3A_50 {
          %mul3A_84 = arith.constant 32 : i32
          %mul3A_85 = arith.muli %mul3A_84, %mul3A_34 : i32
          %add3A_86 = arith.addi %add3A, %mul3A_85 : i32
          %mul3A_87 = arith.constant 128 : i32
          %mul3A_88 = arith.muli %add3A_86, %mul3A_87 : i32
          %dma_wait3A_89 = arith.constant 0 : i32
          %dma_wait3A_90 = tpu.memref_slice %arg4[%mul3A_88, %dma_wait3A_89] : memref<250000x128xf32, #tpu.memory_space<hbm>> -> memref<128x128xf32, #tpu.memory_space<hbm>>
          %dma_wait3A_91 = arith.constant 0 : i32
          %dma_wait3A_92 = tpu.memref_slice %arg4[%mul3A_88, %dma_wait3A_91] : memref<250000x128xf32, #tpu.memory_space<hbm>> -> memref<128x128xf32, #tpu.memory_space<hbm>>
          tpu.wait_dma2 semaphore(%arg11 : memref<!tpu.dma_semaphore, #tpu.memory_space<semaphore_mem>>) src(%arg7 : memref<128x128xf32, #tpu.memory_space<vmem>>) dst(%dma_wait3A_92 : memref<128x128xf32, #tpu.memory_space<hbm>>)
        } else {
        }
        %add3A_51 = arith.constant 1 : i32
        %add3A_52 = arith.addi %mul3A_34, %add3A_51 : i32
        %lt3A_53 = arith.cmpi slt, %add3A_52, %select_n3A : i32
        %convert_element_type3A_54 = arith.extui %lt3A_53 : i1 to i32
        %cond3A_55 = arith.constant 0 : i32
        %cond3A_56 = arith.cmpi ne, %convert_element_type3A_54, %cond3A_55 : i32
        scf.if %cond3A_56 {
          %add3A_84 = arith.constant 1 : i32
          %add3A_85 = arith.addi %mul3A_34, %add3A_84 : i32
          %mul3A_86 = arith.constant 32 : i32
          %mul3A_87 = arith.muli %mul3A_86, %add3A_85 : i32
          %add3A_88 = arith.addi %add3A, %mul3A_87 : i32
          %mul3A_89 = arith.constant 512 : i32
          %mul3A_90 = arith.muli %add3A_88, %mul3A_89 : i32
          %dma_start3A_91 = arith.constant 0 : i32
          %dma_start3A_92 = tpu.memref_slice %arg2[%dma_start3A_91, %mul3A_90] : memref<32x1000000xf32, #tpu.memory_space<hbm>> -> memref<32x512xf32, #tpu.memory_space<hbm>>
          %dma_start3A_93 = arith.constant 0 : i32
          %dma_start3A_94 = tpu.memref_slice %arg2[%dma_start3A_93, %mul3A_90] : memref<32x1000000xf32, #tpu.memory_space<hbm>> -> memref<32x512xf32, #tpu.memory_space<hbm>>
          tpu.enqueue_dma source(%dma_start3A_94 : memref<32x512xf32, #tpu.memory_space<hbm>>) target(%arg6 : memref<32x512xf32, #tpu.memory_space<vmem>>) target_semaphore(%arg10 : memref<!tpu.dma_semaphore, #tpu.memory_space<semaphore_mem>>)
        } else {
        }
        %mul3A_57 = arith.constant 32 : i32
        %mul3A_58 = arith.muli %mul3A_57, %mul3A_34 : i32
        %add3A_59 = arith.addi %add3A, %mul3A_58 : i32
        %mul3A_60 = arith.constant 512 : i32
        %mul3A_61 = arith.muli %add3A_59, %mul3A_60 : i32
        %dma_wait3A_62 = arith.constant 0 : i32
        %dma_wait3A_63 = tpu.memref_slice %arg2[%dma_wait3A_62, %mul3A_61] : memref<32x1000000xf32, #tpu.memory_space<hbm>> -> memref<32x512xf32, #tpu.memory_space<hbm>>
        %dma_wait3A_64 = arith.constant 0 : i32
        %dma_wait3A_65 = tpu.memref_slice %arg2[%dma_wait3A_64, %mul3A_61] : memref<32x1000000xf32, #tpu.memory_space<hbm>> -> memref<32x512xf32, #tpu.memory_space<hbm>>
        tpu.wait_dma2 semaphore(%arg9 : memref<!tpu.dma_semaphore, #tpu.memory_space<semaphore_mem>>) src(%dma_wait3A_65 : memref<32x512xf32, #tpu.memory_space<hbm>>) dst(%arg5 : memref<32x512xf32, #tpu.memory_space<vmem>>)
        %add3A_66 = arith.constant 16 : i32
        %add3A_67 = vector.broadcast %add3A_66 : i32 to vector<16xi32>
        %add3A_68 = arith.addi %iota3A, %add3A_67 : vector<16xi32>
        %scan3A_69 = arith.constant 0 : i32
        %scan3A_70 = arith.constant 0 : i32
        %scan3A_71 = arith.constant 128 : i32
        %scan3A_72 = arith.addi %scan3A_70, %scan3A_71 : i32
        %scan3A_73 = arith.constant 1 : i32
        scf.for %scan3A_84 = %scan3A_70 to %scan3A_72 step %scan3A_73  : i32 {
          %mul3A_85 = arith.constant 4 : i32
          %mul3A_86 = arith.muli %mul3A_85, %scan3A_84 : i32
          %add3A_87 = arith.constant 0 : i32
          %add3A_88 = arith.addi %mul3A_86, %add3A_87 : i32
          %add3A_89 = vector.broadcast %add3A_88 : i32 to vector<16xi32>
          %add3A_90 = arith.addi %add3A_89, %iota3A : vector<16xi32>
          %and3A = arith.constant 511 : i32
          %and3A_91 = vector.broadcast %and3A : i32 to vector<16xi32>
          %and3A_92 = arith.andi %add3A_90, %and3A_91 : vector<16xi32>
          %gather3A = tpu.vector_load_idx %arg5[%iota3A, %and3A_92] : memref<32x512xf32, #tpu.memory_space<vmem>>[vector<16xi32>, vector<16xi32>], vector<16xf32>,
          %shift_right_logical3A = arith.constant 2 : i32
          %shift_right_logical3A_93 = vector.broadcast %shift_right_logical3A : i32 to vector<16xi32>
          %shift_right_logical3A_94 = arith.shrui %and3A_92, %shift_right_logical3A_93 : vector<16xi32>
          %and3A_95 = arith.constant 3 : i32
          %and3A_96 = vector.broadcast %and3A_95 : i32 to vector<16xi32>
          %and3A_97 = arith.andi %and3A_92, %and3A_96 : vector<16xi32>
          %shift_left3A = arith.constant 5 : i32
          %shift_left3A_98 = vector.broadcast %shift_left3A : i32 to vector<16xi32>
          %shift_left3A_99 = arith.shli %and3A_97, %shift_left3A_98 : vector<16xi32>
          %add3A_100 = arith.addi %shift_left3A_99, %iota3A : vector<16xi32>
          tpu.vector_store_idx %arg7[%shift_right_logical3A_94, %add3A_100], %gather3A : memref<128x128xf32, #tpu.memory_space<vmem>>[vector<16xi32>, vector<16xi32>], vector<16xf32>,
          %add3A_101 = vector.broadcast %add3A_88 : i32 to vector<16xi32>
          %add3A_102 = arith.addi %add3A_101, %add3A_68 : vector<16xi32>
          %and3A_103 = arith.constant 511 : i32
          %and3A_104 = vector.broadcast %and3A_103 : i32 to vector<16xi32>
          %and3A_105 = arith.andi %add3A_102, %and3A_104 : vector<16xi32>
          %gather3A_106 = tpu.vector_load_idx %arg5[%add3A_68, %and3A_105] : memref<32x512xf32, #tpu.memory_space<vmem>>[vector<16xi32>, vector<16xi32>], vector<16xf32>,
          %shift_right_logical3A_107 = arith.constant 2 : i32
          %shift_right_logical3A_108 = vector.broadcast %shift_right_logical3A_107 : i32 to vector<16xi32>
          %shift_right_logical3A_109 = arith.shrui %and3A_105, %shift_right_logical3A_108 : vector<16xi32>
          %and3A_110 = arith.constant 3 : i32
          %and3A_111 = vector.broadcast %and3A_110 : i32 to vector<16xi32>
          %and3A_112 = arith.andi %and3A_105, %and3A_111 : vector<16xi32>
          %shift_left3A_113 = arith.constant 5 : i32
          %shift_left3A_114 = vector.broadcast %shift_left3A_113 : i32 to vector<16xi32>
          %shift_left3A_115 = arith.shli %and3A_112, %shift_left3A_114 : vector<16xi32>
          %add3A_116 = arith.addi %shift_left3A_115, %add3A_68 : vector<16xi32>
          tpu.vector_store_idx %arg7[%shift_right_logical3A_109, %add3A_116], %gather3A_106 : memref<128x128xf32, #tpu.memory_space<vmem>>[vector<16xi32>, vector<16xi32>], vector<16xf32>,
          %mul3A_117 = arith.constant 4 : i32
          %mul3A_118 = arith.muli %mul3A_117, %scan3A_84 : i32
          %add3A_119 = arith.constant 1 : i32
          %add3A_120 = arith.addi %mul3A_118, %add3A_119 : i32
          %add3A_121 = vector.broadcast %add3A_120 : i32 to vector<16xi32>
          %add3A_122 = arith.addi %add3A_121, %iota3A : vector<16xi32>
          %and3A_123 = arith.constant 511 : i32
          %and3A_124 = vector.broadcast %and3A_123 : i32 to vector<16xi32>
          %and3A_125 = arith.andi %add3A_122, %and3A_124 : vector<16xi32>
          %gather3A_126 = tpu.vector_load_idx %arg5[%iota3A, %and3A_125] : memref<32x512xf32, #tpu.memory_space<vmem>>[vector<16xi32>, vector<16xi32>], vector<16xf32>,
          %shift_right_logical3A_127 = arith.constant 2 : i32
          %shift_right_logical3A_128 = vector.broadcast %shift_right_logical3A_127 : i32 to vector<16xi32>
          %shift_right_logical3A_129 = arith.shrui %and3A_125, %shift_right_logical3A_128 : vector<16xi32>
          %and3A_130 = arith.constant 3 : i32
          %and3A_131 = vector.broadcast %and3A_130 : i32 to vector<16xi32>
          %and3A_132 = arith.andi %and3A_125, %and3A_131 : vector<16xi32>
          %shift_left3A_133 = arith.constant 5 : i32
          %shift_left3A_134 = vector.broadcast %shift_left3A_133 : i32 to vector<16xi32>
          %shift_left3A_135 = arith.shli %and3A_132, %shift_left3A_134 : vector<16xi32>
          %add3A_136 = arith.addi %shift_left3A_135, %iota3A : vector<16xi32>
          tpu.vector_store_idx %arg7[%shift_right_logical3A_129, %add3A_136], %gather3A_126 : memref<128x128xf32, #tpu.memory_space<vmem>>[vector<16xi32>, vector<16xi32>], vector<16xf32>,
          %add3A_137 = vector.broadcast %add3A_120 : i32 to vector<16xi32>
          %add3A_138 = arith.addi %add3A_137, %add3A_68 : vector<16xi32>
          %and3A_139 = arith.constant 511 : i32
          %and3A_140 = vector.broadcast %and3A_139 : i32 to vector<16xi32>
          %and3A_141 = arith.andi %add3A_138, %and3A_140 : vector<16xi32>
          %gather3A_142 = tpu.vector_load_idx %arg5[%add3A_68, %and3A_141] : memref<32x512xf32, #tpu.memory_space<vmem>>[vector<16xi32>, vector<16xi32>], vector<16xf32>,
          %shift_right_logical3A_143 = arith.constant 2 : i32
          %shift_right_logical3A_144 = vector.broadcast %shift_right_logical3A_143 : i32 to vector<16xi32>
          %shift_right_logical3A_145 = arith.shrui %and3A_141, %shift_right_logical3A_144 : vector<16xi32>
          %and3A_146 = arith.constant 3 : i32
          %and3A_147 = vector.broadcast %and3A_146 : i32 to vector<16xi32>
          %and3A_148 = arith.andi %and3A_141, %and3A_147 : vector<16xi32>
          %shift_left3A_149 = arith.constant 5 : i32
          %shift_left3A_150 = vector.broadcast %shift_left3A_149 : i32 to vector<16xi32>
          %shift_left3A_151 = arith.shli %and3A_148, %shift_left3A_150 : vector<16xi32>
          %add3A_152 = arith.addi %shift_left3A_151, %add3A_68 : vector<16xi32>
          tpu.vector_store_idx %arg7[%shift_right_logical3A_145, %add3A_152], %gather3A_142 : memref<128x128xf32, #tpu.memory_space<vmem>>[vector<16xi32>, vector<16xi32>], vector<16xf32>,
          %mul3A_153 = arith.constant 4 : i32
          %mul3A_154 = arith.muli %mul3A_153, %scan3A_84 : i32
          %add3A_155 = arith.constant 2 : i32
          %add3A_156 = arith.addi %mul3A_154, %add3A_155 : i32
          %add3A_157 = vector.broadcast %add3A_156 : i32 to vector<16xi32>
          %add3A_158 = arith.addi %add3A_157, %iota3A : vector<16xi32>
          %and3A_159 = arith.constant 511 : i32
          %and3A_160 = vector.broadcast %and3A_159 : i32 to vector<16xi32>
          %and3A_161 = arith.andi %add3A_158, %and3A_160 : vector<16xi32>
          %gather3A_162 = tpu.vector_load_idx %arg5[%iota3A, %and3A_161] : memref<32x512xf32, #tpu.memory_space<vmem>>[vector<16xi32>, vector<16xi32>], vector<16xf32>,
          %shift_right_logical3A_163 = arith.constant 2 : i32
          %shift_right_logical3A_164 = vector.broadcast %shift_right_logical3A_163 : i32 to vector<16xi32>
          %shift_right_logical3A_165 = arith.shrui %and3A_161, %shift_right_logical3A_164 : vector<16xi32>
          %and3A_166 = arith.constant 3 : i32
          %and3A_167 = vector.broadcast %and3A_166 : i32 to vector<16xi32>
          %and3A_168 = arith.andi %and3A_161, %and3A_167 : vector<16xi32>
          %shift_left3A_169 = arith.constant 5 : i32
          %shift_left3A_170 = vector.broadcast %shift_left3A_169 : i32 to vector<16xi32>
          %shift_left3A_171 = arith.shli %and3A_168, %shift_left3A_170 : vector<16xi32>
          %add3A_172 = arith.addi %shift_left3A_171, %iota3A : vector<16xi32>
          tpu.vector_store_idx %arg7[%shift_right_logical3A_165, %add3A_172], %gather3A_162 : memref<128x128xf32, #tpu.memory_space<vmem>>[vector<16xi32>, vector<16xi32>], vector<16xf32>,
          %add3A_173 = vector.broadcast %add3A_156 : i32 to vector<16xi32>
          %add3A_174 = arith.addi %add3A_173, %add3A_68 : vector<16xi32>
          %and3A_175 = arith.constant 511 : i32
          %and3A_176 = vector.broadcast %and3A_175 : i32 to vector<16xi32>
          %and3A_177 = arith.andi %add3A_174, %and3A_176 : vector<16xi32>
          %gather3A_178 = tpu.vector_load_idx %arg5[%add3A_68, %and3A_177] : memref<32x512xf32, #tpu.memory_space<vmem>>[vector<16xi32>, vector<16xi32>], vector<16xf32>,
          %shift_right_logical3A_179 = arith.constant 2 : i32
          %shift_right_logical3A_180 = vector.broadcast %shift_right_logical3A_179 : i32 to vector<16xi32>
          %shift_right_logical3A_181 = arith.shrui %and3A_177, %shift_right_logical3A_180 : vector<16xi32>
          %and3A_182 = arith.constant 3 : i32
          %and3A_183 = vector.broadcast %and3A_182 : i32 to vector<16xi32>
          %and3A_184 = arith.andi %and3A_177, %and3A_183 : vector<16xi32>
          %shift_left3A_185 = arith.constant 5 : i32
          %shift_left3A_186 = vector.broadcast %shift_left3A_185 : i32 to vector<16xi32>
          %shift_left3A_187 = arith.shli %and3A_184, %shift_left3A_186 : vector<16xi32>
          %add3A_188 = arith.addi %shift_left3A_187, %add3A_68 : vector<16xi32>
          tpu.vector_store_idx %arg7[%shift_right_logical3A_181, %add3A_188], %gather3A_178 : memref<128x128xf32, #tpu.memory_space<vmem>>[vector<16xi32>, vector<16xi32>], vector<16xf32>,
          %mul3A_189 = arith.constant 4 : i32
          %mul3A_190 = arith.muli %mul3A_189, %scan3A_84 : i32
          %add3A_191 = arith.constant 3 : i32
          %add3A_192 = arith.addi %mul3A_190, %add3A_191 : i32
          %add3A_193 = vector.broadcast %add3A_192 : i32 to vector<16xi32>
          %add3A_194 = arith.addi %add3A_193, %iota3A : vector<16xi32>
          %and3A_195 = arith.constant 511 : i32
          %and3A_196 = vector.broadcast %and3A_195 : i32 to vector<16xi32>
          %and3A_197 = arith.andi %add3A_194, %and3A_196 : vector<16xi32>
          %gather3A_198 = tpu.vector_load_idx %arg5[%iota3A, %and3A_197] : memref<32x512xf32, #tpu.memory_space<vmem>>[vector<16xi32>, vector<16xi32>], vector<16xf32>,
          %shift_right_logical3A_199 = arith.constant 2 : i32
          %shift_right_logical3A_200 = vector.broadcast %shift_right_logical3A_199 : i32 to vector<16xi32>
          %shift_right_logical3A_201 = arith.shrui %and3A_197, %shift_right_logical3A_200 : vector<16xi32>
          %and3A_202 = arith.constant 3 : i32
          %and3A_203 = vector.broadcast %and3A_202 : i32 to vector<16xi32>
          %and3A_204 = arith.andi %and3A_197, %and3A_203 : vector<16xi32>
          %shift_left3A_205 = arith.constant 5 : i32
          %shift_left3A_206 = vector.broadcast %shift_left3A_205 : i32 to vector<16xi32>
          %shift_left3A_207 = arith.shli %and3A_204, %shift_left3A_206 : vector<16xi32>
          %add3A_208 = arith.addi %shift_left3A_207, %iota3A : vector<16xi32>
          tpu.vector_store_idx %arg7[%shift_right_logical3A_201, %add3A_208], %gather3A_198 : memref<128x128xf32, #tpu.memory_space<vmem>>[vector<16xi32>, vector<16xi32>], vector<16xf32>,
          %add3A_209 = vector.broadcast %add3A_192 : i32 to vector<16xi32>
          %add3A_210 = arith.addi %add3A_209, %add3A_68 : vector<16xi32>
          %and3A_211 = arith.constant 511 : i32
          %and3A_212 = vector.broadcast %and3A_211 : i32 to vector<16xi32>
          %and3A_213 = arith.andi %add3A_210, %and3A_212 : vector<16xi32>
          %gather3A_214 = tpu.vector_load_idx %arg5[%add3A_68, %and3A_213] : memref<32x512xf32, #tpu.memory_space<vmem>>[vector<16xi32>, vector<16xi32>], vector<16xf32>,
          %shift_right_logical3A_215 = arith.constant 2 : i32
          %shift_right_logical3A_216 = vector.broadcast %shift_right_logical3A_215 : i32 to vector<16xi32>
          %shift_right_logical3A_217 = arith.shrui %and3A_213, %shift_right_logical3A_216 : vector<16xi32>
          %and3A_218 = arith.constant 3 : i32
          %and3A_219 = vector.broadcast %and3A_218 : i32 to vector<16xi32>
          %and3A_220 = arith.andi %and3A_213, %and3A_219 : vector<16xi32>
          %shift_left3A_221 = arith.constant 5 : i32
          %shift_left3A_222 = vector.broadcast %shift_left3A_221 : i32 to vector<16xi32>
          %shift_left3A_223 = arith.shli %and3A_220, %shift_left3A_222 : vector<16xi32>
          %add3A_224 = arith.addi %shift_left3A_223, %add3A_68 : vector<16xi32>
          tpu.vector_store_idx %arg7[%shift_right_logical3A_217, %add3A_224], %gather3A_214 : memref<128x128xf32, #tpu.memory_space<vmem>>[vector<16xi32>, vector<16xi32>], vector<16xf32>,
        }
        %scan3A_74 = arith.constant 128 : i32
        %mul3A_75 = arith.constant 32 : i32
        %mul3A_76 = arith.muli %mul3A_75, %mul3A_34 : i32
        %add3A_77 = arith.addi %add3A, %mul3A_76 : i32
        %mul3A_78 = arith.constant 128 : i32
        %mul3A_79 = arith.muli %add3A_77, %mul3A_78 : i32
        %dma_start3A_80 = arith.constant 0 : i32
        %dma_start3A_81 = tpu.memref_slice %arg4[%mul3A_79, %dma_start3A_80] : memref<250000x128xf32, #tpu.memory_space<hbm>> -> memref<128x128xf32, #tpu.memory_space<hbm>>
        %dma_start3A_82 = arith.constant 0 : i32
        %dma_start3A_83 = tpu.memref_slice %arg4[%mul3A_79, %dma_start3A_82] : memref<250000x128xf32, #tpu.memory_space<hbm>> -> memref<128x128xf32, #tpu.memory_space<hbm>>
        tpu.enqueue_dma source(%arg7 : memref<128x128xf32, #tpu.memory_space<vmem>>) target(%dma_start3A_83 : memref<128x128xf32, #tpu.memory_space<hbm>>) target_semaphore(%arg11 : memref<!tpu.dma_semaphore, #tpu.memory_space<semaphore_mem>>)
      } else {
      }
      %mul3A_39 = arith.constant 2 : i32
      %mul3A_40 = arith.muli %mul3A_39, %scan3A_32 : i32
      %add3A_41 = arith.constant 1 : i32
      %add3A_42 = arith.addi %mul3A_40, %add3A_41 : i32
      %lt3A_43 = arith.cmpi slt, %add3A_42, %select_n3A : i32
      %convert_element_type3A_44 = arith.extui %lt3A_43 : i1 to i32
      %cond3A_45 = arith.constant 0 : i32
      %cond3A_46 = arith.cmpi ne, %convert_element_type3A_44, %cond3A_45 : i32
      scf.if %cond3A_46 {
        %ge3A = arith.constant 2 : i32
        %ge3A_47 = arith.cmpi sge, %add3A_42, %ge3A : i32
        %convert_element_type3A_48 = arith.extui %ge3A_47 : i1 to i32
        %cond3A_49 = arith.constant 0 : i32
        %cond3A_50 = arith.cmpi ne, %convert_element_type3A_48, %cond3A_49 : i32
        scf.if %cond3A_50 {
          %mul3A_84 = arith.constant 32 : i32
          %mul3A_85 = arith.muli %mul3A_84, %add3A_42 : i32
          %add3A_86 = arith.addi %add3A, %mul3A_85 : i32
          %mul3A_87 = arith.constant 128 : i32
          %mul3A_88 = arith.muli %add3A_86, %mul3A_87 : i32
          %dma_wait3A_89 = arith.constant 0 : i32
          %dma_wait3A_90 = tpu.memref_slice %arg4[%mul3A_88, %dma_wait3A_89] : memref<250000x128xf32, #tpu.memory_space<hbm>> -> memref<128x128xf32, #tpu.memory_space<hbm>>
          %dma_wait3A_91 = arith.constant 0 : i32
          %dma_wait3A_92 = tpu.memref_slice %arg4[%mul3A_88, %dma_wait3A_91] : memref<250000x128xf32, #tpu.memory_space<hbm>> -> memref<128x128xf32, #tpu.memory_space<hbm>>
          tpu.wait_dma2 semaphore(%arg12 : memref<!tpu.dma_semaphore, #tpu.memory_space<semaphore_mem>>) src(%arg8 : memref<128x128xf32, #tpu.memory_space<vmem>>) dst(%dma_wait3A_92 : memref<128x128xf32, #tpu.memory_space<hbm>>)
        } else {
        }
        %add3A_51 = arith.constant 1 : i32
        %add3A_52 = arith.addi %add3A_42, %add3A_51 : i32
        %lt3A_53 = arith.cmpi slt, %add3A_52, %select_n3A : i32
        %convert_element_type3A_54 = arith.extui %lt3A_53 : i1 to i32
        %cond3A_55 = arith.constant 0 : i32
        %cond3A_56 = arith.cmpi ne, %convert_element_type3A_54, %cond3A_55 : i32
        scf.if %cond3A_56 {
          %add3A_84 = arith.constant 1 : i32
          %add3A_85 = arith.addi %add3A_42, %add3A_84 : i32
          %mul3A_86 = arith.constant 32 : i32
          %mul3A_87 = arith.muli %mul3A_86, %add3A_85 : i32
          %add3A_88 = arith.addi %add3A, %mul3A_87 : i32
          %mul3A_89 = arith.constant 512 : i32
          %mul3A_90 = arith.muli %add3A_88, %mul3A_89 : i32
          %dma_start3A_91 = arith.constant 0 : i32
          %dma_start3A_92 = tpu.memref_slice %arg2[%dma_start3A_91, %mul3A_90] : memref<32x1000000xf32, #tpu.memory_space<hbm>> -> memref<32x512xf32, #tpu.memory_space<hbm>>
          %dma_start3A_93 = arith.constant 0 : i32
          %dma_start3A_94 = tpu.memref_slice %arg2[%dma_start3A_93, %mul3A_90] : memref<32x1000000xf32, #tpu.memory_space<hbm>> -> memref<32x512xf32, #tpu.memory_space<hbm>>
          tpu.enqueue_dma source(%dma_start3A_94 : memref<32x512xf32, #tpu.memory_space<hbm>>) target(%arg5 : memref<32x512xf32, #tpu.memory_space<vmem>>) target_semaphore(%arg9 : memref<!tpu.dma_semaphore, #tpu.memory_space<semaphore_mem>>)
        } else {
        }
        %mul3A_57 = arith.constant 32 : i32
        %mul3A_58 = arith.muli %mul3A_57, %add3A_42 : i32
        %add3A_59 = arith.addi %add3A, %mul3A_58 : i32
        %mul3A_60 = arith.constant 512 : i32
        %mul3A_61 = arith.muli %add3A_59, %mul3A_60 : i32
        %dma_wait3A_62 = arith.constant 0 : i32
        %dma_wait3A_63 = tpu.memref_slice %arg2[%dma_wait3A_62, %mul3A_61] : memref<32x1000000xf32, #tpu.memory_space<hbm>> -> memref<32x512xf32, #tpu.memory_space<hbm>>
        %dma_wait3A_64 = arith.constant 0 : i32
        %dma_wait3A_65 = tpu.memref_slice %arg2[%dma_wait3A_64, %mul3A_61] : memref<32x1000000xf32, #tpu.memory_space<hbm>> -> memref<32x512xf32, #tpu.memory_space<hbm>>
        tpu.wait_dma2 semaphore(%arg10 : memref<!tpu.dma_semaphore, #tpu.memory_space<semaphore_mem>>) src(%dma_wait3A_65 : memref<32x512xf32, #tpu.memory_space<hbm>>) dst(%arg6 : memref<32x512xf32, #tpu.memory_space<vmem>>)
        %add3A_66 = arith.constant 16 : i32
        %add3A_67 = vector.broadcast %add3A_66 : i32 to vector<16xi32>
        %add3A_68 = arith.addi %iota3A, %add3A_67 : vector<16xi32>
        %scan3A_69 = arith.constant 0 : i32
        %scan3A_70 = arith.constant 0 : i32
        %scan3A_71 = arith.constant 128 : i32
        %scan3A_72 = arith.addi %scan3A_70, %scan3A_71 : i32
        %scan3A_73 = arith.constant 1 : i32
        scf.for %scan3A_84 = %scan3A_70 to %scan3A_72 step %scan3A_73  : i32 {
          %mul3A_85 = arith.constant 4 : i32
          %mul3A_86 = arith.muli %mul3A_85, %scan3A_84 : i32
          %add3A_87 = arith.constant 0 : i32
          %add3A_88 = arith.addi %mul3A_86, %add3A_87 : i32
          %add3A_89 = vector.broadcast %add3A_88 : i32 to vector<16xi32>
          %add3A_90 = arith.addi %add3A_89, %iota3A : vector<16xi32>
          %and3A = arith.constant 511 : i32
          %and3A_91 = vector.broadcast %and3A : i32 to vector<16xi32>
          %and3A_92 = arith.andi %add3A_90, %and3A_91 : vector<16xi32>
          %gather3A = tpu.vector_load_idx %arg6[%iota3A, %and3A_92] : memref<32x512xf32, #tpu.memory_space<vmem>>[vector<16xi32>, vector<16xi32>], vector<16xf32>,
          %shift_right_logical3A = arith.constant 2 : i32
          %shift_right_logical3A_93 = vector.broadcast %shift_right_logical3A : i32 to vector<16xi32>
          %shift_right_logical3A_94 = arith.shrui %and3A_92, %shift_right_logical3A_93 : vector<16xi32>
          %and3A_95 = arith.constant 3 : i32
          %and3A_96 = vector.broadcast %and3A_95 : i32 to vector<16xi32>
          %and3A_97 = arith.andi %and3A_92, %and3A_96 : vector<16xi32>
          %shift_left3A = arith.constant 5 : i32
          %shift_left3A_98 = vector.broadcast %shift_left3A : i32 to vector<16xi32>
          %shift_left3A_99 = arith.shli %and3A_97, %shift_left3A_98 : vector<16xi32>
          %add3A_100 = arith.addi %shift_left3A_99, %iota3A : vector<16xi32>
          tpu.vector_store_idx %arg8[%shift_right_logical3A_94, %add3A_100], %gather3A : memref<128x128xf32, #tpu.memory_space<vmem>>[vector<16xi32>, vector<16xi32>], vector<16xf32>,
          %add3A_101 = vector.broadcast %add3A_88 : i32 to vector<16xi32>
          %add3A_102 = arith.addi %add3A_101, %add3A_68 : vector<16xi32>
          %and3A_103 = arith.constant 511 : i32
          %and3A_104 = vector.broadcast %and3A_103 : i32 to vector<16xi32>
          %and3A_105 = arith.andi %add3A_102, %and3A_104 : vector<16xi32>
          %gather3A_106 = tpu.vector_load_idx %arg6[%add3A_68, %and3A_105] : memref<32x512xf32, #tpu.memory_space<vmem>>[vector<16xi32>, vector<16xi32>], vector<16xf32>,
          %shift_right_logical3A_107 = arith.constant 2 : i32
          %shift_right_logical3A_108 = vector.broadcast %shift_right_logical3A_107 : i32 to vector<16xi32>
          %shift_right_logical3A_109 = arith.shrui %and3A_105, %shift_right_logical3A_108 : vector<16xi32>
          %and3A_110 = arith.constant 3 : i32
          %and3A_111 = vector.broadcast %and3A_110 : i32 to vector<16xi32>
          %and3A_112 = arith.andi %and3A_105, %and3A_111 : vector<16xi32>
          %shift_left3A_113 = arith.constant 5 : i32
          %shift_left3A_114 = vector.broadcast %shift_left3A_113 : i32 to vector<16xi32>
          %shift_left3A_115 = arith.shli %and3A_112, %shift_left3A_114 : vector<16xi32>
          %add3A_116 = arith.addi %shift_left3A_115, %add3A_68 : vector<16xi32>
          tpu.vector_store_idx %arg8[%shift_right_logical3A_109, %add3A_116], %gather3A_106 : memref<128x128xf32, #tpu.memory_space<vmem>>[vector<16xi32>, vector<16xi32>], vector<16xf32>,
          %mul3A_117 = arith.constant 4 : i32
          %mul3A_118 = arith.muli %mul3A_117, %scan3A_84 : i32
          %add3A_119 = arith.constant 1 : i32
          %add3A_120 = arith.addi %mul3A_118, %add3A_119 : i32
          %add3A_121 = vector.broadcast %add3A_120 : i32 to vector<16xi32>
          %add3A_122 = arith.addi %add3A_121, %iota3A : vector<16xi32>
          %and3A_123 = arith.constant 511 : i32
          %and3A_124 = vector.broadcast %and3A_123 : i32 to vector<16xi32>
          %and3A_125 = arith.andi %add3A_122, %and3A_124 : vector<16xi32>
          %gather3A_126 = tpu.vector_load_idx %arg6[%iota3A, %and3A_125] : memref<32x512xf32, #tpu.memory_space<vmem>>[vector<16xi32>, vector<16xi32>], vector<16xf32>,
          %shift_right_logical3A_127 = arith.constant 2 : i32
          %shift_right_logical3A_128 = vector.broadcast %shift_right_logical3A_127 : i32 to vector<16xi32>
          %shift_right_logical3A_129 = arith.shrui %and3A_125, %shift_right_logical3A_128 : vector<16xi32>
          %and3A_130 = arith.constant 3 : i32
          %and3A_131 = vector.broadcast %and3A_130 : i32 to vector<16xi32>
          %and3A_132 = arith.andi %and3A_125, %and3A_131 : vector<16xi32>
          %shift_left3A_133 = arith.constant 5 : i32
          %shift_left3A_134 = vector.broadcast %shift_left3A_133 : i32 to vector<16xi32>
          %shift_left3A_135 = arith.shli %and3A_132, %shift_left3A_134 : vector<16xi32>
          %add3A_136 = arith.addi %shift_left3A_135, %iota3A : vector<16xi32>
          tpu.vector_store_idx %arg8[%shift_right_logical3A_129, %add3A_136], %gather3A_126 : memref<128x128xf32, #tpu.memory_space<vmem>>[vector<16xi32>, vector<16xi32>], vector<16xf32>,
          %add3A_137 = vector.broadcast %add3A_120 : i32 to vector<16xi32>
          %add3A_138 = arith.addi %add3A_137, %add3A_68 : vector<16xi32>
          %and3A_139 = arith.constant 511 : i32
          %and3A_140 = vector.broadcast %and3A_139 : i32 to vector<16xi32>
          %and3A_141 = arith.andi %add3A_138, %and3A_140 : vector<16xi32>
          %gather3A_142 = tpu.vector_load_idx %arg6[%add3A_68, %and3A_141] : memref<32x512xf32, #tpu.memory_space<vmem>>[vector<16xi32>, vector<16xi32>], vector<16xf32>,
          %shift_right_logical3A_143 = arith.constant 2 : i32
          %shift_right_logical3A_144 = vector.broadcast %shift_right_logical3A_143 : i32 to vector<16xi32>
          %shift_right_logical3A_145 = arith.shrui %and3A_141, %shift_right_logical3A_144 : vector<16xi32>
          %and3A_146 = arith.constant 3 : i32
          %and3A_147 = vector.broadcast %and3A_146 : i32 to vector<16xi32>
          %and3A_148 = arith.andi %and3A_141, %and3A_147 : vector<16xi32>
          %shift_left3A_149 = arith.constant 5 : i32
          %shift_left3A_150 = vector.broadcast %shift_left3A_149 : i32 to vector<16xi32>
          %shift_left3A_151 = arith.shli %and3A_148, %shift_left3A_150 : vector<16xi32>
          %add3A_152 = arith.addi %shift_left3A_151, %add3A_68 : vector<16xi32>
          tpu.vector_store_idx %arg8[%shift_right_logical3A_145, %add3A_152], %gather3A_142 : memref<128x128xf32, #tpu.memory_space<vmem>>[vector<16xi32>, vector<16xi32>], vector<16xf32>,
          %mul3A_153 = arith.constant 4 : i32
          %mul3A_154 = arith.muli %mul3A_153, %scan3A_84 : i32
          %add3A_155 = arith.constant 2 : i32
          %add3A_156 = arith.addi %mul3A_154, %add3A_155 : i32
          %add3A_157 = vector.broadcast %add3A_156 : i32 to vector<16xi32>
          %add3A_158 = arith.addi %add3A_157, %iota3A : vector<16xi32>
          %and3A_159 = arith.constant 511 : i32
          %and3A_160 = vector.broadcast %and3A_159 : i32 to vector<16xi32>
          %and3A_161 = arith.andi %add3A_158, %and3A_160 : vector<16xi32>
          %gather3A_162 = tpu.vector_load_idx %arg6[%iota3A, %and3A_161] : memref<32x512xf32, #tpu.memory_space<vmem>>[vector<16xi32>, vector<16xi32>], vector<16xf32>,
          %shift_right_logical3A_163 = arith.constant 2 : i32
          %shift_right_logical3A_164 = vector.broadcast %shift_right_logical3A_163 : i32 to vector<16xi32>
          %shift_right_logical3A_165 = arith.shrui %and3A_161, %shift_right_logical3A_164 : vector<16xi32>
          %and3A_166 = arith.constant 3 : i32
          %and3A_167 = vector.broadcast %and3A_166 : i32 to vector<16xi32>
          %and3A_168 = arith.andi %and3A_161, %and3A_167 : vector<16xi32>
          %shift_left3A_169 = arith.constant 5 : i32
          %shift_left3A_170 = vector.broadcast %shift_left3A_169 : i32 to vector<16xi32>
          %shift_left3A_171 = arith.shli %and3A_168, %shift_left3A_170 : vector<16xi32>
          %add3A_172 = arith.addi %shift_left3A_171, %iota3A : vector<16xi32>
          tpu.vector_store_idx %arg8[%shift_right_logical3A_165, %add3A_172], %gather3A_162 : memref<128x128xf32, #tpu.memory_space<vmem>>[vector<16xi32>, vector<16xi32>], vector<16xf32>,
          %add3A_173 = vector.broadcast %add3A_156 : i32 to vector<16xi32>
          %add3A_174 = arith.addi %add3A_173, %add3A_68 : vector<16xi32>
          %and3A_175 = arith.constant 511 : i32
          %and3A_176 = vector.broadcast %and3A_175 : i32 to vector<16xi32>
          %and3A_177 = arith.andi %add3A_174, %and3A_176 : vector<16xi32>
          %gather3A_178 = tpu.vector_load_idx %arg6[%add3A_68, %and3A_177] : memref<32x512xf32, #tpu.memory_space<vmem>>[vector<16xi32>, vector<16xi32>], vector<16xf32>,
          %shift_right_logical3A_179 = arith.constant 2 : i32
          %shift_right_logical3A_180 = vector.broadcast %shift_right_logical3A_179 : i32 to vector<16xi32>
          %shift_right_logical3A_181 = arith.shrui %and3A_177, %shift_right_logical3A_180 : vector<16xi32>
          %and3A_182 = arith.constant 3 : i32
          %and3A_183 = vector.broadcast %and3A_182 : i32 to vector<16xi32>
          %and3A_184 = arith.andi %and3A_177, %and3A_183 : vector<16xi32>
          %shift_left3A_185 = arith.constant 5 : i32
          %shift_left3A_186 = vector.broadcast %shift_left3A_185 : i32 to vector<16xi32>
          %shift_left3A_187 = arith.shli %and3A_184, %shift_left3A_186 : vector<16xi32>
          %add3A_188 = arith.addi %shift_left3A_187, %add3A_68 : vector<16xi32>
          tpu.vector_store_idx %arg8[%shift_right_logical3A_181, %add3A_188], %gather3A_178 : memref<128x128xf32, #tpu.memory_space<vmem>>[vector<16xi32>, vector<16xi32>], vector<16xf32>,
          %mul3A_189 = arith.constant 4 : i32
          %mul3A_190 = arith.muli %mul3A_189, %scan3A_84 : i32
          %add3A_191 = arith.constant 3 : i32
          %add3A_192 = arith.addi %mul3A_190, %add3A_191 : i32
          %add3A_193 = vector.broadcast %add3A_192 : i32 to vector<16xi32>
          %add3A_194 = arith.addi %add3A_193, %iota3A : vector<16xi32>
          %and3A_195 = arith.constant 511 : i32
          %and3A_196 = vector.broadcast %and3A_195 : i32 to vector<16xi32>
          %and3A_197 = arith.andi %add3A_194, %and3A_196 : vector<16xi32>
          %gather3A_198 = tpu.vector_load_idx %arg6[%iota3A, %and3A_197] : memref<32x512xf32, #tpu.memory_space<vmem>>[vector<16xi32>, vector<16xi32>], vector<16xf32>,
          %shift_right_logical3A_199 = arith.constant 2 : i32
          %shift_right_logical3A_200 = vector.broadcast %shift_right_logical3A_199 : i32 to vector<16xi32>
          %shift_right_logical3A_201 = arith.shrui %and3A_197, %shift_right_logical3A_200 : vector<16xi32>
          %and3A_202 = arith.constant 3 : i32
          %and3A_203 = vector.broadcast %and3A_202 : i32 to vector<16xi32>
          %and3A_204 = arith.andi %and3A_197, %and3A_203 : vector<16xi32>
          %shift_left3A_205 = arith.constant 5 : i32
          %shift_left3A_206 = vector.broadcast %shift_left3A_205 : i32 to vector<16xi32>
          %shift_left3A_207 = arith.shli %and3A_204, %shift_left3A_206 : vector<16xi32>
          %add3A_208 = arith.addi %shift_left3A_207, %iota3A : vector<16xi32>
          tpu.vector_store_idx %arg8[%shift_right_logical3A_201, %add3A_208], %gather3A_198 : memref<128x128xf32, #tpu.memory_space<vmem>>[vector<16xi32>, vector<16xi32>], vector<16xf32>,
          %add3A_209 = vector.broadcast %add3A_192 : i32 to vector<16xi32>
          %add3A_210 = arith.addi %add3A_209, %add3A_68 : vector<16xi32>
          %and3A_211 = arith.constant 511 : i32
          %and3A_212 = vector.broadcast %and3A_211 : i32 to vector<16xi32>
          %and3A_213 = arith.andi %add3A_210, %and3A_212 : vector<16xi32>
          %gather3A_214 = tpu.vector_load_idx %arg6[%add3A_68, %and3A_213] : memref<32x512xf32, #tpu.memory_space<vmem>>[vector<16xi32>, vector<16xi32>], vector<16xf32>,
          %shift_right_logical3A_215 = arith.constant 2 : i32
          %shift_right_logical3A_216 = vector.broadcast %shift_right_logical3A_215 : i32 to vector<16xi32>
          %shift_right_logical3A_217 = arith.shrui %and3A_213, %shift_right_logical3A_216 : vector<16xi32>
          %and3A_218 = arith.constant 3 : i32
          %and3A_219 = vector.broadcast %and3A_218 : i32 to vector<16xi32>
          %and3A_220 = arith.andi %and3A_213, %and3A_219 : vector<16xi32>
          %shift_left3A_221 = arith.constant 5 : i32
          %shift_left3A_222 = vector.broadcast %shift_left3A_221 : i32 to vector<16xi32>
          %shift_left3A_223 = arith.shli %and3A_220, %shift_left3A_222 : vector<16xi32>
          %add3A_224 = arith.addi %shift_left3A_223, %add3A_68 : vector<16xi32>
          tpu.vector_store_idx %arg8[%shift_right_logical3A_217, %add3A_224], %gather3A_214 : memref<128x128xf32, #tpu.memory_space<vmem>>[vector<16xi32>, vector<16xi32>], vector<16xf32>,
        }
        %scan3A_74 = arith.constant 128 : i32
        %mul3A_75 = arith.constant 32 : i32
        %mul3A_76 = arith.muli %mul3A_75, %add3A_42 : i32
        %add3A_77 = arith.addi %add3A, %mul3A_76 : i32
        %mul3A_78 = arith.constant 128 : i32
        %mul3A_79 = arith.muli %add3A_77, %mul3A_78 : i32
        %dma_start3A_80 = arith.constant 0 : i32
        %dma_start3A_81 = tpu.memref_slice %arg4[%mul3A_79, %dma_start3A_80] : memref<250000x128xf32, #tpu.memory_space<hbm>> -> memref<128x128xf32, #tpu.memory_space<hbm>>
        %dma_start3A_82 = arith.constant 0 : i32
        %dma_start3A_83 = tpu.memref_slice %arg4[%mul3A_79, %dma_start3A_82] : memref<250000x128xf32, #tpu.memory_space<hbm>> -> memref<128x128xf32, #tpu.memory_space<hbm>>
        tpu.enqueue_dma source(%arg8 : memref<128x128xf32, #tpu.memory_space<vmem>>) target(%dma_start3A_83 : memref<128x128xf32, #tpu.memory_space<hbm>>) target_semaphore(%arg12 : memref<!tpu.dma_semaphore, #tpu.memory_space<semaphore_mem>>)
      } else {
      }
    }
    %scan3A_14 = arith.constant 32 : i32
    %add3A_15 = arith.constant 0 : i32
    %add3A_16 = arith.addi %add3A, %add3A_15 : i32
    %mul3A_17 = arith.constant 128 : i32
    %mul3A_18 = arith.muli %add3A_16, %mul3A_17 : i32
    %dma_wait3A = arith.constant 0 : i32
    %dma_wait3A_19 = tpu.memref_slice %arg4[%mul3A_18, %dma_wait3A] : memref<250000x128xf32, #tpu.memory_space<hbm>> -> memref<128x128xf32, #tpu.memory_space<hbm>>
    %dma_wait3A_20 = arith.constant 0 : i32
    %dma_wait3A_21 = tpu.memref_slice %arg4[%mul3A_18, %dma_wait3A_20] : memref<250000x128xf32, #tpu.memory_space<hbm>> -> memref<128x128xf32, #tpu.memory_space<hbm>>
    tpu.wait_dma2 semaphore(%arg11 : memref<!tpu.dma_semaphore, #tpu.memory_space<semaphore_mem>>) src(%arg7 : memref<128x128xf32, #tpu.memory_space<vmem>>) dst(%dma_wait3A_21 : memref<128x128xf32, #tpu.memory_space<hbm>>)
    %add3A_22 = arith.constant 0 : i32
    %add3A_23 = arith.addi %add3A, %add3A_22 : i32
    %mul3A_24 = arith.constant 128 : i32
    %mul3A_25 = arith.muli %add3A_23, %mul3A_24 : i32
    %dma_wait3A_26 = arith.constant 0 : i32
    %dma_wait3A_27 = tpu.memref_slice %arg4[%mul3A_25, %dma_wait3A_26] : memref<250000x128xf32, #tpu.memory_space<hbm>> -> memref<128x128xf32, #tpu.memory_space<hbm>>
    %dma_wait3A_28 = arith.constant 0 : i32
    %dma_wait3A_29 = tpu.memref_slice %arg4[%mul3A_25, %dma_wait3A_28] : memref<250000x128xf32, #tpu.memory_space<hbm>> -> memref<128x128xf32, #tpu.memory_space<hbm>>
    tpu.wait_dma2 semaphore(%arg12 : memref<!tpu.dma_semaphore, #tpu.memory_space<semaphore_mem>>) src(%arg8 : memref<128x128xf32, #tpu.memory_space<vmem>>) dst(%dma_wait3A_29 : memref<128x128xf32, #tpu.memory_space<hbm>>)
    %eq3A = arith.constant 0 : i32
    %eq3A_30 = arith.cmpi eq, %add3A, %eq3A : i32
    %convert_element_type3A = arith.extui %eq3A_30 : i1 to i32
    %cond3A = arith.constant 0 : i32
    %cond3A_31 = arith.cmpi ne, %convert_element_type3A, %cond3A : i32
    scf.if %cond3A_31 {
      "tpu.region"() ({
        %run_scoped3A = tpu.sem_alloc : memref<!tpu.dma_semaphore, #tpu.memory_space<semaphore_mem>>
        %dma_start3A_32 = arith.constant 0 : i32
        %dma_start3A_33 = arith.constant 0 : i32
        %dma_start3A_34 = tpu.memref_slice %arg7[%dma_start3A_32, %dma_start3A_33] : memref<128x128xf32, #tpu.memory_space<vmem>> -> memref<16x128xf32, #tpu.memory_space<vmem>>
        %dma_start3A_35 = arith.constant 0 : i32
        %dma_start3A_36 = arith.constant 0 : i32
        %dma_start3A_37 = tpu.memref_slice %arg7[%dma_start3A_35, %dma_start3A_36] : memref<128x128xf32, #tpu.memory_space<vmem>> -> memref<16x128xf32, #tpu.memory_space<vmem>>
        tpu.enqueue_dma source(%arg3 : memref<16x128xf32, #tpu.memory_space<hbm>>) target(%dma_start3A_37 : memref<16x128xf32, #tpu.memory_space<vmem>>) target_semaphore(%run_scoped3A : memref<!tpu.dma_semaphore, #tpu.memory_space<semaphore_mem>>)
        %dma_wait3A_38 = arith.constant 0 : i32
        %dma_wait3A_39 = arith.constant 0 : i32
        %dma_wait3A_40 = tpu.memref_slice %arg7[%dma_wait3A_38, %dma_wait3A_39] : memref<128x128xf32, #tpu.memory_space<vmem>> -> memref<16x128xf32, #tpu.memory_space<vmem>>
        %dma_wait3A_41 = arith.constant 0 : i32
        %dma_wait3A_42 = arith.constant 0 : i32
        %dma_wait3A_43 = tpu.memref_slice %arg7[%dma_wait3A_41, %dma_wait3A_42] : memref<128x128xf32, #tpu.memory_space<vmem>> -> memref<16x128xf32, #tpu.memory_space<vmem>>
        tpu.wait_dma2 semaphore(%run_scoped3A : memref<!tpu.dma_semaphore, #tpu.memory_space<semaphore_mem>>) src(%arg3 : memref<16x128xf32, #tpu.memory_space<hbm>>) dst(%dma_wait3A_43 : memref<16x128xf32, #tpu.memory_space<vmem>>)
        tpu.yield
      }) : () -> ()
      "tpu.region"() ({
        %run_scoped3A = tpu.sem_alloc : memref<!tpu.dma_semaphore, #tpu.memory_space<semaphore_mem>>
        %dma_start3A_32 = arith.constant 0 : i32
        %dma_start3A_33 = arith.constant 0 : i32
        %dma_start3A_34 = tpu.memref_slice %arg7[%dma_start3A_32, %dma_start3A_33] : memref<128x128xf32, #tpu.memory_space<vmem>> -> memref<16x128xf32, #tpu.memory_space<vmem>>
        %dma_start3A_35 = arith.constant 249984 : i32
        %dma_start3A_36 = arith.constant 0 : i32
        %dma_start3A_37 = tpu.memref_slice %arg4[%dma_start3A_35, %dma_start3A_36] : memref<250000x128xf32, #tpu.memory_space<hbm>> -> memref<16x128xf32, #tpu.memory_space<hbm>>
        %dma_start3A_38 = arith.constant 249984 : i32
        %dma_start3A_39 = arith.constant 0 : i32
        %dma_start3A_40 = tpu.memref_slice %arg4[%dma_start3A_38, %dma_start3A_39] : memref<250000x128xf32, #tpu.memory_space<hbm>> -> memref<16x128xf32, #tpu.memory_space<hbm>>
        %dma_start3A_41 = arith.constant 0 : i32
        %dma_start3A_42 = arith.constant 0 : i32
        %dma_start3A_43 = tpu.memref_slice %arg7[%dma_start3A_41, %dma_start3A_42] : memref<128x128xf32, #tpu.memory_space<vmem>> -> memref<16x128xf32, #tpu.memory_space<vmem>>
        tpu.enqueue_dma source(%dma_start3A_43 : memref<16x128xf32, #tpu.memory_space<vmem>>) target(%dma_start3A_40 : memref<16x128xf32, #tpu.memory_space<hbm>>) target_semaphore(%run_scoped3A : memref<!tpu.dma_semaphore, #tpu.memory_space<semaphore_mem>>)
        %dma_wait3A_44 = arith.constant 0 : i32
        %dma_wait3A_45 = arith.constant 0 : i32
        %dma_wait3A_46 = tpu.memref_slice %arg7[%dma_wait3A_44, %dma_wait3A_45] : memref<128x128xf32, #tpu.memory_space<vmem>> -> memref<16x128xf32, #tpu.memory_space<vmem>>
        %dma_wait3A_47 = arith.constant 249984 : i32
        %dma_wait3A_48 = arith.constant 0 : i32
        %dma_wait3A_49 = tpu.memref_slice %arg4[%dma_wait3A_47, %dma_wait3A_48] : memref<250000x128xf32, #tpu.memory_space<hbm>> -> memref<16x128xf32, #tpu.memory_space<hbm>>
        %dma_wait3A_50 = arith.constant 249984 : i32
        %dma_wait3A_51 = arith.constant 0 : i32
        %dma_wait3A_52 = tpu.memref_slice %arg4[%dma_wait3A_50, %dma_wait3A_51] : memref<250000x128xf32, #tpu.memory_space<hbm>> -> memref<16x128xf32, #tpu.memory_space<hbm>>
        %dma_wait3A_53 = arith.constant 0 : i32
        %dma_wait3A_54 = arith.constant 0 : i32
        %dma_wait3A_55 = tpu.memref_slice %arg7[%dma_wait3A_53, %dma_wait3A_54] : memref<128x128xf32, #tpu.memory_space<vmem>> -> memref<16x128xf32, #tpu.memory_space<vmem>>
        tpu.wait_dma2 semaphore(%run_scoped3A : memref<!tpu.dma_semaphore, #tpu.memory_space<semaphore_mem>>) src(%dma_wait3A_55 : memref<16x128xf32, #tpu.memory_space<vmem>>) dst(%dma_wait3A_52 : memref<16x128xf32, #tpu.memory_space<hbm>>)
        tpu.yield
      }) : () -> ()
    } else {
    }
    return
  }
}

</mosaic_0001>

<sc_bundles>
// kernel: kernel.4.cloned.1.call-start
scs
__scs_entry_jumppad:
0x0: {  	(pc) =	sbr.rel $0x88, $3  }
0x1: {  	(tag) =	ssettag $0x0;
	lr =	simm.s32 $0x1  }
0x2: {  	[smem:$0x3F9F] =	sst lr;
	_ =	strace $0xD0000000  }
0x3: {  	_ = 	snop  }
0x4: {  	_ = 	snop  }
0x5: {  	_ = 	snop  }
0x6: {  	_ = 	snop  }
0x7: {  	_ = 	snop  }
__scs_overlays_trampoline_lowered:
0x8: {  	[smem:$0x3FAE] =	sst s0  }
0x9: {  	[smem:$0x3FAF] =	sst s1  }
0xa: {  	[smem:$0x3FB0] =	sst s2  }
0xb: {  	[smem:$0x3FB1] =	sst s3  }
0xc: {  	[smem:$0x3FB2] =	sst s4  }
0xd: {  	[smem:$0x3FB3] =	sst s5  }
0xe: {  	[smem:$0x3FB4] =	sst s6  }
0xf: {  	[smem:$0x3FB5] =	sst s7  }
0x10: {  	[smem:$0x3FB6] =	sst s8  }
0x11: {  	[smem:$0x3FB7] =	sst s9;
	s0 =	simm.s32 @!p0 $0x0  }
0x12: {  	s1 =	sld [smem:$0x3F9D];
	s0 =	simm.s32 @p0 $0x1  }
0x13: {  	[smem:$0x3FB8] =	sst s0;
	s0 =	simm.s32 @!p1 $0x0  }
0x14: {  	s2 =	sld [smem:$0x3F9C];
	s0 =	simm.s32 @p1 $0x1  }
0x15: {  	[smem:$0x3FB9] =	sst s0;
	s0 =	simm.s32 @!p2 $0x0  }
0x16: {  	s3 =	sld [smem:$0x3FDB];
	s0 =	simm.s32 @p2 $0x1  }
0x17: {  	s4 =	simm.s32 $0x1BF5;
	[smem:$0x3FBB] =	sst s0  }
0x18: {  	s0 =	sld [smem:$0x3F9E];
	_ =	swait.ge [sflag:s4], $0x0  }
0x19: {  	s7 =	sld [smem:$0x3F9F]  }
0x1a: {  	s8 =	sadd.s32 $0xFFFFE003, lr  }
0x1b: {  	s9 =	sadd.s32 $0xFFFFFEF7, lr;
	s5 =	simm.s32 $0xFFFFFFFF;
	p2 =	slt.u32 s8, $0xFFFFF086  }
0x1c: {  	p1 =	slt.u32 s9, $0xF7A;
	s5 =	simm.s32 @!p2 $0x0  }
0x1d: {  	s5 =	simm.s32 @p1 $0x1;
	p0 =	seq.s32 s7, s2  }
0x1e: {  	s7 =	smul.u32 @!p0 $0xF7A, s2;
	p2 =	seq.s32 @!p0 s5, $0x0  }
0x1f: {  	s9 =	smul.u32 $0xF7A, s1;
	s8 =	simm.s32 @!p0 $0x1BF5;
	p2 =	por !p2, p0  }
0x20: {  	[sflag:s8] =	ssyncset.s32 @!p0 $0xFFFFF086;
	s6 =	sadd.s32 @!p0 s3, s7;
	s7 =	simm.s32 @!p0 $0x108  }
0x21: {  	s3 =	sadd.s32 s3, s9;
	s6 =	sadd.s32 @!p0 $0x88, s6;
	s7 =	simm.s32 @p2 $0x1082  }
0x22: {  	[simem:s7], [sflag:s8] =	dma.local @!p0 [hbm:s6], $0xF7A  }
0x23: {  	s9 =	sor.u32 $0xD0000000, s2;
	s6 =	simm.s32 $0x108;
	_ =	swait.ge @!p0 [sflag:s8], $0x0  }
0x24: {  	s3 =	sadd.s32 $0x88, s3;
	s6 =	simm.s32 @!p1 $0x1082;
	[sflag:s4] =	ssyncset.s32 $0xFFFFF086  }
0x25: {  	[simem:s6], [sflag:s4] =	dma.local [hbm:s3], $0xF7A  }
0x26: {  	[smem:$0x3F9F] =	sst s1;
	(tag) =	ssettag s2;
	_ =	strace s9  }
0x27: {  	s1 =	sld [smem:$0x3FAF]  }
0x28: {  	s2 =	sld [smem:$0x3FB0]  }
0x29: {  	s4 =	sld [smem:$0x3FB2]  }
0x2a: {  	p0 =	seq.s32 s5, $0x0;
	s5 =	sld [smem:$0x3FB3]  }
0x2b: {  	s6 =	sld [smem:$0x3FB4]  }
0x2c: {  	s7 =	sld [smem:$0x3FB5]  }
0x2d: {  	s3 =	simm.s32 $0x108;
	s8 =	sld [smem:$0x3FB6]  }
0x2e: {  	s3 =	simm.s32 @!p0 $0x1082;
	s9 =	sld [smem:$0x3FB7]  }
0x2f: {  	lr =	sadd.s32 s0, s3;
	s0 =	sld [smem:$0x3FAE]  }
0x30: {  	s3 =	sld [smem:$0x3FB1]  }
0x31: {  	[smem:$0x3FBA] =	sst s10  }
0x32: {  	s10 =	sld [smem:$0x3FB8];
	_ =	sdelay $0x3  }
0x33: {  	p0 =	seq.s32 s10, $0x1;
	s10 =	sld [smem:$0x3FBA];
	_ =	sdelay $0x3  }
0x34: {  	[smem:$0x3FBA] =	sst s10  }
0x35: {  	s10 =	sld [smem:$0x3FB9];
	_ =	sdelay $0x3  }
0x36: {  	p1 =	seq.s32 s10, $0x1;
	s10 =	sld [smem:$0x3FBA];
	_ =	sdelay $0x3  }
0x37: {  	[smem:$0x3FBA] =	sst s10  }
0x38: {  	s10 =	sld [smem:$0x3FBB]  }
0x39: {  	_ = 	snop;
	(pc) =	sbr.ind lr, $3  }
0x3a: {  	_ = 	snop  }
0x3b: {  	_ = 	snop  }
0x3c: {  	p2 =	seq.s32 s10, $0x1;
	s10 =	sld [smem:$0x3FBA]  }
0x3d: {  	_ =	shalt  }
0x3e: {  	_ =	shalt  }
0x3f: {  	_ =	shalt  }
0x40: {  	_ =	shalt  }
0x41: {  	_ =	shalt  }
0x42: {  	_ =	shalt  }
0x43: {  	_ =	shalt  }
0x44: {  	_ =	shalt  }
0x45: {  	_ =	shalt  }
0x46: {  	_ =	shalt  }
0x47: {  	_ =	shalt  }
0x48: {  	_ =	shalt  }
0x49: {  	_ =	shalt  }
0x4a: {  	_ =	shalt  }
0x4b: {  	_ =	shalt  }
0x4c: {  	_ =	shalt  }
0x4d: {  	_ =	shalt  }
0x4e: {  	_ =	shalt  }
0x4f: {  	_ =	shalt  }
0x50: {  	_ =	shalt  }
0x51: {  	_ =	shalt  }
0x52: {  	_ =	shalt  }
0x53: {  	_ =	shalt  }
0x54: {  	_ =	shalt  }
0x55: {  	_ =	shalt  }
0x56: {  	_ =	shalt  }
0x57: {  	_ =	shalt  }
0x58: {  	_ =	shalt  }
0x59: {  	_ =	shalt  }
0x5a: {  	_ =	shalt  }
0x5b: {  	_ =	shalt  }
0x5c: {  	_ =	shalt  }
0x5d: {  	_ =	shalt  }
0x5e: {  	_ =	shalt  }
0x5f: {  	_ =	shalt  }
0x60: {  	_ =	shalt  }
0x61: {  	_ =	shalt  }
0x62: {  	_ =	shalt  }
0x63: {  	_ =	shalt  }
0x64: {  	_ =	shalt  }
0x65: {  	_ =	shalt  }
0x66: {  	_ =	shalt  }
0x67: {  	_ =	shalt  }
0x68: {  	_ =	shalt  }
0x69: {  	_ =	shalt  }
0x6a: {  	_ =	shalt  }
0x6b: {  	_ =	shalt  }
0x6c: {  	_ =	shalt  }
0x6d: {  	_ =	shalt  }
0x6e: {  	_ =	shalt  }
0x6f: {  	_ =	shalt  }
0x70: {  	_ =	shalt  }
0x71: {  	_ =	shalt  }
0x72: {  	_ =	shalt  }
0x73: {  	_ =	shalt  }
0x74: {  	_ =	shalt  }
0x75: {  	_ =	shalt  }
0x76: {  	_ =	shalt  }
0x77: {  	_ =	shalt  }
0x78: {  	_ =	shalt  }
0x79: {  	_ =	shalt  }
0x7a: {  	_ =	shalt  }
0x7b: {  	_ =	shalt  }
0x7c: {  	_ =	shalt  }
0x7d: {  	_ =	shalt  }
0x7e: {  	_ =	shalt  }
0x7f: {  	_ =	shalt  }
0x80: {  	_ =	shalt  }
0x81: {  	_ =	shalt  }
0x82: {  	_ =	shalt  }
0x83: {  	_ =	shalt  }
0x84: {  	_ =	shalt  }
0x85: {  	_ =	shalt  }
0x86: {  	_ =	shalt  }
0x87: {  	_ =	shalt  }
.Lfunc_end0:
.L_simem_size_0:
called_computation_lowered:
.L_overlay_start_0:
0x88: {  	s2 =	sld [smem:$0x3FD9]  }
0x89: {  	s3 =	sld [smem:$0x3FFE];
	_ =	sdelay $0x1  }
0x8a: {  	s1 =	srdreg.scid  }
0x8b: {  	s0 =	sand.u32 $0x1, s1  }
0x8c: {  	s17 =	sshll.u32 s0, $0xA;
	s2 =	sadd.s32 s3, s2  }
0x8d: {  	s2 =	sadd.s32 s2, s17  }
0x8e: {  	[smem:$0x3FC6] =	sst s2  }
0x8f: {  	_ = 	snop  }
0x90: {  	s2 =	sld [smem:$0x3FC8]  }
0x91: {  	s18 =	sld [smem:$0x3FD0];
	(tm) =	ssettm $0x1  }
0x92: {  	s4 =	sld [smem:$0x3FFB];
	_ =	sdelay $0x3  }
0x93: {  	_ =	strace s4  }
0x94: {  	s4 =	sld [smem:$0x3FFC];
	_ =	sdelay $0x3  }
0x95: {  	_ =	strace s4  }
0x96: {  	s4 =	sld [smem:$0x3FFD];
	_ =	sdelay $0x3  }
0x97: {  	_ =	strace s4  }
0x98: {  	_ =	strace $0x8FFFFFFF  }
0x99: {  	s19 =	sld [smem:$0x3FDB];
	_ =	sdelay $0x1  }
0x9a: {  	s5 =	simm.s32 $_scs_section_size  }
0x9b: {  	s6 =	simm.s32 $_size__tile_overlayer_lowered;
	s7 =	simm.s32 $_tile_overlayer_lowered  }
0x9c: {  	s22 =	simm.s32 $0x1BFF;
	s21 =	sshll.u32 s7, $0x1;
	s4 =	sadd.s32 s5, s19  }
0x9d: {  	s8 =	simm.s32 $0x0;
	s20 =	sshll.u32 s6, $0x1;
	s6 =	sadd.s32 s21, s4  }
0x9e: {  	[timem:s8], [sflag:s22] =	dma.local [hbm:s6], s20  }
0x9f: {  	_ =	swait.ge [sflag:s22], s20  }
0xa0: {  	s5 =	ssub.s32 $0x0, s20;
	[sflag:s22] =	ssyncset.done $0x0  }
0xa1: {  	[sflag:s22] =	ssyncadd.s32 s5;
	_ =	sdelay $0x1  }
0xa2: {  	s23 =	simm.s32 $0x1B8B  }
0xa3: {  	_ =	swait.ge [sflag:s23], $0x1  }
0xa4: {  	[sflag:s23] =	ssyncset.done $0x0  }
0xa5: {  	s25 =	simm.s32 $0x1B8E;
	s24 =	sld [smem:$0x3FFE];
	[sflag:s23] =	ssyncadd.s32 $0xFFFFFFFF  }
0xa6: {  	s26 =	simm.s32 $execute0_lowered;
	[smem:$0x3FD2] =	sst s25  }
0xa7: {  	s6 =	sshll.u32 s26, $0x1;
	_ =	strace $0x80000046;
	[dreg:$0x1] =	wrdreg $0xFFFFFFFF  }
0xa8: {  	s28 =	simm.s32 $_size_execute0_lowered;
	s4 =	sadd.s32 s4, s6;
	[dreg:$0x0] =	wrdreg $0x0  }
0xa9: {  	s6 =	sshll.u32 s28, $0x1;
	[dreg:$0x2] =	wrdreg s4  }
0xaa: {  	[dreg:$0x3] =	wrdreg s6  }
0xab: {  	[dreg:$0x4] =	wrdreg $0xC0  }
0xac: {  	_ =	task [dreg:s8], $0x5FFFF  }
0xad: {  	[dreg:$0x1] =	wrdreg $0xFFFFFFFF  }
0xae: {  	[dreg:$0x0] =	wrdreg $0x60  }
0xaf: {  	[dreg:$0x2] =	wrdreg s2  }
0xb0: {  	[dreg:$0x3] =	wrdreg s18  }
0xb1: {  	[dreg:$0x4] =	wrdreg s24  }
0xb2: {  	[dreg:$0x5] =	wrdreg $0x9  }
0xb3: {  	_ =	task.clear_ibuf [dreg:s8], $0x6FFFF;
	_ =	strace $0x90000046  }
0xb4: {  	s29 =	simm.s32 $0x9;
	_ =	strace $0x80000048  }
0xb5: {  	_ =	swait.ge [sflag:s29], $0x1  }
0xb6: {  	[sflag:s29] =	ssyncadd.s32 $0xFFFFFFFF  }
0xb7: {  	_ =	strace $0x90000048  }
0xb8: {  	_ =	sfence  }
0xb9: {  	s30 =	sld [smem:$0x0];
	_ =	sdelay $0x2  }
0xba: {  	s31 =	sshll.u32 s1, $0xD;
	s1 =	sshrl.u32 s1, $0x2  }
0xbb: {  	s3 =	sand.u32 $0x4000, s31;
	s1 =	sadd.s32 s1, s30  }
0xbc: {  	s0 =	sor.u32 s3, s0;
	s1 =	sshll.u32 s1, $0x11  }
0xbd: {  	s0 =	sor.u32 s1, s0  }
0xbe: {  	s0 =	sadd.s32 $0x8F2B, s0  }
0xbf: {  	[sflag:s0] =	ssyncadd.remote.s32 $0x1  }
0xc0: {  	_ =	sfence.sel $0xFFFF  }
0xc1: {  	[dreg:$0x0] =	wrdreg $0xFFFFFFFF;
	(pc) =	sbr.abs _section_cstart, $3  }
0xc2: {  	[dreg:$0x1] =	wrdreg $0xFFFFFFFF  }
0xc3: {  	_ =	task.clear_ibuf [dreg:s8], $0x2FFFF;
	_ =	strace $0x9FFFFFFF  }
0xc4: {  	(tm) =	ssettm $0x7FFFFFFF  }
0xc5: {  	_ =	shalt  }
tec
execute0_lowered:
.L_overlay_start_1:
0x0: {  	(tag) =	ssettag $0x1  }
0x1: {  	v0 =	vimm.s32 $0x1380;
	vm0 =	vcmask $0x300;
	vm1 =	vcmask $0x704  }
0x2: {  	vm3 =	vcmask $0xB08;
	vm9 =	vcmask $0xF0C;
	v0 =	vsel vm0, $0x0, v0  }
0x3: {  	vm10 =	vcmask $0x1310;
	vm11 =	vcmask $0x1714;
	v0 =	vsel vm1, $0x80, v0  }
0x4: {  	vm8 =	vcmask $0x1B18;
	vm7 =	vcmask $0x1F1C;
	v0 =	vsel vm3, $0x100, v0  }
0x5: {  	vm6 =	vcmask $0x2320;
	vm5 =	vcmask $0x2724;
	v0 =	vsel vm9, $0x180, v0  }
0x6: {  	v1 =	vimm.s32 $0x3380;
	vm4 =	vcmask $0x2B28;
	v0 =	vsel vm10, $0x200, v0  }
0x7: {  	vm2 =	vcmask $0x2F2C;
	vm12 =	vcmask $0x3330;
	v0 =	vsel vm11, $0x280, v0  }
0x8: {  	vm13 =	vcmask $0x3734;
	v1 =	vsel vm0, $0x2000, v1;
	v0 =	vsel vm8, $0x300, v0  }
0x9: {  	v3 =	vimm.s32 $0x6F4E2D0C;
	v1 =	vsel vm1, $0x2080, v1;
	v0 =	vsel vm7, $0x380, v0  }
0xa: {  	vm14 =	vcmask $0x1F10;
	v1 =	vsel vm3, $0x2100, v1;
	v0 =	vsel vm6, $0x1000, v0  }
0xb: {  	s7 =	rddreg [dreg:$0x0];
	v4 =	vimm.s32 $0x63422100;
	v1 =	vsel vm9, $0x2180, v1;
	v0 =	vsel vm5, $0x1080, v0  }
0xc: {  	s0 =	rddreg [dreg:$0x1];
	v5 =	vimm.s32 $0x67462504;
	v1 =	vsel vm10, $0x2200, v1;
	v0 =	vsel vm4, $0x1100, v0  }
0xd: {  	s2 =	srdreg.scid;
	s1 =	stileid.u32;
	vm15 =	vcmask $0x3B38;
	v1 =	vsel vm11, $0x2280, v1;
	v0 =	vsel vm2, $0x1180, v0  }
0xe: {  	s6 =	rddreg [dreg:$0x2];
	s3 =	simm.s32 $0x0;
	v6 =	vimm.s32 $0x77563514;
	s11 =	simm.s32 $0x1;
	v1 =	vsel vm8, $0x2300, v1;
	v0 =	vsel vm12, $0x1200, v0  }
0xf: {  	s12 =	simm.s32 $0x8000;
	s13 =	simm.s32 $0x2;
	s14 =	simm.s32 $0x4000;
	v1 =	vsel vm7, $0x2380, v1;
	v2 =	vsel vm13, $0x1280, v0;
	v0 =	vimm.s32 $0x6B4A2908  }
0x10: {  	s15 =	simm.s32 $0xC000;
	s17 =	simm.s32 $0x4;
	s18 =	simm.s32 $0x0;
	v3 =	vunpack.c.0.s8.s32 v3;
	v1 =	vsel vm6, $0x3000, v1;
	v0 =	vunpack.c.0.s8.s32 v0  }
0x11: {  	s4 =	sand.u32 $0x1, s2;
	s5 =	sshll.u32 s1, $0x1;
	[smem:$0x7FF] =	sst s3;
	v4 =	vunpack.c.0.s8.s32 v4;
	v5 =	vunpack.c.0.s8.s32 v5;
	v1 =	vsel vm5, $0x3080, v1  }
0x12: {  	s2 =	rddreg [dreg:$0x3];
	v6 =	vunpack.c.0.s8.s32 v6;
	s16 =	sor.u32 s4, s5;
	_ =	strace $0x80000047;
	v1 =	vsel vm4, $0x3100, v1;
	v0 =	vsel vm14, v3, v0  }
0x13: {  	s8 =	ssub.s32 $0x2, s4;
	s4 =	simm.s32 $0x3E;
	s5 =	sshll.u32 s16, $0xB;
	v3 =	vsel vm14, v5, v4;
	v4 =	vimm.s32 $0x7B5A3918;
	v5 =	vimm.s32 $0x73523110  }
.Ltmp0:
0x14: {  	s9 =	sshrl.u32 s8, $0x1;
	p0 =	seq.s32 s16, $0x0;
	v0 =	vcombine.low v3, v0;
	v3 =	vsel vm2, $0x3180, v1;
	v1 =	vimm.s32 $0x7F5E3D1C;
	(pc) =	sbr.rel .LBB2_1-.Ltmp0, $4  }
0x15: {  	s10 =	sshll.u32 s16, $0x9;
	s5 =	sadd.s32 s5, s6;
	s6 =	sadd.s32 $0x3D1400, s6;
	v4 =	vunpack.c.0.s8.s32 v4;
	v5 =	vunpack.c.0.s8.s32 v5;
	v7 =	vunpack.c.0.s8.s32 v1  }
0x16: {  	s8 =	ssub.s32 s8, s9;
	s4 =	simm.s32 @!p0 $0x3D;
	s7 =	sadd.s32 s7, s10;
	v2 =	vsel vm15, $0x1300, v2;
	v1 =	vlaneseq.u32;
	v3 =	vsel vm12, $0x3200, v3  }
0x17: {  	s9 =	simm.s32 $0x1000;
	s10 =	simm.s32 $0x7A1400;
	p0 =	sne.s32 s16, $0x0;
	v8 =	vsel vm13, $0x3280, v3;
	v5 =	vsel vm14, v6, v5;
	v7 =	vsel vm14, v7, v4  }
0x18: {  	s16 =	simm.s32 $0x3;
	s5 =	sadd.s32 $0xC00, s5;
	s8 =	smax.u32 s8, $0x1;
	v3 =	vor.u32 $0x10, v1;
	v4 =	vsel vm15, $0x3300, v8;
	v5 =	vcombine.low v5, v7  }
.LBB2_12:
0x19: {  	_ =	swait.ge [sflag:s16], $0x4000  }
0x1a: {  	[sflag:s16] =	ssyncset.done $0x0  }
0x1b: {  	[sflag:s16] =	ssyncadd.s32 $0xFFFFC000  }
0x1c: {  	_ =	swait.ge [sflag:s17], $0x4000  }
0x1d: {  	s19 =	simm.s32 @!p0 $0x0;
	[sflag:s17] =	ssyncset.done $0x0  }
0x1e: {  	s20 =	simm.s32 @!p0 $0x8000;
	s21 =	simm.s32 @!p0 $0x5;
	[sflag:s17] =	ssyncadd.s32 $0xFFFFC000  }
0x1f: {  	[tilespmem:s20], [sflag:$0x5] =	stream.linear.gather @!p0 [hbm4b:s0+s19], $0x800, $0x38;
	[tilespmem:$0x10000] =	vst v63  }
0x20: {  	s18 =	sadd.s32 $0x1, s18;
	_ =	swait.ge @!p0 [sflag:s21], $0x800  }
0x21: {  	p1 =	sne.s32 s18, s8;
	[sflag:s21] =	ssyncset.done @!p0 $0x0  }
.Ltmp1:
0x22: {  	[sflag:s21] =	ssyncadd.s32 @!p0 $0xFFFFF800;
	(pc) =	sbr.rel @!p1 .LBB2_13-.Ltmp1, $4  }
0x23: {  	[hbm4b:s6+s19] =	stream.linear.scatter @!p0 [tilespmem:s20], [sflag:$0x5], $0x800, $0x38;
	[tilespmem:$0x10000] =	vst v63  }
0x24: {  	_ =	swait.ge @!p0 [sflag:s21], $0x800  }
0x25: {  	[sflag:s21] =	ssyncset.done @!p0 $0x0  }
0x26: {  	[sflag:s21] =	ssyncadd.s32 @!p0 $0xFFFFF800  }
.LBB2_1:
.Ltmp2:
0x27: {  	(pc) =	sbr.rel .LBB2_2-.Ltmp2, $3  }
0x28: {  	_ =	sdelay $0x1  }
0x29: {  	[tilespmem:s3], [sflag:$0x1] =	stream.strided.gather [hbm4b:s7+s9], $0x4000, s10, s9, $0x38;
	[tilespmem:$0x10000] =	vst v63  }
0x2a: {  	s19 =	simm.s32 $0x0  }
.LBB2_10:
0x2b: {  	_ =	sdelay $0x2  }
0x2c: {  	v11 =	vshll.u32 v7, $0x3;
	v6 =	vshll.u32 v6, $0x5  }
0x2d: {  	[tilespmem:v10+s15+$0x0] =	vst.idx.msk $0xffff, v8;
	v37 =	vand.u32 $0x7F, v7;
	v38 =	vand.u32 $0xC00, v11;
	v6 =	vand.u32 $0x3FE0, v6  }
0x2e: {  	v9 =	vld.idx.msk [tilespmem:v9+s14+$0x0], $0xffff;
	v8 =	vor.u32 v38, v37;
	v6 =	vor.u32 v3, v6  }
0x2f: {  	v8 =	vor.u32 v2, v8;
	_ =	sdelay $0x1  }
0x30: {  	v39 =	vadd.s32 s21, v3  }
0x31: {  	v7 =	vshll.u32 v7, $0x5;
	v40 =	vshll.u32 v39, $0x3  }
0x32: {  	v41 =	vand.u32 $0xC00, v40;
	[tilespmem:v6+s15+$0x0] =	vst.idx.msk $0xffff, v9;
	v6 =	vand.u32 $0x3F80, v7;
	v7 =	vand.u32 $0x7F, v39  }
0x33: {  	v8 =	vld.idx.msk [tilespmem:v8+s14+$0x0], $0xffff;
	v6 =	vor.u32 v0, v6;
	v7 =	vor.u32 v41, v7  }
0x34: {  	v7 =	vor.u32 v4, v7  }
0x35: {  	s22 =	sadd.s32 $0x1, s21  }
0x36: {  	v42 =	vadd.s32 s22, v1  }
0x37: {  	v10 =	vshll.u32 v39, $0x5;
	v43 =	vshll.u32 v42, $0x3  }
0x38: {  	v44 =	vand.u32 $0x7F, v42;
	v45 =	vand.u32 $0xC00, v43;
	[tilespmem:v6+s15+$0x0] =	vst.idx.msk $0xffff, v8;
	v6 =	vand.u32 $0x3F80, v10  }
0x39: {  	v8 =	vor.u32 v45, v44;
	v7 =	vld.idx.msk [tilespmem:v7+s14+$0x0], $0xffff;
	v6 =	vor.u32 v5, v6  }
0x3a: {  	v8 =	vor.u32 v2, v8;
	_ =	sdelay $0x1  }
0x3b: {  	v46 =	vadd.s32 s22, v3  }
0x3c: {  	v47 =	vshll.u32 v46, $0x3;
	v9 =	vshll.u32 v42, $0x5  }
0x3d: {  	v48 =	vand.u32 $0xC00, v47;
	[tilespmem:v6+s15+$0x0] =	vst.idx.msk $0xffff, v7;
	v6 =	vand.u32 $0x3FE0, v9;
	v7 =	vand.u32 $0x7F, v46  }
0x3e: {  	v8 =	vld.idx.msk [tilespmem:v8+s14+$0x0], $0xffff;
	v6 =	vor.u32 v1, v6;
	v7 =	vor.u32 v48, v7  }
0x3f: {  	v7 =	vor.u32 v4, v7  }
0x40: {  	s30 =	sadd.s32 $0x2, s21  }
0x41: {  	v49 =	vadd.s32 s30, v1  }
0x42: {  	v50 =	vshll.u32 v49, $0x3;
	v10 =	vshll.u32 v46, $0x5  }
0x43: {  	v51 =	vand.u32 $0x7F, v49;
	v52 =	vand.u32 $0xC00, v50;
	[tilespmem:v6+s15+$0x0] =	vst.idx.msk $0xffff, v8;
	v6 =	vand.u32 $0x3FE0, v10  }
0x44: {  	v8 =	vor.u32 v52, v51;
	v7 =	vld.idx.msk [tilespmem:v7+s14+$0x0], $0xffff;
	v6 =	vor.u32 v3, v6  }
0x45: {  	v8 =	vor.u32 v2, v8;
	_ =	sdelay $0x1  }
0x46: {  	v53 =	vadd.s32 s30, v3  }
0x47: {  	v54 =	vshll.u32 v53, $0x3;
	v9 =	vshll.u32 v49, $0x5  }
0x48: {  	v55 =	vand.u32 $0xC00, v54;
	[tilespmem:v6+s15+$0x0] =	vst.idx.msk $0xffff, v7;
	v6 =	vand.u32 $0x3FE0, v9;
	v7 =	vand.u32 $0x7F, v53  }
0x49: {  	v8 =	vld.idx.msk [tilespmem:v8+s14+$0x0], $0xffff;
	v6 =	vor.u32 v1, v6;
	v7 =	vor.u32 v55, v7  }
0x4a: {  	v7 =	vor.u32 v4, v7  }
0x4b: {  	s31 =	sadd.s32 $0x3, s21  }
0x4c: {  	v56 =	vadd.s32 s31, v1  }
0x4d: {  	v57 =	vshll.u32 v56, $0x3;
	v10 =	vshll.u32 v53, $0x5  }
0x4e: {  	v58 =	vand.u32 $0x7F, v56;
	v59 =	vand.u32 $0xC00, v57;
	[tilespmem:v6+s15+$0x0] =	vst.idx.msk $0xffff, v8;
	v6 =	vand.u32 $0x3FE0, v10  }
0x4f: {  	v8 =	vor.u32 v59, v58;
	v7 =	vld.idx.msk [tilespmem:v7+s14+$0x0], $0xffff;
	v6 =	vor.u32 v3, v6  }
0x50: {  	v8 =	vor.u32 v2, v8;
	_ =	sdelay $0x1  }
0x51: {  	v60 =	vadd.s32 s31, v3  }
0x52: {  	v61 =	vshll.u32 v60, $0x3;
	v9 =	vshll.u32 v56, $0x5  }
0x53: {  	v62 =	vand.u32 $0xC00, v61;
	[tilespmem:v6+s15+$0x0] =	vst.idx.msk $0xffff, v7;
	v6 =	vand.u32 $0x3FE0, v9;
	v7 =	vand.u32 $0x7F, v60  }
0x54: {  	v8 =	vld.idx.msk [tilespmem:v8+s14+$0x0], $0xffff;
	v6 =	vor.u32 v1, v6;
	v7 =	vor.u32 v62, v7  }
0x55: {  	v7 =	vor.u32 v4, v7;
	_ =	sdelay $0x2  }
0x56: {  	v63 =	vshll.u32 v60, $0x5  }
0x57: {  	[tilespmem:v6+s15+$0x0] =	vst.idx.msk $0xffff, v8;
	v6 =	vand.u32 $0x3FE0, v63  }
0x58: {  	v7 =	vld.idx.msk [tilespmem:v7+s14+$0x0], $0xffff;
	v6 =	vor.u32 v3, v6;
	_ =	sdelay $0x3  }
0x59: {  	s20 =	sshll.u32 s20, $0x10  }
0x5a: {  	s20 =	sadd.s32 s20, s5;
	[tilespmem:v6+s15+$0x0] =	vst.idx.msk $0xffff, v7  }
0x5b: {  	[hbm4b:s20+s3] =	stream.linear.scatter [tilespmem:s15], [sflag:$0x4], $0x4000, $0x38;
	[tilespmem:$0x10000] =	vst v63  }
.LBB2_11:
0x5c: {  	s19 =	sadd.s32 $0x1, s19  }
0x5d: {  	p1 =	sne.s32 s19, $0x20  }
.Ltmp3:
0x5e: {  	_ = 	snop;
	(pc) =	sbr.rel @!p1 .LBB2_12-.Ltmp3, $1  }
0x5f: {  	_ =	sdelay $0x3  }
.LBB2_2:
0x60: {  	s21 =	sshll.u32 s19, $0x1  }
0x61: {  	p2 =	slt.u32 s21, s4  }
.Ltmp4:
0x62: {  	_ = 	snop;
	(pc) =	sbr.rel @!p2 .LBB2_3-.Ltmp4, $2  }
0x63: {  	_ =	sdelay $0x2  }
0x64: {  	p1 =	seq.s32 s19, $0x0  }
0x65: {  	s22 =	simm.s32 $0x0  }
0x66: {  	s23 =	simm.s32 @!p1 $0x3;
	v6 =	vadd.s32 s22, v1  }
0x67: {  	s20 =	sor.u32 $0x1, s21;
	_ =	swait.ge @!p1 [sflag:s23], $0x4000;
	v7 =	vshll.u32 v6, $0x3  }
0x68: {  	p2 =	sge.u32 s20, s4;
	[sflag:s23] =	ssyncset.done @!p1 $0x0;
	v8 =	vand.u32 $0x7F, v6;
	v7 =	vand.u32 $0xC00, v7  }
0x69: {  	s24 =	sshll.u32 @!p2 s20, $0xE;
	s25 =	simm.s32 @!p2 $0x7A1400;
	s26 =	simm.s32 @!p2 $0x4000;
	v7 =	vor.u32 v7, v8  }
0x6a: {  	[sflag:s23] =	ssyncadd.s32 @!p1 $0xFFFFC000;
	s23 =	sadd.s32 @!p2 s24, s7;
	s24 =	simm.s32 @!p2 $0x1000;
	v7 =	vor.u32 v2, v7  }
0x6b: {  	[tilespmem:s26], [sflag:$0x2] =	stream.strided.gather @!p2 [hbm4b:s23+s24], $0x4000, s25, s24, $0x38;
	[tilespmem:$0x10000] =	vst v63  }
0x6c: {  	v8 =	vadd.s32 s22, v3;
	_ =	swait.ge [sflag:s11], $0x4000  }
0x6d: {  	v6 =	vshll.u32 v6, $0x5;
	v9 =	vshll.u32 v8, $0x3;
	[sflag:s11] =	ssyncset.done $0x0  }
0x6e: {  	v6 =	vand.u32 $0x3F80, v6;
	v10 =	vand.u32 $0x7F, v8;
	v9 =	vand.u32 $0xC00, v9;
	[sflag:s11] =	ssyncadd.s32 $0xFFFFC000  }
0x6f: {  	v6 =	vor.u32 v0, v6;
	v9 =	vor.u32 v9, v10;
	v7 =	vld.idx.msk [tilespmem:v7+s3+$0x0], $0xffff  }
0x70: {  	v9 =	vor.u32 v4, v9  }
0x71: {  	s29 =	simm.s32 $0x1  }
0x72: {  	v10 =	vadd.s32 s29, v1  }
0x73: {  	v8 =	vshll.u32 v8, $0x5;
	v11 =	vshll.u32 v10, $0x3  }
0x74: {  	[tilespmem:v6+s12+$0x0] =	vst.idx.msk $0xffff, v7;
	v6 =	vand.u32 $0x3F80, v8;
	v7 =	vand.u32 $0x7F, v10;
	v8 =	vand.u32 $0xC00, v11  }
0x75: {  	v9 =	vld.idx.msk [tilespmem:v9+s3+$0x0], $0xffff;
	v6 =	vor.u32 v5, v6;
	v7 =	vor.u32 v8, v7  }
0x76: {  	v7 =	vor.u32 v2, v7;
	_ =	sdelay $0x1  }
0x77: {  	v8 =	vadd.s32 s29, v3  }
0x78: {  	v10 =	vshll.u32 v10, $0x5;
	v11 =	vshll.u32 v8, $0x3  }
0x79: {  	[tilespmem:v6+s12+$0x0] =	vst.idx.msk $0xffff, v9;
	v6 =	vand.u32 $0x3FE0, v10;
	v9 =	vand.u32 $0x7F, v8;
	v10 =	vand.u32 $0xC00, v11  }
0x7a: {  	v7 =	vld.idx.msk [tilespmem:v7+s3+$0x0], $0xffff;
	v6 =	vor.u32 v1, v6;
	v9 =	vor.u32 v10, v9  }
0x7b: {  	v9 =	vor.u32 v4, v9  }
0x7c: {  	s30 =	simm.s32 $0x2  }
0x7d: {  	v10 =	vadd.s32 s30, v1  }
0x7e: {  	v8 =	vshll.u32 v8, $0x5;
	v11 =	vshll.u32 v10, $0x3  }
0x7f: {  	[tilespmem:v6+s12+$0x0] =	vst.idx.msk $0xffff, v7;
	v6 =	vand.u32 $0x3FE0, v8;
	v7 =	vand.u32 $0x7F, v10;
	v8 =	vand.u32 $0xC00, v11  }
0x80: {  	v9 =	vld.idx.msk [tilespmem:v9+s3+$0x0], $0xffff;
	v6 =	vor.u32 v3, v6;
	v7 =	vor.u32 v8, v7  }
0x81: {  	v7 =	vor.u32 v2, v7;
	_ =	sdelay $0x1  }
0x82: {  	v8 =	vadd.s32 s30, v3  }
0x83: {  	v10 =	vshll.u32 v10, $0x5;
	v11 =	vshll.u32 v8, $0x3  }
0x84: {  	[tilespmem:v6+s12+$0x0] =	vst.idx.msk $0xffff, v9;
	v6 =	vand.u32 $0x3FE0, v10;
	v9 =	vand.u32 $0x7F, v8;
	v10 =	vand.u32 $0xC00, v11  }
0x85: {  	v7 =	vld.idx.msk [tilespmem:v7+s3+$0x0], $0xffff;
	v6 =	vor.u32 v1, v6;
	v9 =	vor.u32 v10, v9  }
0x86: {  	v9 =	vor.u32 v4, v9  }
0x87: {  	s31 =	simm.s32 $0x3  }
0x88: {  	v10 =	vadd.s32 s31, v1  }
0x89: {  	v8 =	vshll.u32 v8, $0x5;
	v11 =	vshll.u32 v10, $0x3  }
0x8a: {  	[tilespmem:v6+s12+$0x0] =	vst.idx.msk $0xffff, v7;
	v6 =	vand.u32 $0x3FE0, v8;
	v7 =	vand.u32 $0x7F, v10;
	v8 =	vand.u32 $0xC00, v11  }
0x8b: {  	v9 =	vld.idx.msk [tilespmem:v9+s3+$0x0], $0xffff;
	v11 =	vor.u32 v3, v6;
	v6 =	vor.u32 v8, v7  }
0x8c: {  	v7 =	vor.u32 v2, v6;
	_ =	sdelay $0x1  }
0x8d: {  	v6 =	vadd.s32 s31, v3  }
0x8e: {  	v10 =	vshll.u32 v10, $0x5;
	v8 =	vshll.u32 v6, $0x3  }
0x8f: {  	v12 =	vand.u32 $0x7F, v6;
	v8 =	vand.u32 $0xC00, v8;
	[tilespmem:v11+s12+$0x0] =	vst.idx.msk $0xffff, v9;
	v9 =	vand.u32 $0x3FE0, v10  }
0x90: {  	v11 =	vor.u32 v8, v12;
	v8 =	vld.idx.msk [tilespmem:v7+s3+$0x0], $0xffff;
	v10 =	vor.u32 v1, v9  }
0x91: {  	v9 =	vor.u32 v4, v11;
	_ =	sdelay $0x1  }
0x92: {  	s22 =	simm.s32 $0x4  }
0x93: {  	s23 =	simm.s32 $0x8;
	v7 =	vadd.s32 s22, v1  }
.LBB2_5:
0x94: {  	p2 =	sne.s32 s23, $0x1FC;
	v11 =	vshll.u32 v7, $0x3;
	[tilespmem:v10+s12+$0x0] =	vst.idx.msk $0xffff, v8;
	v6 =	vshll.u32 v6, $0x5  }
0x95: {  	v8 =	vand.u32 $0x7F, v7;
	v10 =	vand.u32 $0xC00, v11;
	v9 =	vld.idx.msk [tilespmem:v9+s3+$0x0], $0xffff;
	v6 =	vand.u32 $0x3FE0, v6  }
0x96: {  	v8 =	vor.u32 v10, v8;
	v6 =	vor.u32 v3, v6  }
0x97: {  	v8 =	vor.u32 v2, v8;
	_ =	sdelay $0x2  }
0x98: {  	v10 =	vadd.s32 s22, v3  }
0x99: {  	v7 =	vshll.u32 v7, $0x5;
	v11 =	vshll.u32 v10, $0x3;
	[tilespmem:v6+s12+$0x0] =	vst.idx.msk $0xffff, v9  }
0x9a: {  	v7 =	vand.u32 $0x3F80, v7;
	v9 =	vand.u32 $0xC00, v11;
	v6 =	vld.idx.msk [tilespmem:v8+s3+$0x0], $0xffff;
	v8 =	vand.u32 $0x7F, v10  }
0x9b: {  	v7 =	vor.u32 v0, v7;
	v8 =	vor.u32 v9, v8  }
0x9c: {  	v8 =	vor.u32 v4, v8;
	_ =	sdelay $0x1  }
0x9d: {  	s24 =	sadd.s32 $0x1, s22  }
0x9e: {  	v9 =	vadd.s32 s24, v1  }
0x9f: {  	[tilespmem:v7+s12+$0x0] =	vst.idx.msk $0xffff, v6;
	v6 =	vshll.u32 v10, $0x5;
	v7 =	vshll.u32 v9, $0x3  }
0xa0: {  	v10 =	vand.u32 $0x7F, v9;
	v8 =	vld.idx.msk [tilespmem:v8+s3+$0x0], $0xffff;
	v6 =	vand.u32 $0x3F80, v6;
	v7 =	vand.u32 $0xC00, v7  }
0xa1: {  	v6 =	vor.u32 v5, v6;
	v7 =	vor.u32 v7, v10  }
0xa2: {  	v7 =	vor.u32 v2, v7;
	_ =	sdelay $0x2  }
0xa3: {  	v10 =	vadd.s32 s24, v3  }
0xa4: {  	[tilespmem:v6+s12+$0x0] =	vst.idx.msk $0xffff, v8;
	v6 =	vshll.u32 v9, $0x5;
	v8 =	vshll.u32 v10, $0x3  }
0xa5: {  	v9 =	vand.u32 $0x7F, v10;
	v7 =	vld.idx.msk [tilespmem:v7+s3+$0x0], $0xffff;
	v6 =	vand.u32 $0x3FE0, v6;
	v8 =	vand.u32 $0xC00, v8  }
0xa6: {  	v6 =	vor.u32 v1, v6;
	v8 =	vor.u32 v8, v9  }
0xa7: {  	v8 =	vor.u32 v4, v8;
	_ =	sdelay $0x1  }
0xa8: {  	s24 =	sadd.s32 $0x2, s22  }
0xa9: {  	v9 =	vadd.s32 s24, v1  }
0xaa: {  	[tilespmem:v6+s12+$0x0] =	vst.idx.msk $0xffff, v7;
	v6 =	vshll.u32 v10, $0x5;
	v7 =	vshll.u32 v9, $0x3  }
0xab: {  	v10 =	vand.u32 $0x7F, v9;
	v8 =	vld.idx.msk [tilespmem:v8+s3+$0x0], $0xffff;
	v6 =	vand.u32 $0x3FE0, v6;
	v7 =	vand.u32 $0xC00, v7  }
0xac: {  	v6 =	vor.u32 v3, v6;
	v7 =	vor.u32 v7, v10  }
0xad: {  	v7 =	vor.u32 v2, v7;
	_ =	sdelay $0x2  }
0xae: {  	v10 =	vadd.s32 s24, v3  }
0xaf: {  	[tilespmem:v6+s12+$0x0] =	vst.idx.msk $0xffff, v8;
	v6 =	vshll.u32 v9, $0x5;
	v8 =	vshll.u32 v10, $0x3  }
0xb0: {  	v9 =	vand.u32 $0x7F, v10;
	v7 =	vld.idx.msk [tilespmem:v7+s3+$0x0], $0xffff;
	v6 =	vand.u32 $0x3FE0, v6;
	v8 =	vand.u32 $0xC00, v8  }
0xb1: {  	v6 =	vor.u32 v1, v6;
	v8 =	vor.u32 v8, v9  }
0xb2: {  	v8 =	vor.u32 v4, v8;
	_ =	sdelay $0x1  }
0xb3: {  	s24 =	sadd.s32 $0x3, s22;
	s22 =	smov.u32 s23  }
0xb4: {  	v9 =	vadd.s32 s24, v1  }
0xb5: {  	[tilespmem:v6+s12+$0x0] =	vst.idx.msk $0xffff, v7;
	v6 =	vshll.u32 v10, $0x5;
	v7 =	vshll.u32 v9, $0x3  }
0xb6: {  	v10 =	vand.u32 $0x7F, v9;
	v8 =	vld.idx.msk [tilespmem:v8+s3+$0x0], $0xffff;
	v6 =	vand.u32 $0x3FE0, v6;
	v7 =	vand.u32 $0xC00, v7  }
0xb7: {  	v11 =	vor.u32 v3, v6;
	v6 =	vor.u32 v7, v10  }
0xb8: {  	v7 =	vor.u32 v2, v6;
	_ =	sdelay $0x2  }
0xb9: {  	v6 =	vadd.s32 s24, v3  }
0xba: {  	v9 =	vshll.u32 v9, $0x5;
	v10 =	vshll.u32 v6, $0x3;
	[tilespmem:v11+s12+$0x0] =	vst.idx.msk $0xffff, v8  }
0xbb: {  	v11 =	vand.u32 $0xC00, v10;
	v8 =	vld.idx.msk [tilespmem:v7+s3+$0x0], $0xffff;
	v7 =	vand.u32 $0x3FE0, v9;
	v9 =	vand.u32 $0x7F, v6  }
.Ltmp5:
0xbc: {  	v10 =	vor.u32 v1, v7;
	v7 =	vor.u32 v11, v9;
	(pc) =	sbr.rel @p2 .LBB2_5-.Ltmp5, $2  }
0xbd: {  	v9 =	vor.u32 v4, v7;
	_ =	sdelay $0x2  }
0xbe: {  	s23 =	sadd.s32 $0x4, s23;
	v7 =	vadd.s32 s22, v1  }
0xbf: {  	_ =	sdelay $0x2  }
0xc0: {  	v11 =	vshll.u32 v7, $0x3;
	v6 =	vshll.u32 v6, $0x5  }
0xc1: {  	[tilespmem:v10+s12+$0x0] =	vst.idx.msk $0xffff, v8;
	v37 =	vand.u32 $0x7F, v7;
	v38 =	vand.u32 $0xC00, v11;
	v6 =	vand.u32 $0x3FE0, v6  }
0xc2: {  	v9 =	vld.idx.msk [tilespmem:v9+s3+$0x0], $0xffff;
	v8 =	vor.u32 v38, v37;
	v6 =	vor.u32 v3, v6  }
0xc3: {  	v8 =	vor.u32 v2, v8;
	_ =	sdelay $0x1  }
0xc4: {  	v39 =	vadd.s32 s22, v3  }
0xc5: {  	v7 =	vshll.u32 v7, $0x5;
	v40 =	vshll.u32 v39, $0x3  }
0xc6: {  	v41 =	vand.u32 $0xC00, v40;
	[tilespmem:v6+s12+$0x0] =	vst.idx.msk $0xffff, v9;
	v6 =	vand.u32 $0x3F80, v7;
	v7 =	vand.u32 $0x7F, v39  }
0xc7: {  	v8 =	vld.idx.msk [tilespmem:v8+s3+$0x0], $0xffff;
	v6 =	vor.u32 v0, v6;
	v7 =	vor.u32 v41, v7  }
0xc8: {  	v7 =	vor.u32 v4, v7  }
0xc9: {  	s23 =	sadd.s32 $0x1, s22  }
0xca: {  	v42 =	vadd.s32 s23, v1  }
0xcb: {  	v10 =	vshll.u32 v39, $0x5;
	v43 =	vshll.u32 v42, $0x3  }
0xcc: {  	v44 =	vand.u32 $0x7F, v42;
	v45 =	vand.u32 $0xC00, v43;
	[tilespmem:v6+s12+$0x0] =	vst.idx.msk $0xffff, v8;
	v6 =	vand.u32 $0x3F80, v10  }
0xcd: {  	v8 =	vor.u32 v45, v44;
	v7 =	vld.idx.msk [tilespmem:v7+s3+$0x0], $0xffff;
	v6 =	vor.u32 v5, v6  }
0xce: {  	v8 =	vor.u32 v2, v8;
	_ =	sdelay $0x1  }
0xcf: {  	v46 =	vadd.s32 s23, v3  }
0xd0: {  	v47 =	vshll.u32 v46, $0x3;
	v9 =	vshll.u32 v42, $0x5  }
0xd1: {  	v48 =	vand.u32 $0xC00, v47;
	[tilespmem:v6+s12+$0x0] =	vst.idx.msk $0xffff, v7;
	v6 =	vand.u32 $0x3FE0, v9;
	v7 =	vand.u32 $0x7F, v46  }
0xd2: {  	v8 =	vld.idx.msk [tilespmem:v8+s3+$0x0], $0xffff;
	v6 =	vor.u32 v1, v6;
	v7 =	vor.u32 v48, v7  }
0xd3: {  	v7 =	vor.u32 v4, v7  }
0xd4: {  	s29 =	sadd.s32 $0x2, s22  }
0xd5: {  	v49 =	vadd.s32 s29, v1  }
0xd6: {  	v50 =	vshll.u32 v49, $0x3;
	v10 =	vshll.u32 v46, $0x5  }
0xd7: {  	v51 =	vand.u32 $0x7F, v49;
	v52 =	vand.u32 $0xC00, v50;
	[tilespmem:v6+s12+$0x0] =	vst.idx.msk $0xffff, v8;
	v6 =	vand.u32 $0x3FE0, v10  }
0xd8: {  	v8 =	vor.u32 v52, v51;
	v7 =	vld.idx.msk [tilespmem:v7+s3+$0x0], $0xffff;
	v6 =	vor.u32 v3, v6  }
0xd9: {  	v8 =	vor.u32 v2, v8;
	_ =	sdelay $0x1  }
0xda: {  	v53 =	vadd.s32 s29, v3  }
0xdb: {  	v54 =	vshll.u32 v53, $0x3;
	v9 =	vshll.u32 v49, $0x5  }
0xdc: {  	v55 =	vand.u32 $0xC00, v54;
	[tilespmem:v6+s12+$0x0] =	vst.idx.msk $0xffff, v7;
	v6 =	vand.u32 $0x3FE0, v9;
	v7 =	vand.u32 $0x7F, v53  }
0xdd: {  	v8 =	vld.idx.msk [tilespmem:v8+s3+$0x0], $0xffff;
	v6 =	vor.u32 v1, v6;
	v7 =	vor.u32 v55, v7  }
0xde: {  	v7 =	vor.u32 v4, v7  }
0xdf: {  	s30 =	sadd.s32 $0x3, s22  }
0xe0: {  	v56 =	vadd.s32 s30, v1  }
0xe1: {  	v57 =	vshll.u32 v56, $0x3;
	v10 =	vshll.u32 v53, $0x5  }
0xe2: {  	v58 =	vand.u32 $0x7F, v56;
	v59 =	vand.u32 $0xC00, v57;
	[tilespmem:v6+s12+$0x0] =	vst.idx.msk $0xffff, v8;
	v6 =	vand.u32 $0x3FE0, v10  }
0xe3: {  	v8 =	vor.u32 v59, v58;
	v7 =	vld.idx.msk [tilespmem:v7+s3+$0x0], $0xffff;
	v6 =	vor.u32 v3, v6  }
0xe4: {  	v8 =	vor.u32 v2, v8;
	_ =	sdelay $0x1  }
0xe5: {  	v60 =	vadd.s32 s30, v3  }
0xe6: {  	v61 =	vshll.u32 v60, $0x3;
	v9 =	vshll.u32 v56, $0x5  }
0xe7: {  	v62 =	vand.u32 $0xC00, v61;
	[tilespmem:v6+s12+$0x0] =	vst.idx.msk $0xffff, v7;
	v6 =	vand.u32 $0x3FE0, v9;
	v7 =	vand.u32 $0x7F, v60  }
0xe8: {  	v8 =	vld.idx.msk [tilespmem:v8+s3+$0x0], $0xffff;
	v6 =	vor.u32 v1, v6;
	v7 =	vor.u32 v62, v7  }
0xe9: {  	v7 =	vor.u32 v4, v7;
	_ =	sdelay $0x2  }
0xea: {  	v63 =	vshll.u32 v60, $0x5  }
0xeb: {  	[tilespmem:v6+s12+$0x0] =	vst.idx.msk $0xffff, v8;
	v6 =	vand.u32 $0x3FE0, v63  }
0xec: {  	v7 =	vld.idx.msk [tilespmem:v7+s3+$0x0], $0xffff;
	v6 =	vor.u32 v3, v6;
	_ =	sdelay $0x1  }
.Ltmp6:
0xed: {  	_ = 	snop;
	(pc) =	sbr.rel .LBB2_7-.Ltmp6, $4  }
0xee: {  	_ = 	snop  }
0xef: {  	s31 =	sshll.u32 s19, $0x11  }
0xf0: {  	s22 =	sadd.s32 s31, s5;
	[tilespmem:v6+s12+$0x0] =	vst.idx.msk $0xffff, v7  }
0xf1: {  	[hbm4b:s22+s3] =	stream.linear.scatter [tilespmem:s12], [sflag:$0x3], $0x4000, $0x38;
	[tilespmem:$0x10000] =	vst v63  }
.LBB2_3:
0xf2: {  	s20 =	sor.u32 $0x1, s21  }
.LBB2_7:
0xf3: {  	p2 =	sge.u32 s20, s4  }
.Ltmp7:
0xf4: {  	_ = 	snop;
	(pc) =	sbr.rel @p2 .LBB2_11-.Ltmp7, $1  }
0xf5: {  	_ =	sdelay $0x3  }
0xf6: {  	s22 =	simm.s32 $0x0  }
0xf7: {  	s23 =	simm.s32 @!p1 $0x4;
	v6 =	vadd.s32 s22, v1  }
0xf8: {  	s21 =	sadd.s32 $0x2, s21;
	_ =	swait.ge @!p1 [sflag:s23], $0x4000;
	v7 =	vshll.u32 v6, $0x3  }
0xf9: {  	p2 =	sge.u32 s21, s4;
	[sflag:s23] =	ssyncset.done @!p1 $0x0;
	v8 =	vand.u32 $0x7F, v6;
	v7 =	vand.u32 $0xC00, v7  }
0xfa: {  	s21 =	sshll.u32 @!p2 s21, $0xE;
	s24 =	simm.s32 @!p2 $0x7A1400;
	s25 =	simm.s32 @!p2 $0x0;
	v7 =	vor.u32 v7, v8  }
0xfb: {  	[sflag:s23] =	ssyncadd.s32 @!p1 $0xFFFFC000;
	s21 =	sadd.s32 @!p2 s21, s7;
	s23 =	simm.s32 @!p2 $0x1000;
	v7 =	vor.u32 v2, v7  }
0xfc: {  	[tilespmem:s25], [sflag:$0x1] =	stream.strided.gather @!p2 [hbm4b:s21+s23], $0x4000, s24, s23, $0x38;
	[tilespmem:$0x10000] =	vst v63  }
0xfd: {  	v8 =	vadd.s32 s22, v3;
	_ =	swait.ge [sflag:s13], $0x4000  }
0xfe: {  	v6 =	vshll.u32 v6, $0x5;
	v9 =	vshll.u32 v8, $0x3;
	[sflag:s13] =	ssyncset.done $0x0  }
0xff: {  	v6 =	vand.u32 $0x3F80, v6;
	v10 =	vand.u32 $0x7F, v8;
	v9 =	vand.u32 $0xC00, v9;
	[sflag:s13] =	ssyncadd.s32 $0xFFFFC000  }
0x100: {  	v6 =	vor.u32 v0, v6;
	v9 =	vor.u32 v9, v10;
	v7 =	vld.idx.msk [tilespmem:v7+s14+$0x0], $0xffff  }
0x101: {  	v9 =	vor.u32 v4, v9  }
0x102: {  	s29 =	simm.s32 $0x1  }
0x103: {  	v10 =	vadd.s32 s29, v1  }
0x104: {  	v8 =	vshll.u32 v8, $0x5;
	v11 =	vshll.u32 v10, $0x3  }
0x105: {  	[tilespmem:v6+s15+$0x0] =	vst.idx.msk $0xffff, v7;
	v6 =	vand.u32 $0x3F80, v8;
	v7 =	vand.u32 $0x7F, v10;
	v8 =	vand.u32 $0xC00, v11  }
0x106: {  	v9 =	vld.idx.msk [tilespmem:v9+s14+$0x0], $0xffff;
	v6 =	vor.u32 v5, v6;
	v7 =	vor.u32 v8, v7  }
0x107: {  	v7 =	vor.u32 v2, v7;
	_ =	sdelay $0x1  }
0x108: {  	v8 =	vadd.s32 s29, v3  }
0x109: {  	v10 =	vshll.u32 v10, $0x5;
	v11 =	vshll.u32 v8, $0x3  }
0x10a: {  	[tilespmem:v6+s15+$0x0] =	vst.idx.msk $0xffff, v9;
	v6 =	vand.u32 $0x3FE0, v10;
	v9 =	vand.u32 $0x7F, v8;
	v10 =	vand.u32 $0xC00, v11  }
0x10b: {  	v7 =	vld.idx.msk [tilespmem:v7+s14+$0x0], $0xffff;
	v6 =	vor.u32 v1, v6;
	v9 =	vor.u32 v10, v9  }
0x10c: {  	v9 =	vor.u32 v4, v9  }
0x10d: {  	s30 =	simm.s32 $0x2  }
0x10e: {  	v10 =	vadd.s32 s30, v1  }
0x10f: {  	v8 =	vshll.u32 v8, $0x5;
	v11 =	vshll.u32 v10, $0x3  }
0x110: {  	[tilespmem:v6+s15+$0x0] =	vst.idx.msk $0xffff, v7;
	v6 =	vand.u32 $0x3FE0, v8;
	v7 =	vand.u32 $0x7F, v10;
	v8 =	vand.u32 $0xC00, v11  }
0x111: {  	v9 =	vld.idx.msk [tilespmem:v9+s14+$0x0], $0xffff;
	v6 =	vor.u32 v3, v6;
	v7 =	vor.u32 v8, v7  }
0x112: {  	v7 =	vor.u32 v2, v7;
	_ =	sdelay $0x1  }
0x113: {  	v8 =	vadd.s32 s30, v3  }
0x114: {  	v10 =	vshll.u32 v10, $0x5;
	v11 =	vshll.u32 v8, $0x3  }
0x115: {  	[tilespmem:v6+s15+$0x0] =	vst.idx.msk $0xffff, v9;
	v6 =	vand.u32 $0x3FE0, v10;
	v9 =	vand.u32 $0x7F, v8;
	v10 =	vand.u32 $0xC00, v11  }
0x116: {  	v7 =	vld.idx.msk [tilespmem:v7+s14+$0x0], $0xffff;
	v6 =	vor.u32 v1, v6;
	v9 =	vor.u32 v10, v9  }
0x117: {  	v9 =	vor.u32 v4, v9  }
0x118: {  	s31 =	simm.s32 $0x3  }
0x119: {  	v10 =	vadd.s32 s31, v1  }
0x11a: {  	v8 =	vshll.u32 v8, $0x5;
	v11 =	vshll.u32 v10, $0x3  }
0x11b: {  	[tilespmem:v6+s15+$0x0] =	vst.idx.msk $0xffff, v7;
	v6 =	vand.u32 $0x3FE0, v8;
	v7 =	vand.u32 $0x7F, v10;
	v8 =	vand.u32 $0xC00, v11  }
0x11c: {  	v9 =	vld.idx.msk [tilespmem:v9+s14+$0x0], $0xffff;
	v11 =	vor.u32 v3, v6;
	v6 =	vor.u32 v8, v7  }
0x11d: {  	v7 =	vor.u32 v2, v6;
	_ =	sdelay $0x1  }
0x11e: {  	v6 =	vadd.s32 s31, v3  }
0x11f: {  	v10 =	vshll.u32 v10, $0x5;
	v8 =	vshll.u32 v6, $0x3  }
0x120: {  	v12 =	vand.u32 $0x7F, v6;
	v8 =	vand.u32 $0xC00, v8;
	[tilespmem:v11+s15+$0x0] =	vst.idx.msk $0xffff, v9;
	v9 =	vand.u32 $0x3FE0, v10  }
0x121: {  	v11 =	vor.u32 v8, v12;
	v8 =	vld.idx.msk [tilespmem:v7+s14+$0x0], $0xffff;
	v10 =	vor.u32 v1, v9  }
0x122: {  	v9 =	vor.u32 v4, v11;
	_ =	sdelay $0x1  }
0x123: {  	s21 =	simm.s32 $0x4  }
0x124: {  	s22 =	simm.s32 $0x8;
	v7 =	vadd.s32 s21, v1  }
.LBB2_9:
0x125: {  	p1 =	sne.s32 s22, $0x1FC;
	v11 =	vshll.u32 v7, $0x3;
	[tilespmem:v10+s15+$0x0] =	vst.idx.msk $0xffff, v8;
	v6 =	vshll.u32 v6, $0x5  }
0x126: {  	v8 =	vand.u32 $0x7F, v7;
	v10 =	vand.u32 $0xC00, v11;
	v9 =	vld.idx.msk [tilespmem:v9+s14+$0x0], $0xffff;
	v6 =	vand.u32 $0x3FE0, v6  }
0x127: {  	v8 =	vor.u32 v10, v8;
	v6 =	vor.u32 v3, v6  }
0x128: {  	v8 =	vor.u32 v2, v8;
	_ =	sdelay $0x2  }
0x129: {  	v10 =	vadd.s32 s21, v3  }
0x12a: {  	v7 =	vshll.u32 v7, $0x5;
	v11 =	vshll.u32 v10, $0x3;
	[tilespmem:v6+s15+$0x0] =	vst.idx.msk $0xffff, v9  }
0x12b: {  	v7 =	vand.u32 $0x3F80, v7;
	v9 =	vand.u32 $0xC00, v11;
	v6 =	vld.idx.msk [tilespmem:v8+s14+$0x0], $0xffff;
	v8 =	vand.u32 $0x7F, v10  }
0x12c: {  	v7 =	vor.u32 v0, v7;
	v8 =	vor.u32 v9, v8  }
0x12d: {  	v8 =	vor.u32 v4, v8;
	_ =	sdelay $0x1  }
0x12e: {  	s23 =	sadd.s32 $0x1, s21  }
0x12f: {  	v9 =	vadd.s32 s23, v1  }
0x130: {  	[tilespmem:v7+s15+$0x0] =	vst.idx.msk $0xffff, v6;
	v6 =	vshll.u32 v10, $0x5;
	v7 =	vshll.u32 v9, $0x3  }
0x131: {  	v10 =	vand.u32 $0x7F, v9;
	v8 =	vld.idx.msk [tilespmem:v8+s14+$0x0], $0xffff;
	v6 =	vand.u32 $0x3F80, v6;
	v7 =	vand.u32 $0xC00, v7  }
0x132: {  	v6 =	vor.u32 v5, v6;
	v7 =	vor.u32 v7, v10  }
0x133: {  	v7 =	vor.u32 v2, v7;
	_ =	sdelay $0x2  }
0x134: {  	v10 =	vadd.s32 s23, v3  }
0x135: {  	[tilespmem:v6+s15+$0x0] =	vst.idx.msk $0xffff, v8;
	v6 =	vshll.u32 v9, $0x5;
	v8 =	vshll.u32 v10, $0x3  }
0x136: {  	v9 =	vand.u32 $0x7F, v10;
	v7 =	vld.idx.msk [tilespmem:v7+s14+$0x0], $0xffff;
	v6 =	vand.u32 $0x3FE0, v6;
	v8 =	vand.u32 $0xC00, v8  }
0x137: {  	v6 =	vor.u32 v1, v6;
	v8 =	vor.u32 v8, v9  }
0x138: {  	v8 =	vor.u32 v4, v8;
	_ =	sdelay $0x1  }
0x139: {  	s23 =	sadd.s32 $0x2, s21  }
0x13a: {  	v9 =	vadd.s32 s23, v1  }
0x13b: {  	[tilespmem:v6+s15+$0x0] =	vst.idx.msk $0xffff, v7;
	v6 =	vshll.u32 v10, $0x5;
	v7 =	vshll.u32 v9, $0x3  }
0x13c: {  	v10 =	vand.u32 $0x7F, v9;
	v8 =	vld.idx.msk [tilespmem:v8+s14+$0x0], $0xffff;
	v6 =	vand.u32 $0x3FE0, v6;
	v7 =	vand.u32 $0xC00, v7  }
0x13d: {  	v6 =	vor.u32 v3, v6;
	v7 =	vor.u32 v7, v10  }
0x13e: {  	v7 =	vor.u32 v2, v7;
	_ =	sdelay $0x2  }
0x13f: {  	v10 =	vadd.s32 s23, v3  }
0x140: {  	[tilespmem:v6+s15+$0x0] =	vst.idx.msk $0xffff, v8;
	v6 =	vshll.u32 v9, $0x5;
	v8 =	vshll.u32 v10, $0x3  }
0x141: {  	v9 =	vand.u32 $0x7F, v10;
	v7 =	vld.idx.msk [tilespmem:v7+s14+$0x0], $0xffff;
	v6 =	vand.u32 $0x3FE0, v6;
	v8 =	vand.u32 $0xC00, v8  }
0x142: {  	v6 =	vor.u32 v1, v6;
	v8 =	vor.u32 v8, v9  }
0x143: {  	v8 =	vor.u32 v4, v8;
	_ =	sdelay $0x1  }
0x144: {  	s23 =	sadd.s32 $0x3, s21;
	s21 =	smov.u32 s22  }
0x145: {  	v9 =	vadd.s32 s23, v1  }
0x146: {  	[tilespmem:v6+s15+$0x0] =	vst.idx.msk $0xffff, v7;
	v6 =	vshll.u32 v10, $0x5;
	v7 =	vshll.u32 v9, $0x3  }
0x147: {  	v10 =	vand.u32 $0x7F, v9;
	v8 =	vld.idx.msk [tilespmem:v8+s14+$0x0], $0xffff;
	v6 =	vand.u32 $0x3FE0, v6;
	v7 =	vand.u32 $0xC00, v7  }
0x148: {  	v11 =	vor.u32 v3, v6;
	v6 =	vor.u32 v7, v10  }
0x149: {  	v7 =	vor.u32 v2, v6;
	_ =	sdelay $0x2  }
0x14a: {  	v6 =	vadd.s32 s23, v3  }
0x14b: {  	v9 =	vshll.u32 v9, $0x5;
	v10 =	vshll.u32 v6, $0x3;
	[tilespmem:v11+s15+$0x0] =	vst.idx.msk $0xffff, v8  }
0x14c: {  	v11 =	vand.u32 $0xC00, v10;
	v8 =	vld.idx.msk [tilespmem:v7+s14+$0x0], $0xffff;
	v7 =	vand.u32 $0x3FE0, v9;
	v9 =	vand.u32 $0x7F, v6  }
.Ltmp8:
0x14d: {  	v10 =	vor.u32 v1, v7;
	v7 =	vor.u32 v11, v9;
	(pc) =	sbr.rel @p1 .LBB2_9-.Ltmp8, $2  }
0x14e: {  	v9 =	vor.u32 v4, v7;
	_ =	sdelay $0x2  }
0x14f: {  	s22 =	sadd.s32 $0x4, s22;
	v7 =	vadd.s32 s21, v1  }
.Ltmp9:
0x150: {  	_ = 	snop;
	(pc) =	sbr.rel .LBB2_10-.Ltmp9, $1  }
0x151: {  	_ =	sdelay $0x3  }
.LBB2_13:
0x152: {  	_ =	sfence.sel $0x180000  }
0x153: {  	[bflag:$0x0] =	sbarrier.arrive $0xFFFF  }
0x154: {  	p0 =	sne.s32 s1, $0x0;
	_ =	strace $0x90000047  }
0x155: {  	s0 =	sadd.s32 @!p0 $0x100000, s2;
	[bflag:$0x2] =	sbarrier.arrive $0xFFFF  }
0x156: {  	[sflag:s0] =	ssyncadd.tile.s32 @!p0 $0x1;
	_ =	shalt  }
.Lfunc_end2:
_tile_overlayer_lowered:
.L_overlay_start_2:
0x157: {  	(tag) =	ssettag $0x2  }
0x158: {  	s0 =	rddreg [dreg:$0x0];
	s2 =	stileid.u32  }
0x159: {  	s1 =	rddreg [dreg:$0x1];
	p0 =	sne.s32 s2, $0x0  }
0x15a: {  	s3 =	rddreg [dreg:$0x2];
	[bflag:$0x3] =	sbarrier.arrive $0xFFFF;
	s2 =	simm.s32 @!p0 $0x1C05  }
0x15b: {  	[timem:s3], [sflag:s2] =	dma.local @!p0 [hbm:s0], s1  }
0x15c: {  	s0 =	simm.s32 @!p0 $0x5  }
0x15d: {  	_ =	swait.ge @!p0 [sflag:s0], s1  }
0x15e: {  	s1 =	ssub.s32 @!p0 $0x0, s1;
	[sflag:s0] =	ssyncset.done @!p0 $0x0  }
0x15f: {  	[sflag:s0] =	ssyncadd.s32 @!p0 s1  }
0x160: {  	[bflag:$0x3] =	sbarrier.arrive $0xFFFF  }
0x161: {  	_ =	shalt  }

// kernel: kernel.7.cloned.1.call-start
scs
__scs_entry_jumppad:
0x0: {  	(pc) =	sbr.rel $0x88, $3  }
0x1: {  	(tag) =	ssettag $0x0;
	lr =	simm.s32 $0x1  }
0x2: {  	[smem:$0x3F9F] =	sst lr;
	_ =	strace $0xD0000000  }
0x3: {  	_ = 	snop  }
0x4: {  	_ = 	snop  }
0x5: {  	_ = 	snop  }
0x6: {  	_ = 	snop  }
0x7: {  	_ = 	snop  }
__scs_overlays_trampoline_lowered:
0x8: {  	[smem:$0x3FAE] =	sst s0  }
0x9: {  	[smem:$0x3FAF] =	sst s1  }
0xa: {  	[smem:$0x3FB0] =	sst s2  }
0xb: {  	[smem:$0x3FB1] =	sst s3  }
0xc: {  	[smem:$0x3FB2] =	sst s4  }
0xd: {  	[smem:$0x3FB3] =	sst s5  }
0xe: {  	[smem:$0x3FB4] =	sst s6  }
0xf: {  	[smem:$0x3FB5] =	sst s7  }
0x10: {  	[smem:$0x3FB6] =	sst s8  }
0x11: {  	[smem:$0x3FB7] =	sst s9;
	s0 =	simm.s32 @!p0 $0x0  }
0x12: {  	s1 =	sld [smem:$0x3F9D];
	s0 =	simm.s32 @p0 $0x1  }
0x13: {  	[smem:$0x3FB8] =	sst s0;
	s0 =	simm.s32 @!p1 $0x0  }
0x14: {  	s2 =	sld [smem:$0x3F9C];
	s0 =	simm.s32 @p1 $0x1  }
0x15: {  	[smem:$0x3FB9] =	sst s0;
	s0 =	simm.s32 @!p2 $0x0  }
0x16: {  	s3 =	sld [smem:$0x3FDB];
	s0 =	simm.s32 @p2 $0x1  }
0x17: {  	s4 =	simm.s32 $0x1BF5;
	[smem:$0x3FBB] =	sst s0  }
0x18: {  	s0 =	sld [smem:$0x3F9E];
	_ =	swait.ge [sflag:s4], $0x0  }
0x19: {  	s7 =	sld [smem:$0x3F9F]  }
0x1a: {  	s8 =	sadd.s32 $0xFFFFE003, lr  }
0x1b: {  	s9 =	sadd.s32 $0xFFFFFEF7, lr;
	s5 =	simm.s32 $0xFFFFFFFF;
	p2 =	slt.u32 s8, $0xFFFFF086  }
0x1c: {  	p1 =	slt.u32 s9, $0xF7A;
	s5 =	simm.s32 @!p2 $0x0  }
0x1d: {  	s5 =	simm.s32 @p1 $0x1;
	p0 =	seq.s32 s7, s2  }
0x1e: {  	s7 =	smul.u32 @!p0 $0xF7A, s2;
	p2 =	seq.s32 @!p0 s5, $0x0  }
0x1f: {  	s9 =	smul.u32 $0xF7A, s1;
	s8 =	simm.s32 @!p0 $0x1BF5;
	p2 =	por !p2, p0  }
0x20: {  	[sflag:s8] =	ssyncset.s32 @!p0 $0xFFFFF086;
	s6 =	sadd.s32 @!p0 s3, s7;
	s7 =	simm.s32 @!p0 $0x108  }
0x21: {  	s3 =	sadd.s32 s3, s9;
	s6 =	sadd.s32 @!p0 $0x88, s6;
	s7 =	simm.s32 @p2 $0x1082  }
0x22: {  	[simem:s7], [sflag:s8] =	dma.local @!p0 [hbm:s6], $0xF7A  }
0x23: {  	s9 =	sor.u32 $0xD0000000, s2;
	s6 =	simm.s32 $0x108;
	_ =	swait.ge @!p0 [sflag:s8], $0x0  }
0x24: {  	s3 =	sadd.s32 $0x88, s3;
	s6 =	simm.s32 @!p1 $0x1082;
	[sflag:s4] =	ssyncset.s32 $0xFFFFF086  }
0x25: {  	[simem:s6], [sflag:s4] =	dma.local [hbm:s3], $0xF7A  }
0x26: {  	[smem:$0x3F9F] =	sst s1;
	(tag) =	ssettag s2;
	_ =	strace s9  }
0x27: {  	s1 =	sld [smem:$0x3FAF]  }
0x28: {  	s2 =	sld [smem:$0x3FB0]  }
0x29: {  	s4 =	sld [smem:$0x3FB2]  }
0x2a: {  	p0 =	seq.s32 s5, $0x0;
	s5 =	sld [smem:$0x3FB3]  }
0x2b: {  	s6 =	sld [smem:$0x3FB4]  }
0x2c: {  	s7 =	sld [smem:$0x3FB5]  }
0x2d: {  	s3 =	simm.s32 $0x108;
	s8 =	sld [smem:$0x3FB6]  }
0x2e: {  	s3 =	simm.s32 @!p0 $0x1082;
	s9 =	sld [smem:$0x3FB7]  }
0x2f: {  	lr =	sadd.s32 s0, s3;
	s0 =	sld [smem:$0x3FAE]  }
0x30: {  	s3 =	sld [smem:$0x3FB1]  }
0x31: {  	[smem:$0x3FBA] =	sst s10  }
0x32: {  	s10 =	sld [smem:$0x3FB8];
	_ =	sdelay $0x3  }
0x33: {  	p0 =	seq.s32 s10, $0x1;
	s10 =	sld [smem:$0x3FBA];
	_ =	sdelay $0x3  }
0x34: {  	[smem:$0x3FBA] =	sst s10  }
0x35: {  	s10 =	sld [smem:$0x3FB9];
	_ =	sdelay $0x3  }
0x36: {  	p1 =	seq.s32 s10, $0x1;
	s10 =	sld [smem:$0x3FBA];
	_ =	sdelay $0x3  }
0x37: {  	[smem:$0x3FBA] =	sst s10  }
0x38: {  	s10 =	sld [smem:$0x3FBB]  }
0x39: {  	_ = 	snop;
	(pc) =	sbr.ind lr, $3  }
0x3a: {  	_ = 	snop  }
0x3b: {  	_ = 	snop  }
0x3c: {  	p2 =	seq.s32 s10, $0x1;
	s10 =	sld [smem:$0x3FBA]  }
0x3d: {  	_ =	shalt  }
0x3e: {  	_ =	shalt  }
0x3f: {  	_ =	shalt  }
0x40: {  	_ =	shalt  }
0x41: {  	_ =	shalt  }
0x42: {  	_ =	shalt  }
0x43: {  	_ =	shalt  }
0x44: {  	_ =	shalt  }
0x45: {  	_ =	shalt  }
0x46: {  	_ =	shalt  }
0x47: {  	_ =	shalt  }
0x48: {  	_ =	shalt  }
0x49: {  	_ =	shalt  }
0x4a: {  	_ =	shalt  }
0x4b: {  	_ =	shalt  }
0x4c: {  	_ =	shalt  }
0x4d: {  	_ =	shalt  }
0x4e: {  	_ =	shalt  }
0x4f: {  	_ =	shalt  }
0x50: {  	_ =	shalt  }
0x51: {  	_ =	shalt  }
0x52: {  	_ =	shalt  }
0x53: {  	_ =	shalt  }
0x54: {  	_ =	shalt  }
0x55: {  	_ =	shalt  }
0x56: {  	_ =	shalt  }
0x57: {  	_ =	shalt  }
0x58: {  	_ =	shalt  }
0x59: {  	_ =	shalt  }
0x5a: {  	_ =	shalt  }
0x5b: {  	_ =	shalt  }
0x5c: {  	_ =	shalt  }
0x5d: {  	_ =	shalt  }
0x5e: {  	_ =	shalt  }
0x5f: {  	_ =	shalt  }
0x60: {  	_ =	shalt  }
0x61: {  	_ =	shalt  }
0x62: {  	_ =	shalt  }
0x63: {  	_ =	shalt  }
0x64: {  	_ =	shalt  }
0x65: {  	_ =	shalt  }
0x66: {  	_ =	shalt  }
0x67: {  	_ =	shalt  }
0x68: {  	_ =	shalt  }
0x69: {  	_ =	shalt  }
0x6a: {  	_ =	shalt  }
0x6b: {  	_ =	shalt  }
0x6c: {  	_ =	shalt  }
0x6d: {  	_ =	shalt  }
0x6e: {  	_ =	shalt  }
0x6f: {  	_ =	shalt  }
0x70: {  	_ =	shalt  }
0x71: {  	_ =	shalt  }
0x72: {  	_ =	shalt  }
0x73: {  	_ =	shalt  }
0x74: {  	_ =	shalt  }
0x75: {  	_ =	shalt  }
0x76: {  	_ =	shalt  }
0x77: {  	_ =	shalt  }
0x78: {  	_ =	shalt  }
0x79: {  	_ =	shalt  }
0x7a: {  	_ =	shalt  }
0x7b: {  	_ =	shalt  }
0x7c: {  	_ =	shalt  }
0x7d: {  	_ =	shalt  }
0x7e: {  	_ =	shalt  }
0x7f: {  	_ =	shalt  }
0x80: {  	_ =	shalt  }
0x81: {  	_ =	shalt  }
0x82: {  	_ =	shalt  }
0x83: {  	_ =	shalt  }
0x84: {  	_ =	shalt  }
0x85: {  	_ =	shalt  }
0x86: {  	_ =	shalt  }
0x87: {  	_ =	shalt  }
.Lfunc_end0:
.L_simem_size_0:
called_computation.1_lowered:
.L_overlay_start_0:
0x88: {  	s2 =	sld [smem:$0x3FD9]  }
0x89: {  	s3 =	sld [smem:$0x3FFE];
	_ =	sdelay $0x1  }
0x8a: {  	s1 =	srdreg.scid  }
0x8b: {  	s0 =	sand.u32 $0x1, s1  }
0x8c: {  	s17 =	sshll.u32 s0, $0xA;
	s2 =	sadd.s32 s3, s2  }
0x8d: {  	s2 =	sadd.s32 s2, s17  }
0x8e: {  	[smem:$0x3FC6] =	sst s2  }
0x8f: {  	_ = 	snop  }
0x90: {  	s2 =	sld [smem:$0x3FD0];
	(tm) =	ssettm $0x1  }
0x91: {  	s18 =	sld [smem:$0x3FFB];
	_ =	sdelay $0x3  }
0x92: {  	_ =	strace s18  }
0x93: {  	s3 =	sld [smem:$0x3FFC];
	_ =	sdelay $0x3  }
0x94: {  	_ =	strace s3  }
0x95: {  	s3 =	sld [smem:$0x3FFD];
	_ =	sdelay $0x3  }
0x96: {  	_ =	strace s3  }
0x97: {  	_ =	strace $0x8FFFFFFF  }
0x98: {  	s19 =	sld [smem:$0x3FDB];
	_ =	sdelay $0x1  }
0x99: {  	s4 =	simm.s32 $_scs_section_size  }
0x9a: {  	s5 =	simm.s32 $_size__tile_overlayer_lowered;
	s6 =	simm.s32 $_tile_overlayer_lowered  }
0x9b: {  	s22 =	simm.s32 $0x1BFF;
	s21 =	sshll.u32 s6, $0x1;
	s3 =	sadd.s32 s4, s19  }
0x9c: {  	s7 =	simm.s32 $0x0;
	s20 =	sshll.u32 s5, $0x1;
	s5 =	sadd.s32 s21, s3  }
0x9d: {  	[timem:s7], [sflag:s22] =	dma.local [hbm:s5], s20  }
0x9e: {  	_ =	swait.ge [sflag:s22], s20  }
0x9f: {  	s4 =	ssub.s32 $0x0, s20;
	[sflag:s22] =	ssyncset.done $0x0  }
0xa0: {  	[sflag:s22] =	ssyncadd.s32 s4;
	_ =	sdelay $0x1  }
0xa1: {  	s23 =	simm.s32 $0x1B8B  }
0xa2: {  	_ =	swait.ge [sflag:s23], $0x1  }
0xa3: {  	[sflag:s23] =	ssyncset.done $0x0  }
0xa4: {  	s25 =	simm.s32 $0x1B8E;
	s24 =	sld [smem:$0x3FFE];
	[sflag:s23] =	ssyncadd.s32 $0xFFFFFFFF  }
0xa5: {  	s26 =	simm.s32 $execute0_lowered;
	[smem:$0x3FD2] =	sst s25  }
0xa6: {  	s5 =	sshll.u32 s26, $0x1;
	_ =	strace $0x80000049;
	[dreg:$0x1] =	wrdreg $0xFFFFFFFF  }
0xa7: {  	s28 =	simm.s32 $_size_execute0_lowered;
	s3 =	sadd.s32 s3, s5;
	[dreg:$0x0] =	wrdreg $0x0  }
0xa8: {  	s5 =	sshll.u32 s28, $0x1;
	[dreg:$0x2] =	wrdreg s3  }
0xa9: {  	[dreg:$0x3] =	wrdreg s5  }
0xaa: {  	[dreg:$0x4] =	wrdreg $0xC0  }
0xab: {  	_ =	task [dreg:s7], $0x5FFFF  }
0xac: {  	[dreg:$0x1] =	wrdreg $0xFFFFFFFF  }
0xad: {  	[dreg:$0x0] =	wrdreg $0x60  }
0xae: {  	[dreg:$0x2] =	wrdreg s24  }
0xaf: {  	[dreg:$0x3] =	wrdreg s2  }
0xb0: {  	[dreg:$0x4] =	wrdreg $0x9  }
0xb1: {  	_ =	task.clear_ibuf [dreg:s7], $0x5FFFF;
	_ =	strace $0x90000049  }
0xb2: {  	s29 =	simm.s32 $0x9;
	_ =	strace $0x8000004B  }
0xb3: {  	_ =	swait.ge [sflag:s29], $0x1  }
0xb4: {  	[sflag:s29] =	ssyncadd.s32 $0xFFFFFFFF  }
0xb5: {  	_ =	strace $0x9000004B  }
0xb6: {  	_ =	sfence  }
0xb7: {  	s30 =	sld [smem:$0x0];
	_ =	sdelay $0x2  }
0xb8: {  	s31 =	sshll.u32 s1, $0xD;
	s1 =	sshrl.u32 s1, $0x2  }
0xb9: {  	s3 =	sand.u32 $0x4000, s31;
	s1 =	sadd.s32 s1, s30  }
0xba: {  	s0 =	sor.u32 s3, s0;
	s1 =	sshll.u32 s1, $0x11  }
0xbb: {  	s0 =	sor.u32 s1, s0  }
0xbc: {  	s0 =	sadd.s32 $0x8F2B, s0  }
0xbd: {  	[sflag:s0] =	ssyncadd.remote.s32 $0x1  }
0xbe: {  	_ =	sfence.sel $0xFFFF  }
0xbf: {  	[dreg:$0x0] =	wrdreg $0xFFFFFFFF;
	(pc) =	sbr.abs _section_cstart, $3  }
0xc0: {  	[dreg:$0x1] =	wrdreg $0xFFFFFFFF  }
0xc1: {  	_ =	task.clear_ibuf [dreg:s7], $0x2FFFF;
	_ =	strace $0x9FFFFFFF  }
0xc2: {  	(tm) =	ssettm $0x7FFFFFFF  }
0xc3: {  	_ =	shalt  }
tec
execute0_lowered:
.L_overlay_start_1:
0x0: {  	(tag) =	ssettag $0x1  }
0x1: {  	s0 =	rddreg [dreg:$0x0]  }
0x2: {  	s2 =	rddreg [dreg:$0x1]  }
0x3: {  	s1 =	srdreg.scid;
	s4 =	stileid.u32  }
0x4: {  	s3 =	simm.s32 $0x0;
	s17 =	simm.s32 $0x80;
	s28 =	simm.s32 $0x3  }
0x5: {  	s29 =	simm.s32 $0x8400;
	s30 =	simm.s32 $0x5;
	s31 =	simm.s32 $0x10400  }
0x6: {  	s16 =	simm.s32 $0xC400;
	s18 =	simm.s32 $0x6;
	s20 =	simm.s32 $0x11400  }
0x7: {  	s11 =	simm.s32 $0x8;
	s13 =	simm.s32 $0x0;
	s1 =	sand.u32 $0x1, s1  }
0x8: {  	s4 =	sshll.u32 s4, $0x1;
	[smem:$0x7FF] =	sst s3;
	s5 =	sadd.s32 $0x3DE600, s0  }
0x9: {  	s6 =	sadd.s32 $0x3D1600, s0;
	s8 =	sor.u32 s1, s4;
	s1 =	ssub.s32 $0x2, s1  }
0xa: {  	s7 =	sadd.s32 $0xC00, s0;
	s4 =	smul.u32 $0x3400, s8;
	s21 =	sshrl.u32 s1, $0x1  }
0xb: {  	_ =	strace $0x8000004A;
	s14 =	smul.u32 $0x68, s8;
	s0 =	ssub.s32 s1, s21  }
0xc: {  	s8 =	simm.s32 $0x9;
	s9 =	sshrl.u32 s4, $0x3;
	s0 =	smax.u32 s0, $0x1  }
0xd: {  	s22 =	sadd.s32 s5, s9;
	s23 =	sor.u32 $0x10, s9;
	[dreg:$0x9] =	wrdreg s0  }
0xe: {  	v0 =	vlaneseq.u32;
	s10 =	sadd.s32 s6, s9;
	s9 =	sor.u32 $0x20, s9;
	[dreg:$0x3] =	wrdreg s22  }
0xf: {  	v1 =	vmul.u32 $0x80, v0;
	v3 =	vor.u32 $0x10, v0;
	v5 =	vor.u32 $0x20, v0;
	s0 =	simm.s32 $0x20000;
	[dreg:$0x4] =	wrdreg s10;
	s24 =	sadd.s32 s5, s23  }
0x10: {  	v7 =	vor.u32 $0x30, v0;
	v9 =	vor.u32 $0x40, v0;
	v11 =	vor.u32 $0x50, v0;
	s1 =	sadd.s32 s6, s23;
	s25 =	sadd.s32 s5, s9;
	[dreg:$0x5] =	wrdreg s24  }
0x11: {  	v13 =	vor.u32 $0x60, v0;
	v15 =	vor.u32 $0x70, v0;
	v2 =	vor.u32 $0x800, v1;
	s26 =	sadd.s32 s6, s9;
	s22 =	simm.s32 $0x400;
	[dreg:$0x6] =	wrdreg s1  }
0x12: {  	v4 =	vor.u32 $0x1000, v1;
	v6 =	vor.u32 $0x1800, v1;
	v8 =	vor.u32 $0x2000, v1;
	s9 =	simm.s32 $0x7;
	s10 =	simm.s32 $0xA;
	[dreg:$0x7] =	wrdreg s25  }
0x13: {  	v10 =	vor.u32 $0x2800, v1;
	v12 =	vor.u32 $0x3000, v1;
	v14 =	vor.u32 $0x3800, v1;
	[dreg:$0x8] =	wrdreg s26;
	s24 =	simm.s32 $0x4400;
	s1 =	simm.s32 $0x4  }
.LBB2_1:
0x14: {  	[dreg:$0xa] =	wrdreg s13  }
0x15: {  	s12 =	rddreg [dreg:$0x3]  }
0x16: {  	[tilespmem:s3], [sflag:$0x1] =	stream.linear.gather [hbm4b:s12+s3], $0x80, $0x38;
	[tilespmem:$0x12400] =	vst v63  }
0x17: {  	s19 =	rddreg [dreg:$0x4];
	s21 =	simm.s32 $0x200  }
0x18: {  	[tilespmem:s21], [sflag:$0x1] =	stream.linear.gather [hbm4b:s19+s3], $0x80, $0x38;
	[tilespmem:$0x12400] =	vst v63  }
0x19: {  	s23 =	rddreg [dreg:$0x5]  }
0x1a: {  	[tilespmem:s17], [sflag:$0x2] =	stream.linear.gather [hbm4b:s23+s3], $0x80, $0x38;
	[tilespmem:$0x12400] =	vst v63  }
0x1b: {  	s25 =	rddreg [dreg:$0x6];
	s26 =	simm.s32 $0x280  }
0x1c: {  	[tilespmem:s26], [sflag:$0x2] =	stream.linear.gather [hbm4b:s25+s3], $0x80, $0x38;
	[tilespmem:$0x12400] =	vst v63  }
0x1d: {  	s15 =	rddreg [dreg:$0x7];
	s19 =	simm.s32 $0x100  }
0x1e: {  	[tilespmem:s19], [sflag:$0x3] =	stream.linear.gather [hbm4b:s15+s3], $0x80, $0x38;
	[tilespmem:$0x12400] =	vst v63  }
0x1f: {  	s21 =	rddreg [dreg:$0x8];
	s23 =	simm.s32 $0x300;
	s25 =	simm.s32 $0x1  }
0x20: {  	[tilespmem:s23], [sflag:$0x3] =	stream.linear.gather [hbm4b:s21+s3], $0x80, $0x38;
	[tilespmem:$0x12400] =	vst v63  }
0x21: {  	_ =	swait.ge [sflag:s25], $0x80  }
0x22: {  	[sflag:s25] =	ssyncset.done $0x0  }
0x23: {  	[sflag:s25] =	ssyncadd.s32 $0xFFFFFF80  }
0x24: {  	_ =	swait.ge [sflag:s25], $0x80  }
0x25: {  	[sflag:s25] =	ssyncset.done $0x0  }
0x26: {  	s26 =	simm.s32 $0x2;
	[sflag:s25] =	ssyncadd.s32 $0xFFFFFF80  }
0x27: {  	[tilespmem:s22], [sflag:$0x5] =	stream.indirect.gather [hbm4b:s7+s17], $0x80, s3, s17, $0xb8;
	[tilespmem:$0x12400] =	vst v63  }
0x28: {  	_ =	swait.ge [sflag:s26], $0x80  }
0x29: {  	[sflag:s26] =	ssyncset.done $0x0  }
0x2a: {  	[sflag:s26] =	ssyncadd.s32 $0xFFFFFF80  }
0x2b: {  	_ =	swait.ge [sflag:s26], $0x80  }
0x2c: {  	[sflag:s26] =	ssyncset.done $0x0  }
0x2d: {  	s13 =	simm.s32 $0x0;
	[sflag:s26] =	ssyncadd.s32 $0xFFFFFF80  }
0x2e: {  	[tilespmem:s24], [sflag:$0x6] =	stream.indirect.gather [hbm4b:s7+s17], $0x80, s17, s17, $0xb8;
	[tilespmem:$0x12400] =	vst v63  }
.LBB2_2:
0x2f: {  	s15 =	sshllo.u32 s13, $0x2;
	s21 =	sshll.u32 s13, $0x9  }
0x30: {  	s12 =	sand.u32 $0x3C00, s21;
	s23 =	sshll.u32 s15, $0x7  }
0x31: {  	s12 =	sadd.s32 s4, s12;
	s23 =	sand.u32 $0x380, s23  }
0x32: {  	s12 =	sor.u32 s12, s23  }
0x33: {  	s12 =	sshrl.u32 s12, $0x3  }
0x34: {  	s19 =	simm.s32 $0x180;
	s26 =	sadd.s32 s5, s12  }
0x35: {  	[tilespmem:s19], [sflag:$0x4] =	stream.linear.gather [hbm4b:s26+s3], $0x80, $0x38;
	[tilespmem:$0x12400] =	vst v63  }
0x36: {  	s23 =	simm.s32 $0x380;
	s12 =	sadd.s32 s6, s12  }
0x37: {  	[tilespmem:s23], [sflag:$0x4] =	stream.linear.gather [hbm4b:s12+s3], $0x80, $0x38;
	[tilespmem:$0x12400] =	vst v63  }
0x38: {  	_ =	swait.ge [sflag:s28], $0x80  }
0x39: {  	[sflag:s28] =	ssyncset.done $0x0  }
0x3a: {  	[sflag:s28] =	ssyncadd.s32 $0xFFFFFF80  }
0x3b: {  	_ =	swait.ge [sflag:s28], $0x80  }
0x3c: {  	p1 =	seq.s32 s13, $0x0;
	[sflag:s28] =	ssyncset.done $0x0  }
0x3d: {  	s25 =	simm.s32 $0x100;
	s12 =	simm.s32 @!p1 $0x9;
	[sflag:s28] =	ssyncadd.s32 $0xFFFFFF80  }
0x3e: {  	[tilespmem:s29], [sflag:$0x7] =	stream.indirect.gather [hbm4b:s7+s17], $0x80, s25, s17, $0xb8;
	[tilespmem:$0x12400] =	vst v63  }
0x3f: {  	_ =	swait.ge @!p1 [sflag:s12], $0x1000  }
0x40: {  	[sflag:s12] =	ssyncset.done @!p1 $0x0  }
0x41: {  	[sflag:s12] =	ssyncadd.s32 @!p1 $0xFFFFF000  }
0x42: {  	_ =	swait.ge [sflag:s30], $0x4000  }
0x43: {  	[sflag:s30] =	ssyncset.done $0x0  }
0x44: {  	[sflag:s30] =	ssyncadd.s32 $0xFFFFC000  }
0x45: {  	v23 =	vld [tilespmem:$0x200];
	_ =	sdelay $0x1  }
0x46: {  	s26 =	simm.s32 $0x0  }
0x47: {  	v16 =	vadd.s32 s26, v0  }
0x48: {  	v25 =	vand.u32 $0x1F, v16  }
0x49: {  	v16 =	vadd.s32 v23, v25  }
0x4a: {  	v22 =	vld [tilespmem:$0x210];
	v16 =	vadd.s32 v1, v16;
	_ =	sdelay $0x3  }
0x4b: {  	v24 =	vshll.u32 v25, $0x7;
	v21 =	vld [tilespmem:$0x220]  }
0x4c: {  	v27 =	vor.u32 v0, v24;
	v26 =	vld.idx.msk [tilespmem:v16+s22+$0x0], $0xffff;
	v16 =	vadd.s32 v22, v25  }
0x4d: {  	v19 =	vld [tilespmem:$0x230];
	v28 =	vadd.s32 v2, v16  }
0x4e: {  	v20 =	vld [tilespmem:$0x240]  }
0x4f: {  	v18 =	vld [tilespmem:$0x250]  }
0x50: {  	v17 =	vld [tilespmem:$0x260]  }
0x51: {  	v16 =	vld [tilespmem:$0x270];
	[tilespmem:v27+s31+$0x0] =	vst.idx.msk $0xffff, v26  }
0x52: {  	v58 =	vadd.s32 v21, v25;
	v27 =	vor.u32 v3, v24;
	v26 =	vld.idx.msk [tilespmem:v28+s22+$0x0], $0xffff  }
0x53: {  	v28 =	vadd.s32 v4, v58;
	_ =	sdelay $0x3  }
0x54: {  	[tilespmem:v27+s31+$0x0] =	vst.idx.msk $0xffff, v26  }
0x55: {  	v59 =	vadd.s32 v19, v25;
	v27 =	vor.u32 v5, v24;
	v26 =	vld.idx.msk [tilespmem:v28+s22+$0x0], $0xffff  }
0x56: {  	v28 =	vadd.s32 v6, v59;
	_ =	sdelay $0x3  }
0x57: {  	[tilespmem:v27+s31+$0x0] =	vst.idx.msk $0xffff, v26  }
0x58: {  	v60 =	vadd.s32 v20, v25;
	v27 =	vor.u32 v7, v24;
	v26 =	vld.idx.msk [tilespmem:v28+s22+$0x0], $0xffff  }
0x59: {  	v28 =	vadd.s32 v8, v60;
	_ =	sdelay $0x3  }
0x5a: {  	[tilespmem:v27+s31+$0x0] =	vst.idx.msk $0xffff, v26  }
0x5b: {  	v61 =	vadd.s32 v18, v25;
	v27 =	vor.u32 v9, v24;
	v26 =	vld.idx.msk [tilespmem:v28+s22+$0x0], $0xffff  }
0x5c: {  	v28 =	vadd.s32 v10, v61;
	_ =	sdelay $0x3  }
0x5d: {  	[tilespmem:v27+s31+$0x0] =	vst.idx.msk $0xffff, v26  }
0x5e: {  	v62 =	vadd.s32 v17, v25;
	v27 =	vor.u32 v11, v24;
	v26 =	vld.idx.msk [tilespmem:v28+s22+$0x0], $0xffff  }
0x5f: {  	v28 =	vadd.s32 v12, v62;
	_ =	sdelay $0x3  }
0x60: {  	[tilespmem:v27+s31+$0x0] =	vst.idx.msk $0xffff, v26  }
0x61: {  	v63 =	vor.u32 v13, v24;
	v25 =	vadd.s32 v16, v25;
	v27 =	vld.idx.msk [tilespmem:v28+s22+$0x0], $0xffff  }
0x62: {  	v25 =	vadd.s32 v14, v25;
	_ =	sdelay $0x2  }
0x63: {  	s26 =	simm.s32 $0x1;
	s12 =	sshll.u32 s13, $0x2  }
0x64: {  	s23 =	sor.u32 $0x2, s12;
	v26 =	vadd.s32 s26, v0;
	s26 =	simm.s32 $0x2;
	[tilespmem:v63+s31+$0x0] =	vst.idx.msk $0xffff, v27  }
.LBB2_3:
0x65: {  	p0 =	sne.s32 s26, $0x1F;
	v26 =	vand.u32 $0x1F, v26;
	v25 =	vld.idx.msk [tilespmem:v25+s22+$0x0], $0xffff  }
0x66: {  	v24 =	vor.u32 v15, v24;
	v27 =	vadd.s32 v23, v26  }
0x67: {  	v27 =	vadd.s32 v1, v27;
	_ =	sdelay $0x3  }
0x68: {  	[tilespmem:v24+s31+$0x0] =	vst.idx.msk $0xffff, v25  }
0x69: {  	v24 =	vshll.u32 v26, $0x7;
	v25 =	vld.idx.msk [tilespmem:v27+s22+$0x0], $0xffff  }
0x6a: {  	v28 =	vadd.s32 v22, v26;
	v27 =	vor.u32 v0, v24  }
0x6b: {  	v28 =	vadd.s32 v2, v28;
	_ =	sdelay $0x3  }
0x6c: {  	[tilespmem:v27+s31+$0x0] =	vst.idx.msk $0xffff, v25  }
0x6d: {  	v25 =	vld.idx.msk [tilespmem:v28+s22+$0x0], $0xffff  }
0x6e: {  	v27 =	vor.u32 v3, v24;
	v28 =	vadd.s32 v21, v26  }
0x6f: {  	v28 =	vadd.s32 v4, v28;
	_ =	sdelay $0x3  }
0x70: {  	[tilespmem:v27+s31+$0x0] =	vst.idx.msk $0xffff, v25  }
0x71: {  	v25 =	vld.idx.msk [tilespmem:v28+s22+$0x0], $0xffff  }
0x72: {  	v27 =	vor.u32 v5, v24;
	v28 =	vadd.s32 v19, v26  }
0x73: {  	v28 =	vadd.s32 v6, v28;
	_ =	sdelay $0x3  }
0x74: {  	[tilespmem:v27+s31+$0x0] =	vst.idx.msk $0xffff, v25  }
0x75: {  	v25 =	vld.idx.msk [tilespmem:v28+s22+$0x0], $0xffff  }
0x76: {  	v27 =	vor.u32 v7, v24;
	v28 =	vadd.s32 v20, v26  }
0x77: {  	v28 =	vadd.s32 v8, v28;
	_ =	sdelay $0x3  }
0x78: {  	[tilespmem:v27+s31+$0x0] =	vst.idx.msk $0xffff, v25  }
0x79: {  	v25 =	vld.idx.msk [tilespmem:v28+s22+$0x0], $0xffff  }
0x7a: {  	v27 =	vor.u32 v9, v24;
	v28 =	vadd.s32 v18, v26  }
0x7b: {  	v28 =	vadd.s32 v10, v28;
	_ =	sdelay $0x3  }
0x7c: {  	[tilespmem:v27+s31+$0x0] =	vst.idx.msk $0xffff, v25  }
0x7d: {  	v25 =	vld.idx.msk [tilespmem:v28+s22+$0x0], $0xffff  }
0x7e: {  	v27 =	vor.u32 v11, v24;
	v28 =	vadd.s32 v17, v26  }
0x7f: {  	v28 =	vadd.s32 v12, v28;
	_ =	sdelay $0x3  }
0x80: {  	[tilespmem:v27+s31+$0x0] =	vst.idx.msk $0xffff, v25  }
0x81: {  	v27 =	vld.idx.msk [tilespmem:v28+s22+$0x0], $0xffff  }
0x82: {  	v25 =	vadd.s32 v16, v26;
	v28 =	vor.u32 v13, v24  }
.Ltmp0:
0x83: {  	v25 =	vadd.s32 v14, v25;
	(pc) =	sbr.rel @p0 .LBB2_3-.Ltmp0, $2  }
0x84: {  	_ =	sdelay $0x2  }
0x85: {  	v26 =	vadd.s32 s26, v0;
	s26 =	sadd.s32 $0x1, s26;
	[tilespmem:v28+s31+$0x0] =	vst.idx.msk $0xffff, v27  }
0x86: {  	_ =	sdelay $0x2  }
0x87: {  	v26 =	vand.u32 $0x1F, v26  }
0x88: {  	v25 =	vld.idx.msk [tilespmem:v25+s22+$0x0], $0xffff;
	v24 =	vor.u32 v15, v24;
	v23 =	vadd.s32 v23, v26  }
0x89: {  	v23 =	vadd.s32 v1, v23;
	_ =	sdelay $0x3  }
0x8a: {  	[tilespmem:v24+s31+$0x0] =	vst.idx.msk $0xffff, v25;
	v24 =	vshll.u32 v26, $0x7  }
0x8b: {  	v22 =	vadd.s32 v22, v26;
	v25 =	vor.u32 v0, v24;
	v23 =	vld.idx.msk [tilespmem:v23+s22+$0x0], $0xffff  }
0x8c: {  	v22 =	vadd.s32 v2, v22;
	_ =	sdelay $0x3  }
0x8d: {  	[tilespmem:v25+s31+$0x0] =	vst.idx.msk $0xffff, v23  }
0x8e: {  	v21 =	vadd.s32 v21, v26;
	v23 =	vor.u32 v3, v24;
	v22 =	vld.idx.msk [tilespmem:v22+s22+$0x0], $0xffff  }
0x8f: {  	v21 =	vadd.s32 v4, v21;
	_ =	sdelay $0x3  }
0x90: {  	[tilespmem:v23+s31+$0x0] =	vst.idx.msk $0xffff, v22  }
0x91: {  	v19 =	vadd.s32 v19, v26;
	v22 =	vor.u32 v5, v24;
	v21 =	vld.idx.msk [tilespmem:v21+s22+$0x0], $0xffff  }
0x92: {  	v19 =	vadd.s32 v6, v19;
	_ =	sdelay $0x3  }
0x93: {  	[tilespmem:v22+s31+$0x0] =	vst.idx.msk $0xffff, v21  }
0x94: {  	v20 =	vadd.s32 v20, v26;
	v21 =	vor.u32 v7, v24;
	v19 =	vld.idx.msk [tilespmem:v19+s22+$0x0], $0xffff  }
0x95: {  	v20 =	vadd.s32 v8, v20;
	_ =	sdelay $0x3  }
0x96: {  	[tilespmem:v21+s31+$0x0] =	vst.idx.msk $0xffff, v19  }
0x97: {  	v18 =	vadd.s32 v18, v26;
	v19 =	vld.idx.msk [tilespmem:v20+s22+$0x0], $0xffff;
	v20 =	vor.u32 v9, v24  }
0x98: {  	v18 =	vadd.s32 v10, v18;
	_ =	sdelay $0x3  }
0x99: {  	[tilespmem:v20+s31+$0x0] =	vst.idx.msk $0xffff, v19  }
0x9a: {  	v17 =	vadd.s32 v17, v26;
	v19 =	vor.u32 v11, v24;
	v18 =	vld.idx.msk [tilespmem:v18+s22+$0x0], $0xffff  }
0x9b: {  	v17 =	vadd.s32 v12, v17;
	_ =	sdelay $0x3  }
0x9c: {  	[tilespmem:v19+s31+$0x0] =	vst.idx.msk $0xffff, v18  }
0x9d: {  	v16 =	vadd.s32 v16, v26;
	v18 =	vor.u32 v13, v24;
	v17 =	vld.idx.msk [tilespmem:v17+s22+$0x0], $0xffff  }
0x9e: {  	v16 =	vadd.s32 v14, v16;
	_ =	sdelay $0x3  }
0x9f: {  	[tilespmem:v18+s31+$0x0] =	vst.idx.msk $0xffff, v17  }
0xa0: {  	v17 =	vor.u32 v15, v24;
	v16 =	vld.idx.msk [tilespmem:v16+s22+$0x0], $0xffff  }
0xa1: {  	s26 =	sadd.s32 s14, s12  }
0xa2: {  	s19 =	sshll.u32 s26, $0x7  }
0xa3: {  	s26 =	sshll.u32 s26, $0x9;
	s19 =	sand.u32 $0x3E00, s19  }
0xa4: {  	s26 =	sand.u32 $0xFFF0000, s26;
	s19 =	sadd.s32 s2, s19  }
0xa5: {  	p0 =	seq.s32 s13, $0x19;
	s19 =	sadd.s32 s26, s19;
	[tilespmem:v17+s31+$0x0] =	vst.idx.msk $0xffff, v16  }
0xa6: {  	[hbm4b:s19+s22] =	stream.strided.scatter [tilespmem:s31], [sflag:$0x9], $0x1000, s0, s22, $0x38;
	[tilespmem:$0x12400] =	vst v63  }
0xa7: {  	s19 =	sadd.s32 @!p0 $0x200, s21  }
0xa8: {  	s26 =	sand.u32 @!p0 $0x7C00, s19  }
0xa9: {  	s19 =	sand.u32 @!p0 $0x200, s19;
	s26 =	sadd.s32 @!p0 s4, s26  }
0xaa: {  	s19 =	sor.u32 @!p0 s19, s26  }
0xab: {  	s19 =	sshrl.u32 @!p0 s19, $0x3  }
0xac: {  	s25 =	simm.s32 @!p0 $0x0;
	s26 =	sadd.s32 @!p0 s5, s19  }
0xad: {  	[tilespmem:s25], [sflag:$0x1] =	stream.linear.gather @!p0 [hbm4b:s26+s25], $0x80, $0x38;
	[tilespmem:$0x12400] =	vst v63  }
0xae: {  	s19 =	sadd.s32 @!p0 s6, s19;
	s26 =	simm.s32 @!p0 $0x200  }
0xaf: {  	[tilespmem:s26], [sflag:$0x1] =	stream.linear.gather @!p0 [hbm4b:s19+s25], $0x80, $0x38;
	[tilespmem:$0x12400] =	vst v63  }
0xb0: {  	_ =	swait.ge [sflag:s1], $0x80  }
0xb1: {  	[sflag:s1] =	ssyncset.done $0x0  }
0xb2: {  	[sflag:s1] =	ssyncadd.s32 $0xFFFFFF80  }
0xb3: {  	_ =	swait.ge [sflag:s1], $0x80  }
0xb4: {  	[sflag:s1] =	ssyncset.done $0x0  }
0xb5: {  	s26 =	simm.s32 $0x180;
	s19 =	simm.s32 @!p1 $0xA;
	[sflag:s1] =	ssyncadd.s32 $0xFFFFFF80  }
0xb6: {  	[tilespmem:s16], [sflag:$0x8] =	stream.indirect.gather [hbm4b:s7+s17], $0x80, s26, s17, $0xb8;
	[tilespmem:$0x12400] =	vst v63  }
0xb7: {  	_ =	swait.ge @!p1 [sflag:s19], $0x1000  }
0xb8: {  	[sflag:s19] =	ssyncset.done @!p1 $0x0  }
0xb9: {  	[sflag:s19] =	ssyncadd.s32 @!p1 $0xFFFFF000  }
0xba: {  	_ =	swait.ge [sflag:s18], $0x4000  }
0xbb: {  	[sflag:s18] =	ssyncset.done $0x0  }
0xbc: {  	[sflag:s18] =	ssyncadd.s32 $0xFFFFC000  }
0xbd: {  	v23 =	vld [tilespmem:$0x280];
	_ =	sdelay $0x1  }
0xbe: {  	s25 =	simm.s32 $0x0  }
0xbf: {  	v16 =	vadd.s32 s25, v0  }
0xc0: {  	v25 =	vand.u32 $0x1F, v16  }
0xc1: {  	v16 =	vadd.s32 v23, v25  }
0xc2: {  	v22 =	vld [tilespmem:$0x290];
	v16 =	vadd.s32 v1, v16;
	_ =	sdelay $0x3  }
0xc3: {  	v24 =	vshll.u32 v25, $0x7;
	v21 =	vld [tilespmem:$0x2A0]  }
0xc4: {  	v27 =	vor.u32 v0, v24;
	v26 =	vld.idx.msk [tilespmem:v16+s24+$0x0], $0xffff;
	v16 =	vadd.s32 v22, v25  }
0xc5: {  	v19 =	vld [tilespmem:$0x2B0];
	v28 =	vadd.s32 v2, v16  }
0xc6: {  	v20 =	vld [tilespmem:$0x2C0]  }
0xc7: {  	v18 =	vld [tilespmem:$0x2D0]  }
0xc8: {  	v17 =	vld [tilespmem:$0x2E0]  }
0xc9: {  	v16 =	vld [tilespmem:$0x2F0];
	[tilespmem:v27+s20+$0x0] =	vst.idx.msk $0xffff, v26  }
0xca: {  	v58 =	vadd.s32 v21, v25;
	v27 =	vor.u32 v3, v24;
	v26 =	vld.idx.msk [tilespmem:v28+s24+$0x0], $0xffff  }
0xcb: {  	v28 =	vadd.s32 v4, v58;
	_ =	sdelay $0x3  }
0xcc: {  	[tilespmem:v27+s20+$0x0] =	vst.idx.msk $0xffff, v26  }
0xcd: {  	v59 =	vadd.s32 v19, v25;
	v27 =	vor.u32 v5, v24;
	v26 =	vld.idx.msk [tilespmem:v28+s24+$0x0], $0xffff  }
0xce: {  	v28 =	vadd.s32 v6, v59;
	_ =	sdelay $0x3  }
0xcf: {  	[tilespmem:v27+s20+$0x0] =	vst.idx.msk $0xffff, v26  }
0xd0: {  	v60 =	vadd.s32 v20, v25;
	v27 =	vor.u32 v7, v24;
	v26 =	vld.idx.msk [tilespmem:v28+s24+$0x0], $0xffff  }
0xd1: {  	v28 =	vadd.s32 v8, v60;
	_ =	sdelay $0x3  }
0xd2: {  	[tilespmem:v27+s20+$0x0] =	vst.idx.msk $0xffff, v26  }
0xd3: {  	v61 =	vadd.s32 v18, v25;
	v27 =	vor.u32 v9, v24;
	v26 =	vld.idx.msk [tilespmem:v28+s24+$0x0], $0xffff  }
0xd4: {  	v28 =	vadd.s32 v10, v61;
	_ =	sdelay $0x3  }
0xd5: {  	[tilespmem:v27+s20+$0x0] =	vst.idx.msk $0xffff, v26  }
0xd6: {  	v62 =	vadd.s32 v17, v25;
	v27 =	vor.u32 v11, v24;
	v26 =	vld.idx.msk [tilespmem:v28+s24+$0x0], $0xffff  }
0xd7: {  	v28 =	vadd.s32 v12, v62;
	_ =	sdelay $0x3  }
0xd8: {  	[tilespmem:v27+s20+$0x0] =	vst.idx.msk $0xffff, v26  }
0xd9: {  	v63 =	vor.u32 v13, v24;
	v25 =	vadd.s32 v16, v25;
	v27 =	vld.idx.msk [tilespmem:v28+s24+$0x0], $0xffff  }
0xda: {  	v25 =	vadd.s32 v14, v25;
	_ =	sdelay $0x2  }
0xdb: {  	s26 =	simm.s32 $0x1  }
0xdc: {  	s12 =	sor.u32 $0x1, s12;
	v26 =	vadd.s32 s26, v0;
	s26 =	simm.s32 $0x2;
	[tilespmem:v63+s20+$0x0] =	vst.idx.msk $0xffff, v27  }
.LBB2_5:
0xdd: {  	p1 =	sne.s32 s26, $0x1F;
	v26 =	vand.u32 $0x1F, v26;
	v25 =	vld.idx.msk [tilespmem:v25+s24+$0x0], $0xffff  }
0xde: {  	v24 =	vor.u32 v15, v24;
	v27 =	vadd.s32 v23, v26  }
0xdf: {  	v27 =	vadd.s32 v1, v27;
	_ =	sdelay $0x3  }
0xe0: {  	[tilespmem:v24+s20+$0x0] =	vst.idx.msk $0xffff, v25  }
0xe1: {  	v24 =	vshll.u32 v26, $0x7;
	v25 =	vld.idx.msk [tilespmem:v27+s24+$0x0], $0xffff  }
0xe2: {  	v28 =	vadd.s32 v22, v26;
	v27 =	vor.u32 v0, v24  }
0xe3: {  	v28 =	vadd.s32 v2, v28;
	_ =	sdelay $0x3  }
0xe4: {  	[tilespmem:v27+s20+$0x0] =	vst.idx.msk $0xffff, v25  }
0xe5: {  	v25 =	vld.idx.msk [tilespmem:v28+s24+$0x0], $0xffff  }
0xe6: {  	v27 =	vor.u32 v3, v24;
	v28 =	vadd.s32 v21, v26  }
0xe7: {  	v28 =	vadd.s32 v4, v28;
	_ =	sdelay $0x3  }
0xe8: {  	[tilespmem:v27+s20+$0x0] =	vst.idx.msk $0xffff, v25  }
0xe9: {  	v25 =	vld.idx.msk [tilespmem:v28+s24+$0x0], $0xffff  }
0xea: {  	v27 =	vor.u32 v5, v24;
	v28 =	vadd.s32 v19, v26  }
0xeb: {  	v28 =	vadd.s32 v6, v28;
	_ =	sdelay $0x3  }
0xec: {  	[tilespmem:v27+s20+$0x0] =	vst.idx.msk $0xffff, v25  }
0xed: {  	v25 =	vld.idx.msk [tilespmem:v28+s24+$0x0], $0xffff  }
0xee: {  	v27 =	vor.u32 v7, v24;
	v28 =	vadd.s32 v20, v26  }
0xef: {  	v28 =	vadd.s32 v8, v28;
	_ =	sdelay $0x3  }
0xf0: {  	[tilespmem:v27+s20+$0x0] =	vst.idx.msk $0xffff, v25  }
0xf1: {  	v25 =	vld.idx.msk [tilespmem:v28+s24+$0x0], $0xffff  }
0xf2: {  	v27 =	vor.u32 v9, v24;
	v28 =	vadd.s32 v18, v26  }
0xf3: {  	v28 =	vadd.s32 v10, v28;
	_ =	sdelay $0x3  }
0xf4: {  	[tilespmem:v27+s20+$0x0] =	vst.idx.msk $0xffff, v25  }
0xf5: {  	v25 =	vld.idx.msk [tilespmem:v28+s24+$0x0], $0xffff  }
0xf6: {  	v27 =	vor.u32 v11, v24;
	v28 =	vadd.s32 v17, v26  }
0xf7: {  	v28 =	vadd.s32 v12, v28;
	_ =	sdelay $0x3  }
0xf8: {  	[tilespmem:v27+s20+$0x0] =	vst.idx.msk $0xffff, v25  }
0xf9: {  	v27 =	vld.idx.msk [tilespmem:v28+s24+$0x0], $0xffff  }
0xfa: {  	v25 =	vadd.s32 v16, v26;
	v28 =	vor.u32 v13, v24  }
.Ltmp1:
0xfb: {  	v25 =	vadd.s32 v14, v25;
	(pc) =	sbr.rel @p1 .LBB2_5-.Ltmp1, $2  }
0xfc: {  	_ =	sdelay $0x2  }
0xfd: {  	v26 =	vadd.s32 s26, v0;
	s26 =	sadd.s32 $0x1, s26;
	[tilespmem:v28+s20+$0x0] =	vst.idx.msk $0xffff, v27  }
0xfe: {  	_ =	sdelay $0x2  }
0xff: {  	v26 =	vand.u32 $0x1F, v26  }
0x100: {  	v25 =	vld.idx.msk [tilespmem:v25+s24+$0x0], $0xffff;
	v24 =	vor.u32 v15, v24;
	v23 =	vadd.s32 v23, v26  }
0x101: {  	v23 =	vadd.s32 v1, v23;
	_ =	sdelay $0x3  }
0x102: {  	[tilespmem:v24+s20+$0x0] =	vst.idx.msk $0xffff, v25;
	v24 =	vshll.u32 v26, $0x7  }
0x103: {  	v22 =	vadd.s32 v22, v26;
	v25 =	vor.u32 v0, v24;
	v23 =	vld.idx.msk [tilespmem:v23+s24+$0x0], $0xffff  }
0x104: {  	v22 =	vadd.s32 v2, v22;
	_ =	sdelay $0x3  }
0x105: {  	[tilespmem:v25+s20+$0x0] =	vst.idx.msk $0xffff, v23  }
0x106: {  	v21 =	vadd.s32 v21, v26;
	v23 =	vor.u32 v3, v24;
	v22 =	vld.idx.msk [tilespmem:v22+s24+$0x0], $0xffff  }
0x107: {  	v21 =	vadd.s32 v4, v21;
	_ =	sdelay $0x3  }
0x108: {  	[tilespmem:v23+s20+$0x0] =	vst.idx.msk $0xffff, v22  }
0x109: {  	v19 =	vadd.s32 v19, v26;
	v22 =	vor.u32 v5, v24;
	v21 =	vld.idx.msk [tilespmem:v21+s24+$0x0], $0xffff  }
0x10a: {  	v19 =	vadd.s32 v6, v19;
	_ =	sdelay $0x3  }
0x10b: {  	[tilespmem:v22+s20+$0x0] =	vst.idx.msk $0xffff, v21  }
0x10c: {  	v20 =	vadd.s32 v20, v26;
	v21 =	vor.u32 v7, v24;
	v19 =	vld.idx.msk [tilespmem:v19+s24+$0x0], $0xffff  }
0x10d: {  	v20 =	vadd.s32 v8, v20;
	_ =	sdelay $0x3  }
0x10e: {  	[tilespmem:v21+s20+$0x0] =	vst.idx.msk $0xffff, v19  }
0x10f: {  	v18 =	vadd.s32 v18, v26;
	v19 =	vld.idx.msk [tilespmem:v20+s24+$0x0], $0xffff;
	v20 =	vor.u32 v9, v24  }
0x110: {  	v18 =	vadd.s32 v10, v18;
	_ =	sdelay $0x3  }
0x111: {  	[tilespmem:v20+s20+$0x0] =	vst.idx.msk $0xffff, v19  }
0x112: {  	v17 =	vadd.s32 v17, v26;
	v19 =	vor.u32 v11, v24;
	v18 =	vld.idx.msk [tilespmem:v18+s24+$0x0], $0xffff  }
0x113: {  	v17 =	vadd.s32 v12, v17;
	_ =	sdelay $0x3  }
0x114: {  	[tilespmem:v19+s20+$0x0] =	vst.idx.msk $0xffff, v18  }
0x115: {  	v16 =	vadd.s32 v16, v26;
	v18 =	vor.u32 v13, v24;
	v17 =	vld.idx.msk [tilespmem:v17+s24+$0x0], $0xffff  }
0x116: {  	v16 =	vadd.s32 v14, v16;
	_ =	sdelay $0x3  }
0x117: {  	[tilespmem:v18+s20+$0x0] =	vst.idx.msk $0xffff, v17  }
0x118: {  	v17 =	vor.u32 v15, v24;
	v16 =	vld.idx.msk [tilespmem:v16+s24+$0x0], $0xffff  }
0x119: {  	s12 =	sadd.s32 s14, s12  }
0x11a: {  	s19 =	sshll.u32 s12, $0x7  }
0x11b: {  	s12 =	sshll.u32 s12, $0x9;
	s19 =	sand.u32 $0x3E80, s19  }
0x11c: {  	s12 =	sand.u32 $0xFFF0000, s12;
	s19 =	sadd.s32 s2, s19  }
0x11d: {  	s12 =	sadd.s32 s12, s19;
	[tilespmem:v17+s20+$0x0] =	vst.idx.msk $0xffff, v16  }
0x11e: {  	[hbm4b:s12+s22] =	stream.strided.scatter [tilespmem:s20], [sflag:$0xA], $0x1000, s0, s22, $0x38;
	[tilespmem:$0x12400] =	vst v63  }
0x11f: {  	s12 =	sadd.s32 @!p0 $0x280, s21  }
0x120: {  	s19 =	sand.u32 @!p0 $0x7C00, s12  }
0x121: {  	s12 =	sand.u32 @!p0 $0x280, s12;
	s19 =	sadd.s32 @!p0 s4, s19  }
0x122: {  	s12 =	sor.u32 @!p0 s12, s19  }
0x123: {  	s12 =	sshrl.u32 @!p0 s12, $0x3  }
0x124: {  	s25 =	simm.s32 @!p0 $0x0;
	s26 =	simm.s32 @!p0 $0x80;
	s19 =	sadd.s32 @!p0 s5, s12  }
0x125: {  	[tilespmem:s26], [sflag:$0x2] =	stream.linear.gather @!p0 [hbm4b:s19+s25], $0x80, $0x38;
	[tilespmem:$0x12400] =	vst v63  }
0x126: {  	s12 =	sadd.s32 @!p0 s6, s12;
	s19 =	simm.s32 @!p0 $0x280  }
0x127: {  	[tilespmem:s19], [sflag:$0x2] =	stream.linear.gather @!p0 [hbm4b:s12+s25], $0x80, $0x38;
	[tilespmem:$0x12400] =	vst v63  }
0x128: {  	s12 =	simm.s32 @!p0 $0x1  }
0x129: {  	_ =	swait.ge @!p0 [sflag:s12], $0x80  }
0x12a: {  	[sflag:s12] =	ssyncset.done @!p0 $0x0  }
0x12b: {  	[sflag:s12] =	ssyncadd.s32 @!p0 $0xFFFFFF80  }
0x12c: {  	_ =	swait.ge @!p0 [sflag:s12], $0x80  }
0x12d: {  	[sflag:s12] =	ssyncset.done @!p0 $0x0  }
0x12e: {  	[sflag:s12] =	ssyncadd.s32 @!p0 $0xFFFFFF80;
	s12 =	simm.s32 @!p0 $0x400  }
0x12f: {  	[tilespmem:s12], [sflag:$0x5] =	stream.indirect.gather @!p0 [hbm4b:s7+s26], $0x80, s25, s26, $0xb8;
	[tilespmem:$0x12400] =	vst v63  }
0x130: {  	_ =	swait.ge [sflag:s8], $0x1000  }
0x131: {  	[sflag:s8] =	ssyncset.done $0x0  }
0x132: {  	[sflag:s8] =	ssyncadd.s32 $0xFFFFF000  }
0x133: {  	_ =	swait.ge [sflag:s9], $0x4000  }
0x134: {  	[sflag:s9] =	ssyncset.done $0x0  }
0x135: {  	[sflag:s9] =	ssyncadd.s32 $0xFFFFC000  }
0x136: {  	v23 =	vld [tilespmem:$0x300];
	_ =	sdelay $0x1  }
0x137: {  	s25 =	simm.s32 $0x0  }
0x138: {  	v16 =	vadd.s32 s25, v0  }
0x139: {  	v25 =	vand.u32 $0x1F, v16  }
0x13a: {  	v16 =	vadd.s32 v23, v25  }
0x13b: {  	v22 =	vld [tilespmem:$0x310];
	v16 =	vadd.s32 v1, v16;
	_ =	sdelay $0x3  }
0x13c: {  	v24 =	vshll.u32 v25, $0x7;
	v21 =	vld [tilespmem:$0x320]  }
0x13d: {  	v27 =	vor.u32 v0, v24;
	v26 =	vld.idx.msk [tilespmem:v16+s29+$0x0], $0xffff;
	v16 =	vadd.s32 v22, v25  }
0x13e: {  	v19 =	vld [tilespmem:$0x330];
	v28 =	vadd.s32 v2, v16  }
0x13f: {  	v20 =	vld [tilespmem:$0x340]  }
0x140: {  	v18 =	vld [tilespmem:$0x350]  }
0x141: {  	v17 =	vld [tilespmem:$0x360]  }
0x142: {  	v16 =	vld [tilespmem:$0x370];
	[tilespmem:v27+s31+$0x0] =	vst.idx.msk $0xffff, v26  }
0x143: {  	v58 =	vadd.s32 v21, v25;
	v27 =	vor.u32 v3, v24;
	v26 =	vld.idx.msk [tilespmem:v28+s29+$0x0], $0xffff  }
0x144: {  	v28 =	vadd.s32 v4, v58;
	_ =	sdelay $0x3  }
0x145: {  	[tilespmem:v27+s31+$0x0] =	vst.idx.msk $0xffff, v26  }
0x146: {  	v59 =	vadd.s32 v19, v25;
	v27 =	vor.u32 v5, v24;
	v26 =	vld.idx.msk [tilespmem:v28+s29+$0x0], $0xffff  }
0x147: {  	v28 =	vadd.s32 v6, v59;
	_ =	sdelay $0x3  }
0x148: {  	[tilespmem:v27+s31+$0x0] =	vst.idx.msk $0xffff, v26  }
0x149: {  	v60 =	vadd.s32 v20, v25;
	v27 =	vor.u32 v7, v24;
	v26 =	vld.idx.msk [tilespmem:v28+s29+$0x0], $0xffff  }
0x14a: {  	v28 =	vadd.s32 v8, v60;
	_ =	sdelay $0x3  }
0x14b: {  	[tilespmem:v27+s31+$0x0] =	vst.idx.msk $0xffff, v26  }
0x14c: {  	v61 =	vadd.s32 v18, v25;
	v27 =	vor.u32 v9, v24;
	v26 =	vld.idx.msk [tilespmem:v28+s29+$0x0], $0xffff  }
0x14d: {  	v28 =	vadd.s32 v10, v61;
	_ =	sdelay $0x3  }
0x14e: {  	[tilespmem:v27+s31+$0x0] =	vst.idx.msk $0xffff, v26  }
0x14f: {  	v62 =	vadd.s32 v17, v25;
	v27 =	vor.u32 v11, v24;
	v26 =	vld.idx.msk [tilespmem:v28+s29+$0x0], $0xffff  }
0x150: {  	v28 =	vadd.s32 v12, v62;
	_ =	sdelay $0x3  }
0x151: {  	[tilespmem:v27+s31+$0x0] =	vst.idx.msk $0xffff, v26  }
0x152: {  	v63 =	vor.u32 v13, v24;
	v25 =	vadd.s32 v16, v25;
	v27 =	vld.idx.msk [tilespmem:v28+s29+$0x0], $0xffff  }
0x153: {  	v25 =	vadd.s32 v14, v25;
	_ =	sdelay $0x2  }
0x154: {  	s26 =	simm.s32 $0x1  }
0x155: {  	s12 =	simm.s32 $0x2;
	v26 =	vadd.s32 s26, v0;
	[tilespmem:v63+s31+$0x0] =	vst.idx.msk $0xffff, v27  }
.LBB2_7:
0x156: {  	p1 =	sne.s32 s12, $0x1F;
	v26 =	vand.u32 $0x1F, v26;
	v25 =	vld.idx.msk [tilespmem:v25+s29+$0x0], $0xffff  }
0x157: {  	v24 =	vor.u32 v15, v24;
	v27 =	vadd.s32 v23, v26  }
0x158: {  	v27 =	vadd.s32 v1, v27;
	_ =	sdelay $0x3  }
0x159: {  	[tilespmem:v24+s31+$0x0] =	vst.idx.msk $0xffff, v25  }
0x15a: {  	v24 =	vshll.u32 v26, $0x7;
	v25 =	vld.idx.msk [tilespmem:v27+s29+$0x0], $0xffff  }
0x15b: {  	v28 =	vadd.s32 v22, v26;
	v27 =	vor.u32 v0, v24  }
0x15c: {  	v28 =	vadd.s32 v2, v28;
	_ =	sdelay $0x3  }
0x15d: {  	[tilespmem:v27+s31+$0x0] =	vst.idx.msk $0xffff, v25  }
0x15e: {  	v25 =	vld.idx.msk [tilespmem:v28+s29+$0x0], $0xffff  }
0x15f: {  	v27 =	vor.u32 v3, v24;
	v28 =	vadd.s32 v21, v26  }
0x160: {  	v28 =	vadd.s32 v4, v28;
	_ =	sdelay $0x3  }
0x161: {  	[tilespmem:v27+s31+$0x0] =	vst.idx.msk $0xffff, v25  }
0x162: {  	v25 =	vld.idx.msk [tilespmem:v28+s29+$0x0], $0xffff  }
0x163: {  	v27 =	vor.u32 v5, v24;
	v28 =	vadd.s32 v19, v26  }
0x164: {  	v28 =	vadd.s32 v6, v28;
	_ =	sdelay $0x3  }
0x165: {  	[tilespmem:v27+s31+$0x0] =	vst.idx.msk $0xffff, v25  }
0x166: {  	v25 =	vld.idx.msk [tilespmem:v28+s29+$0x0], $0xffff  }
0x167: {  	v27 =	vor.u32 v7, v24;
	v28 =	vadd.s32 v20, v26  }
0x168: {  	v28 =	vadd.s32 v8, v28;
	_ =	sdelay $0x3  }
0x169: {  	[tilespmem:v27+s31+$0x0] =	vst.idx.msk $0xffff, v25  }
0x16a: {  	v25 =	vld.idx.msk [tilespmem:v28+s29+$0x0], $0xffff  }
0x16b: {  	v27 =	vor.u32 v9, v24;
	v28 =	vadd.s32 v18, v26  }
0x16c: {  	v28 =	vadd.s32 v10, v28;
	_ =	sdelay $0x3  }
0x16d: {  	[tilespmem:v27+s31+$0x0] =	vst.idx.msk $0xffff, v25  }
0x16e: {  	v25 =	vld.idx.msk [tilespmem:v28+s29+$0x0], $0xffff  }
0x16f: {  	v27 =	vor.u32 v11, v24;
	v28 =	vadd.s32 v17, v26  }
0x170: {  	v28 =	vadd.s32 v12, v28;
	_ =	sdelay $0x3  }
0x171: {  	[tilespmem:v27+s31+$0x0] =	vst.idx.msk $0xffff, v25  }
0x172: {  	v27 =	vld.idx.msk [tilespmem:v28+s29+$0x0], $0xffff  }
0x173: {  	v25 =	vadd.s32 v16, v26;
	v28 =	vor.u32 v13, v24  }
.Ltmp2:
0x174: {  	v25 =	vadd.s32 v14, v25;
	(pc) =	sbr.rel @p1 .LBB2_7-.Ltmp2, $2  }
0x175: {  	_ =	sdelay $0x2  }
0x176: {  	v26 =	vadd.s32 s12, v0;
	s12 =	sadd.s32 $0x1, s12;
	[tilespmem:v28+s31+$0x0] =	vst.idx.msk $0xffff, v27  }
0x177: {  	_ =	sdelay $0x2  }
0x178: {  	v26 =	vand.u32 $0x1F, v26  }
0x179: {  	v25 =	vld.idx.msk [tilespmem:v25+s29+$0x0], $0xffff;
	v24 =	vor.u32 v15, v24;
	v23 =	vadd.s32 v23, v26  }
0x17a: {  	v23 =	vadd.s32 v1, v23;
	_ =	sdelay $0x3  }
0x17b: {  	[tilespmem:v24+s31+$0x0] =	vst.idx.msk $0xffff, v25;
	v24 =	vshll.u32 v26, $0x7  }
0x17c: {  	v22 =	vadd.s32 v22, v26;
	v25 =	vor.u32 v0, v24;
	v23 =	vld.idx.msk [tilespmem:v23+s29+$0x0], $0xffff  }
0x17d: {  	v22 =	vadd.s32 v2, v22;
	_ =	sdelay $0x3  }
0x17e: {  	[tilespmem:v25+s31+$0x0] =	vst.idx.msk $0xffff, v23  }
0x17f: {  	v21 =	vadd.s32 v21, v26;
	v23 =	vor.u32 v3, v24;
	v22 =	vld.idx.msk [tilespmem:v22+s29+$0x0], $0xffff  }
0x180: {  	v21 =	vadd.s32 v4, v21;
	_ =	sdelay $0x3  }
0x181: {  	[tilespmem:v23+s31+$0x0] =	vst.idx.msk $0xffff, v22  }
0x182: {  	v19 =	vadd.s32 v19, v26;
	v22 =	vor.u32 v5, v24;
	v21 =	vld.idx.msk [tilespmem:v21+s29+$0x0], $0xffff  }
0x183: {  	v19 =	vadd.s32 v6, v19;
	_ =	sdelay $0x3  }
0x184: {  	[tilespmem:v22+s31+$0x0] =	vst.idx.msk $0xffff, v21  }
0x185: {  	v20 =	vadd.s32 v20, v26;
	v21 =	vor.u32 v7, v24;
	v19 =	vld.idx.msk [tilespmem:v19+s29+$0x0], $0xffff  }
0x186: {  	v20 =	vadd.s32 v8, v20;
	_ =	sdelay $0x3  }
0x187: {  	[tilespmem:v21+s31+$0x0] =	vst.idx.msk $0xffff, v19  }
0x188: {  	v18 =	vadd.s32 v18, v26;
	v19 =	vld.idx.msk [tilespmem:v20+s29+$0x0], $0xffff;
	v20 =	vor.u32 v9, v24  }
0x189: {  	v18 =	vadd.s32 v10, v18;
	_ =	sdelay $0x3  }
0x18a: {  	[tilespmem:v20+s31+$0x0] =	vst.idx.msk $0xffff, v19  }
0x18b: {  	v17 =	vadd.s32 v17, v26;
	v19 =	vor.u32 v11, v24;
	v18 =	vld.idx.msk [tilespmem:v18+s29+$0x0], $0xffff  }
0x18c: {  	v17 =	vadd.s32 v12, v17;
	_ =	sdelay $0x3  }
0x18d: {  	[tilespmem:v19+s31+$0x0] =	vst.idx.msk $0xffff, v18  }
0x18e: {  	v16 =	vadd.s32 v16, v26;
	v18 =	vor.u32 v13, v24;
	v17 =	vld.idx.msk [tilespmem:v17+s29+$0x0], $0xffff  }
0x18f: {  	v16 =	vadd.s32 v14, v16;
	_ =	sdelay $0x3  }
0x190: {  	[tilespmem:v18+s31+$0x0] =	vst.idx.msk $0xffff, v17  }
0x191: {  	v17 =	vor.u32 v15, v24;
	v16 =	vld.idx.msk [tilespmem:v16+s29+$0x0], $0xffff  }
0x192: {  	s12 =	sadd.s32 s14, s23  }
0x193: {  	s19 =	sshll.u32 s12, $0x7  }
0x194: {  	s12 =	sshll.u32 s12, $0x9;
	s19 =	sand.u32 $0x3F00, s19  }
0x195: {  	s12 =	sand.u32 $0xFFF0000, s12;
	s19 =	sadd.s32 s2, s19  }
0x196: {  	s12 =	sadd.s32 s12, s19;
	[tilespmem:v17+s31+$0x0] =	vst.idx.msk $0xffff, v16  }
0x197: {  	[hbm4b:s12+s22] =	stream.strided.scatter [tilespmem:s31], [sflag:$0x9], $0x1000, s0, s22, $0x38;
	[tilespmem:$0x12400] =	vst v63  }
0x198: {  	s12 =	sadd.s32 @!p0 $0x300, s21  }
0x199: {  	s19 =	sand.u32 @!p0 $0x7C00, s12  }
0x19a: {  	s12 =	sand.u32 @!p0 $0x300, s12;
	s19 =	sadd.s32 @!p0 s4, s19  }
0x19b: {  	s12 =	sor.u32 @!p0 s12, s19  }
0x19c: {  	s12 =	sshrl.u32 @!p0 s12, $0x3  }
0x19d: {  	s23 =	simm.s32 @!p0 $0x100;
	s21 =	simm.s32 @!p0 $0x0;
	s19 =	sadd.s32 @!p0 s5, s12  }
0x19e: {  	[tilespmem:s23], [sflag:$0x3] =	stream.linear.gather @!p0 [hbm4b:s19+s21], $0x80, $0x38;
	[tilespmem:$0x12400] =	vst v63  }
0x19f: {  	s12 =	sadd.s32 @!p0 s6, s12;
	s19 =	simm.s32 @!p0 $0x300  }
0x1a0: {  	[tilespmem:s19], [sflag:$0x3] =	stream.linear.gather @!p0 [hbm4b:s12+s21], $0x80, $0x38;
	[tilespmem:$0x12400] =	vst v63  }
0x1a1: {  	s12 =	simm.s32 @!p0 $0x2  }
0x1a2: {  	_ =	swait.ge @!p0 [sflag:s12], $0x80  }
0x1a3: {  	[sflag:s12] =	ssyncset.done @!p0 $0x0  }
0x1a4: {  	[sflag:s12] =	ssyncadd.s32 @!p0 $0xFFFFFF80  }
0x1a5: {  	_ =	swait.ge @!p0 [sflag:s12], $0x80  }
0x1a6: {  	[sflag:s12] =	ssyncset.done @!p0 $0x0  }
0x1a7: {  	s19 =	simm.s32 @!p0 $0x4400;
	[sflag:s12] =	ssyncadd.s32 @!p0 $0xFFFFFF80;
	s12 =	simm.s32 @!p0 $0x80  }
0x1a8: {  	[tilespmem:s19], [sflag:$0x6] =	stream.indirect.gather @!p0 [hbm4b:s7+s12], $0x80, s12, s12, $0xb8;
	[tilespmem:$0x12400] =	vst v63  }
0x1a9: {  	_ =	swait.ge [sflag:s10], $0x1000  }
0x1aa: {  	[sflag:s10] =	ssyncset.done $0x0  }
0x1ab: {  	[sflag:s10] =	ssyncadd.s32 $0xFFFFF000  }
0x1ac: {  	_ =	swait.ge [sflag:s11], $0x4000  }
0x1ad: {  	[sflag:s11] =	ssyncset.done $0x0  }
0x1ae: {  	[sflag:s11] =	ssyncadd.s32 $0xFFFFC000  }
0x1af: {  	v23 =	vld [tilespmem:$0x380];
	_ =	sdelay $0x1  }
0x1b0: {  	s25 =	simm.s32 $0x0  }
0x1b1: {  	v16 =	vadd.s32 s25, v0  }
0x1b2: {  	v25 =	vand.u32 $0x1F, v16  }
0x1b3: {  	v16 =	vadd.s32 v23, v25  }
0x1b4: {  	v22 =	vld [tilespmem:$0x390];
	v16 =	vadd.s32 v1, v16;
	_ =	sdelay $0x3  }
0x1b5: {  	v24 =	vshll.u32 v25, $0x7;
	v21 =	vld [tilespmem:$0x3A0]  }
0x1b6: {  	v27 =	vor.u32 v0, v24;
	v26 =	vld.idx.msk [tilespmem:v16+s16+$0x0], $0xffff;
	v16 =	vadd.s32 v22, v25  }
0x1b7: {  	v19 =	vld [tilespmem:$0x3B0];
	v28 =	vadd.s32 v2, v16  }
0x1b8: {  	v20 =	vld [tilespmem:$0x3C0]  }
0x1b9: {  	v18 =	vld [tilespmem:$0x3D0]  }
0x1ba: {  	v17 =	vld [tilespmem:$0x3E0]  }
0x1bb: {  	v16 =	vld [tilespmem:$0x3F0];
	[tilespmem:v27+s20+$0x0] =	vst.idx.msk $0xffff, v26  }
0x1bc: {  	v58 =	vadd.s32 v21, v25;
	v27 =	vor.u32 v3, v24;
	v26 =	vld.idx.msk [tilespmem:v28+s16+$0x0], $0xffff  }
0x1bd: {  	v28 =	vadd.s32 v4, v58;
	_ =	sdelay $0x3  }
0x1be: {  	[tilespmem:v27+s20+$0x0] =	vst.idx.msk $0xffff, v26  }
0x1bf: {  	v59 =	vadd.s32 v19, v25;
	v27 =	vor.u32 v5, v24;
	v26 =	vld.idx.msk [tilespmem:v28+s16+$0x0], $0xffff  }
0x1c0: {  	v28 =	vadd.s32 v6, v59;
	_ =	sdelay $0x3  }
0x1c1: {  	[tilespmem:v27+s20+$0x0] =	vst.idx.msk $0xffff, v26  }
0x1c2: {  	v60 =	vadd.s32 v20, v25;
	v27 =	vor.u32 v7, v24;
	v26 =	vld.idx.msk [tilespmem:v28+s16+$0x0], $0xffff  }
0x1c3: {  	v28 =	vadd.s32 v8, v60;
	_ =	sdelay $0x3  }
0x1c4: {  	[tilespmem:v27+s20+$0x0] =	vst.idx.msk $0xffff, v26  }
0x1c5: {  	v61 =	vadd.s32 v18, v25;
	v27 =	vor.u32 v9, v24;
	v26 =	vld.idx.msk [tilespmem:v28+s16+$0x0], $0xffff  }
0x1c6: {  	v28 =	vadd.s32 v10, v61;
	_ =	sdelay $0x3  }
0x1c7: {  	[tilespmem:v27+s20+$0x0] =	vst.idx.msk $0xffff, v26  }
0x1c8: {  	v62 =	vadd.s32 v17, v25;
	v27 =	vor.u32 v11, v24;
	v26 =	vld.idx.msk [tilespmem:v28+s16+$0x0], $0xffff  }
0x1c9: {  	v28 =	vadd.s32 v12, v62;
	_ =	sdelay $0x3  }
0x1ca: {  	[tilespmem:v27+s20+$0x0] =	vst.idx.msk $0xffff, v26  }
0x1cb: {  	v63 =	vor.u32 v13, v24;
	v25 =	vadd.s32 v16, v25;
	v27 =	vld.idx.msk [tilespmem:v28+s16+$0x0], $0xffff  }
0x1cc: {  	v25 =	vadd.s32 v14, v25;
	_ =	sdelay $0x2  }
0x1cd: {  	s26 =	simm.s32 $0x1  }
0x1ce: {  	s12 =	simm.s32 $0x2;
	v26 =	vadd.s32 s26, v0;
	[tilespmem:v63+s20+$0x0] =	vst.idx.msk $0xffff, v27  }
.LBB2_9:
0x1cf: {  	p0 =	sne.s32 s12, $0x1F;
	v26 =	vand.u32 $0x1F, v26;
	v25 =	vld.idx.msk [tilespmem:v25+s16+$0x0], $0xffff  }
0x1d0: {  	v24 =	vor.u32 v15, v24;
	v27 =	vadd.s32 v23, v26  }
0x1d1: {  	v27 =	vadd.s32 v1, v27;
	_ =	sdelay $0x3  }
0x1d2: {  	[tilespmem:v24+s20+$0x0] =	vst.idx.msk $0xffff, v25  }
0x1d3: {  	v24 =	vshll.u32 v26, $0x7;
	v25 =	vld.idx.msk [tilespmem:v27+s16+$0x0], $0xffff  }
0x1d4: {  	v28 =	vadd.s32 v22, v26;
	v27 =	vor.u32 v0, v24  }
0x1d5: {  	v28 =	vadd.s32 v2, v28;
	_ =	sdelay $0x3  }
0x1d6: {  	[tilespmem:v27+s20+$0x0] =	vst.idx.msk $0xffff, v25  }
0x1d7: {  	v25 =	vld.idx.msk [tilespmem:v28+s16+$0x0], $0xffff  }
0x1d8: {  	v27 =	vor.u32 v3, v24;
	v28 =	vadd.s32 v21, v26  }
0x1d9: {  	v28 =	vadd.s32 v4, v28;
	_ =	sdelay $0x3  }
0x1da: {  	[tilespmem:v27+s20+$0x0] =	vst.idx.msk $0xffff, v25  }
0x1db: {  	v25 =	vld.idx.msk [tilespmem:v28+s16+$0x0], $0xffff  }
0x1dc: {  	v27 =	vor.u32 v5, v24;
	v28 =	vadd.s32 v19, v26  }
0x1dd: {  	v28 =	vadd.s32 v6, v28;
	_ =	sdelay $0x3  }
0x1de: {  	[tilespmem:v27+s20+$0x0] =	vst.idx.msk $0xffff, v25  }
0x1df: {  	v25 =	vld.idx.msk [tilespmem:v28+s16+$0x0], $0xffff  }
0x1e0: {  	v27 =	vor.u32 v7, v24;
	v28 =	vadd.s32 v20, v26  }
0x1e1: {  	v28 =	vadd.s32 v8, v28;
	_ =	sdelay $0x3  }
0x1e2: {  	[tilespmem:v27+s20+$0x0] =	vst.idx.msk $0xffff, v25  }
0x1e3: {  	v25 =	vld.idx.msk [tilespmem:v28+s16+$0x0], $0xffff  }
0x1e4: {  	v27 =	vor.u32 v9, v24;
	v28 =	vadd.s32 v18, v26  }
0x1e5: {  	v28 =	vadd.s32 v10, v28;
	_ =	sdelay $0x3  }
0x1e6: {  	[tilespmem:v27+s20+$0x0] =	vst.idx.msk $0xffff, v25  }
0x1e7: {  	v25 =	vld.idx.msk [tilespmem:v28+s16+$0x0], $0xffff  }
0x1e8: {  	v27 =	vor.u32 v11, v24;
	v28 =	vadd.s32 v17, v26  }
0x1e9: {  	v28 =	vadd.s32 v12, v28;
	_ =	sdelay $0x3  }
0x1ea: {  	[tilespmem:v27+s20+$0x0] =	vst.idx.msk $0xffff, v25  }
0x1eb: {  	v27 =	vld.idx.msk [tilespmem:v28+s16+$0x0], $0xffff  }
0x1ec: {  	v25 =	vadd.s32 v16, v26;
	v28 =	vor.u32 v13, v24  }
.Ltmp3:
0x1ed: {  	v25 =	vadd.s32 v14, v25;
	(pc) =	sbr.rel @p0 .LBB2_9-.Ltmp3, $2  }
0x1ee: {  	_ =	sdelay $0x2  }
0x1ef: {  	v26 =	vadd.s32 s12, v0;
	s12 =	sadd.s32 $0x1, s12;
	[tilespmem:v28+s20+$0x0] =	vst.idx.msk $0xffff, v27  }
0x1f0: {  	_ =	sdelay $0x2  }
0x1f1: {  	v26 =	vand.u32 $0x1F, v26  }
0x1f2: {  	v25 =	vld.idx.msk [tilespmem:v25+s16+$0x0], $0xffff;
	v24 =	vor.u32 v15, v24;
	v23 =	vadd.s32 v23, v26  }
0x1f3: {  	v23 =	vadd.s32 v1, v23;
	_ =	sdelay $0x3  }
0x1f4: {  	v56 =	vshll.u32 v26, $0x7;
	[tilespmem:v24+s20+$0x0] =	vst.idx.msk $0xffff, v25  }
0x1f5: {  	v22 =	vadd.s32 v22, v26;
	v57 =	vor.u32 v0, v56;
	v23 =	vld.idx.msk [tilespmem:v23+s16+$0x0], $0xffff  }
0x1f6: {  	v22 =	vadd.s32 v2, v22;
	_ =	sdelay $0x3  }
0x1f7: {  	[tilespmem:v57+s20+$0x0] =	vst.idx.msk $0xffff, v23  }
0x1f8: {  	v21 =	vadd.s32 v21, v26;
	v58 =	vor.u32 v3, v56;
	v22 =	vld.idx.msk [tilespmem:v22+s16+$0x0], $0xffff  }
0x1f9: {  	v21 =	vadd.s32 v4, v21;
	_ =	sdelay $0x3  }
0x1fa: {  	[tilespmem:v58+s20+$0x0] =	vst.idx.msk $0xffff, v22  }
0x1fb: {  	v19 =	vadd.s32 v19, v26;
	v59 =	vor.u32 v5, v56;
	v21 =	vld.idx.msk [tilespmem:v21+s16+$0x0], $0xffff  }
0x1fc: {  	v19 =	vadd.s32 v6, v19;
	_ =	sdelay $0x3  }
0x1fd: {  	[tilespmem:v59+s20+$0x0] =	vst.idx.msk $0xffff, v21  }
0x1fe: {  	v20 =	vadd.s32 v20, v26;
	v60 =	vor.u32 v7, v56;
	v19 =	vld.idx.msk [tilespmem:v19+s16+$0x0], $0xffff  }
0x1ff: {  	v20 =	vadd.s32 v8, v20;
	_ =	sdelay $0x3  }
0x200: {  	[tilespmem:v60+s20+$0x0] =	vst.idx.msk $0xffff, v19  }
0x201: {  	v18 =	vadd.s32 v18, v26;
	v61 =	vor.u32 v9, v56;
	v19 =	vld.idx.msk [tilespmem:v20+s16+$0x0], $0xffff  }
0x202: {  	v18 =	vadd.s32 v10, v18;
	_ =	sdelay $0x3  }
0x203: {  	[tilespmem:v61+s20+$0x0] =	vst.idx.msk $0xffff, v19  }
0x204: {  	v17 =	vadd.s32 v17, v26;
	v62 =	vor.u32 v11, v56;
	v18 =	vld.idx.msk [tilespmem:v18+s16+$0x0], $0xffff  }
0x205: {  	v17 =	vadd.s32 v12, v17;
	_ =	sdelay $0x3  }
0x206: {  	[tilespmem:v62+s20+$0x0] =	vst.idx.msk $0xffff, v18  }
0x207: {  	v16 =	vadd.s32 v16, v26;
	v63 =	vor.u32 v13, v56;
	v17 =	vld.idx.msk [tilespmem:v17+s16+$0x0], $0xffff  }
0x208: {  	v16 =	vadd.s32 v14, v16;
	_ =	sdelay $0x3  }
0x209: {  	[tilespmem:v63+s20+$0x0] =	vst.idx.msk $0xffff, v17  }
0x20a: {  	s13 =	sadd.s32 $0x1, s13;
	v17 =	vor.u32 v15, v56;
	v16 =	vld.idx.msk [tilespmem:v16+s16+$0x0], $0xffff  }
0x20b: {  	s12 =	sadd.s32 s14, s15;
	p0 =	sne.s32 s13, $0x1A  }
.Ltmp4:
0x20c: {  	s15 =	sshll.u32 s12, $0x7;
	(pc) =	sbr.rel @p0 .LBB2_2-.Ltmp4, $4  }
0x20d: {  	s12 =	sshll.u32 s12, $0x9;
	s15 =	sand.u32 $0x3F80, s15  }
0x20e: {  	s12 =	sand.u32 $0xFFF0000, s12;
	s15 =	sadd.s32 s2, s15  }
0x20f: {  	s12 =	sadd.s32 s12, s15;
	[tilespmem:v17+s20+$0x0] =	vst.idx.msk $0xffff, v16  }
0x210: {  	[hbm4b:s12+s22] =	stream.strided.scatter [tilespmem:s20], [sflag:$0xA], $0x1000, s0, s22, $0x38;
	[tilespmem:$0x12400] =	vst v63  }
0x211: {  	_ =	swait.ge [sflag:s8], $0x1000  }
0x212: {  	[sflag:s8] =	ssyncset.done $0x0  }
0x213: {  	[sflag:s8] =	ssyncadd.s32 $0xFFFFF000  }
0x214: {  	_ =	swait.ge [sflag:s10], $0x1000  }
0x215: {  	s13 =	rddreg [dreg:$0xa]  }
0x216: {  	s12 =	rddreg [dreg:$0x9];
	s13 =	sadd.s32 $0x1, s13  }
0x217: {  	p0 =	sne.s32 s13, s12  }
.Ltmp5:
0x218: {  	_ = 	snop;
	(pc) =	sbr.rel @p0 .LBB2_1-.Ltmp5, $3  }
0x219: {  	_ =	sdelay $0x1  }
0x21a: {  	[sflag:s10] =	ssyncset.done $0x0  }
0x21b: {  	[sflag:s10] =	ssyncadd.s32 $0xFFFFF000  }
0x21c: {  	_ =	sfence.sel $0x180000  }
0x21d: {  	[bflag:$0x0] =	sbarrier.arrive $0xFFFF  }
0x21e: {  	_ =	strace $0x9000004A  }
0x21f: {  	s0 =	stileid.u32;
	[bflag:$0x2] =	sbarrier.arrive $0xFFFF  }
0x220: {  	p0 =	sne.s32 s0, $0x0;
	s0 =	rddreg [dreg:$0x2]  }
0x221: {  	s0 =	sadd.s32 @!p0 $0x100000, s0  }
0x222: {  	[sflag:s0] =	ssyncadd.tile.s32 @!p0 $0x1;
	_ =	shalt  }
.Lfunc_end2:
_tile_overlayer_lowered:
.L_overlay_start_2:
0x223: {  	(tag) =	ssettag $0x2  }
0x224: {  	s0 =	rddreg [dreg:$0x0];
	s2 =	stileid.u32  }
0x225: {  	s1 =	rddreg [dreg:$0x1];
	p0 =	sne.s32 s2, $0x0  }
0x226: {  	s3 =	rddreg [dreg:$0x2];
	[bflag:$0x3] =	sbarrier.arrive $0xFFFF;
	s2 =	simm.s32 @!p0 $0x1C0B  }
0x227: {  	[timem:s3], [sflag:s2] =	dma.local @!p0 [hbm:s0], s1  }
0x228: {  	s0 =	simm.s32 @!p0 $0xB  }
0x229: {  	_ =	swait.ge @!p0 [sflag:s0], s1  }
0x22a: {  	s1 =	ssub.s32 @!p0 $0x0, s1;
	[sflag:s0] =	ssyncset.done @!p0 $0x0  }
0x22b: {  	[sflag:s0] =	ssyncadd.s32 @!p0 s1  }
0x22c: {  	[bflag:$0x3] =	sbarrier.arrive $0xFFFF  }
0x22d: {  	_ =	shalt  }

</sc_bundles>
